<compile_context>
chip_gen: v7x
topology: tpu7x:2x2x1
jax: 0.10.2.dev20260603
libtpu: 0.0.44.dev20260713+nightly
codegen_flags: <defaults>
</compile_context>

<pallas_src>
import jax
import jax.numpy as jnp
from jax import lax
from jax.experimental import pallas as pl
from jax.experimental.pallas import tpu as pltpu
from jax.experimental.pallas import tpu_sc as plsc

D = 768
H = 1024
E = 8
T = 2048
CAP = 512
NSLOT = E * CAP
NC, NS = 2, 16
NW = NC * NS
NPLANE = NSLOT + CAP
NBIG = 4 * NPLANE
XOFF = 3 * NPLANE
TPS = T // NS
CHUNK = 64
SPS = NSLOT // NS
BLK = 128


def _router_body(x_ref, wr_ref, br_ref, coef_ref, idx_ref):
    x = x_ref[0]
    logits = jnp.dot(x, wr_ref[...], preferred_element_type=jnp.float32)
    logits = logits + br_ref[...]
    eidx = lax.broadcasted_iota(jnp.int32, (T, E), 1)

    m1 = jnp.max(logits, axis=1, keepdims=True)
    a1 = jnp.min(jnp.where(logits == m1, eidx, E), axis=1, keepdims=True)
    oh0 = eidx == a1
    masked = jnp.where(oh0, -jnp.inf, logits)
    m2 = jnp.max(masked, axis=1, keepdims=True)
    a2 = jnp.min(jnp.where(masked == m2, eidx, E), axis=1, keepdims=True)
    oh1 = eidx == a2

    dexp = jnp.exp(m2 - m1)
    s0 = 1.0 / (1.0 + dexp)
    s1 = dexp / (1.0 + dexp)

    oh0f = oh0.astype(jnp.float32)
    oh1f = oh1.astype(jnp.float32)
    both = jnp.concatenate([oh0f, oh0f + oh1f], axis=1)
    r = lax.broadcasted_iota(jnp.int32, (BLK, BLK), 0)
    c = lax.broadcasted_iota(jnp.int32, (BLK, BLK), 1)
    tri = (c <= r).astype(jnp.float32)
    wcs = [jnp.dot(tri, both[b * BLK:(b + 1) * BLK, :],
                   preferred_element_type=jnp.float32)
           for b in range(T // BLK)]
    tots = jnp.concatenate([w[BLK - 1:BLK, :] for w in wcs], axis=0)
    nb = T // BLK
    rb = lax.broadcasted_iota(jnp.int32, (nb, nb), 0)
    cb = lax.broadcasted_iota(jnp.int32, (nb, nb), 1)
    trib = (cb < rb).astype(jnp.float32)
    offs = jnp.dot(trib, tots, preferred_element_type=jnp.float32)
    csum = jnp.concatenate(
        [wcs[b] + offs[b:b + 1, :] for b in range(nb)], axis=0)

    pos0 = jnp.sum(oh0f * csum[:, :E], axis=1, keepdims=True)
    pos1 = jnp.sum(oh1f * csum[:, E:], axis=1, keepdims=True)
    keep0 = pos0 < CAP
    keep1 = pos1 < CAP

    coef_ref[...] = jnp.concatenate(
        [jnp.broadcast_to(s0, (T, 16)), jnp.broadcast_to(s1, (T, 16))],
        axis=1)

    pos0i = pos0.astype(jnp.int32)
    pos1i = pos1.astype(jnp.int32)
    slot0 = a1 * CAP + pos0i
    slot1 = a2 * CAP + pos1i
    tidx = lax.broadcasted_iota(jnp.int32, (T, 1), 0)
    trash = NSLOT + jnp.right_shift(tidx, 7)
    dst0 = jnp.where(keep0, slot0, trash)
    dst1 = jnp.where(keep1, slot1, trash) + NPLANE
    xrow = XOFF + tidx
    src0 = jnp.where(keep0, slot0, xrow)
    src1 = jnp.where(keep1, slot1, xrow)
    zi = jnp.zeros((T, 1), jnp.int32)
    idx_ref[...] = jnp.concatenate(
        [dst0, dst1, src0, src1, pos0i, pos1i, zi, zi], axis=1)


def _router(x3, Wr, br2d):
    return pl.pallas_call(
        _router_body,
        out_shape=(
            jax.ShapeDtypeStruct((T, 32), jnp.float32),
            jax.ShapeDtypeStruct((T, 8), jnp.int32),
        ),
    )(x3, Wr, br2d)


def _dispatch_body(x_hbm, dst_hbm, big, vmap,
                   rows_a, rows_b, idx_a, idx_b, zv, ones_v, sem, sem_in):
    cid = lax.axis_index("c")
    sid = lax.axis_index("s")
    tb = sid * TPS
    ld = [pltpu.async_copy(dst_hbm.at[cid, pl.ds(tb, CHUNK)], idx_a, sem_in),
          pltpu.async_copy(dst_hbm.at[cid, pl.ds(tb + CHUNK, CHUNK)], idx_b,
                           sem_in),
          pltpu.async_copy(x_hbm.at[pl.ds(tb, CHUNK)], rows_a, sem_in),
          pltpu.async_copy(x_hbm.at[pl.ds(tb + CHUNK, CHUNK)], rows_b,
                           sem_in)]
    def _fill(i, _):
        for j in range(128 // 16):
            zv[i, pl.ds(16 * j, 16)] = jnp.zeros((16,), jnp.float32)
            ones_v[i, pl.ds(16 * j, 16)] = jnp.ones((16,), jnp.float32)
        return 0
    lax.fori_loop(0, CHUNK, _fill, 0)
    zcps = [pltpu.async_copy(
        zv, vmap.at[pl.ds(cid * NPLANE + sid * SPS + j * CHUNK, CHUNK)], sem)
        for j in range(SPS // CHUNK)]
    for cp in zcps:
        cp.wait()
    plsc.subcore_barrier()
    for cp in ld:
        cp.wait()
    cps = [pltpu.async_copy(rows_a, big.at[idx_a], sem),
           pltpu.async_copy(ones_v, vmap.at[idx_a], sem),
           pltpu.async_copy(rows_b, big.at[idx_b], sem),
           pltpu.async_copy(ones_v, vmap.at[idx_b], sem)]
    @pl.when(cid == 0)
    def _xcopy():
        cpx0 = pltpu.async_copy(rows_a, big.at[pl.ds(XOFF + tb, CHUNK)], sem)
        cpx1 = pltpu.async_copy(rows_b,
                                big.at[pl.ds(XOFF + tb + CHUNK, CHUNK)], sem)
        cpx0.wait()
        cpx1.wait()
    for cp in cps:
        cp.wait()


def _dispatch(x_flat, dsts):
    mesh = plsc.VectorSubcoreMesh(core_axis_name="c", subcore_axis_name="s")
    return pl.kernel(
        _dispatch_body,
        out_type=(
            jax.ShapeDtypeStruct((NBIG, D), jnp.float32),
            jax.ShapeDtypeStruct((2 * NPLANE, 128), jnp.float32),
        ),
        mesh=mesh,
        scratch_types=[
            pltpu.VMEM((CHUNK, D), jnp.float32),
            pltpu.VMEM((CHUNK, D), jnp.float32),
            pltpu.VMEM((CHUNK,), jnp.int32),
            pltpu.VMEM((CHUNK,), jnp.int32),
            pltpu.VMEM((CHUNK, 128), jnp.float32),
            pltpu.VMEM((CHUNK, 128), jnp.float32),
            pltpu.SemaphoreType.DMA,
            pltpu.SemaphoreType.DMA,
        ],
    )(x_flat, dsts)


def _ff_body(big_ref, map_ref, w1_ref, w2_ref, w3_ref, out_ref):
    ma = map_ref[0][:, 0:1] > 0.0
    mb = map_ref[1][:, 0:1] > 0.0
    xg = (jnp.where(ma, big_ref[0], 0.0)
          + jnp.where(mb, big_ref[1], 0.0)).astype(jnp.bfloat16)
    h = (jnp.dot(xg, w2_ref[0].astype(jnp.bfloat16),
                 preferred_element_type=jnp.float32)
         * jnp.dot(xg, w1_ref[0].astype(jnp.bfloat16),
                   preferred_element_type=jnp.float32))
    h = jax.nn.gelu(h)
    out_ref[0] = jnp.dot(h.astype(jnp.bfloat16),
                         w3_ref[0].astype(jnp.bfloat16),
                         preferred_element_type=jnp.float32)


def _ff(big4, vmap3, w1, w2, w3):
    return pl.pallas_call(
        _ff_body,
        grid=(E,),
        in_specs=[
            pl.BlockSpec((2, CAP, D), lambda e: (0, e, 0)),
            pl.BlockSpec((2, CAP, 128), lambda e: (0, e, 0)),
            pl.BlockSpec((1, D, H), lambda e: (e, 0, 0)),
            pl.BlockSpec((1, D, H), lambda e: (e, 0, 0)),
            pl.BlockSpec((1, H, D), lambda e: (e, 0, 0)),
        ],
        out_specs=pl.BlockSpec((1, CAP, D), lambda e: (0, e, 0)),
        out_shape=jax.ShapeDtypeStruct((4, NPLANE, D), jnp.float32),
        input_output_aliases={0: 0},
    )(big4, vmap3, w1, w2, w3)


def _combine_body(big_hbm, src_hbm, coef_hbm, out_hbm,
                  idx_a, idx_b, rows_a, rows_b, coef_v, sem_a, sem_b):
    wid = lax.axis_index("s") * NC + lax.axis_index("c")
    base = wid * CHUNK
    pltpu.sync_copy(src_hbm.at[wid, pl.ds(0, CHUNK)], idx_a)
    pltpu.sync_copy(src_hbm.at[wid, pl.ds(CHUNK, CHUNK)], idx_b)
    cp_a = pltpu.async_copy(big_hbm.at[idx_a], rows_a, sem_a)
    cp_b = pltpu.async_copy(big_hbm.at[idx_b], rows_b, sem_b)
    pltpu.sync_copy(coef_hbm.at[pl.ds(base, CHUNK)], coef_v)
    cp_a.wait()
    cp_b.wait()

    def _tok(i, _):
        s0 = coef_v[i, pl.ds(0, 16)]
        s1 = coef_v[i, pl.ds(16, 16)]
        for j in range(D // 16):
            ga = rows_a[i, pl.ds(16 * j, 16)]
            gb = rows_b[i, pl.ds(16 * j, 16)]
            rows_a[i, pl.ds(16 * j, 16)] = s0 * ga + s1 * gb
        return 0
    lax.fori_loop(0, CHUNK, _tok, 0)
    pltpu.sync_copy(rows_a, out_hbm.at[pl.ds(base, CHUNK)])


def _combine(big_flat, srcs2, coef):
    mesh = plsc.VectorSubcoreMesh(core_axis_name="c", subcore_axis_name="s")
    return pl.kernel(
        _combine_body,
        out_type=jax.ShapeDtypeStruct((T, D), jnp.float32),
        mesh=mesh,
        scratch_types=[
            pltpu.VMEM((CHUNK,), jnp.int32),
            pltpu.VMEM((CHUNK,), jnp.int32),
            pltpu.VMEM((CHUNK, D), jnp.float32),
            pltpu.VMEM((CHUNK, D), jnp.float32),
            pltpu.VMEM((CHUNK, 32), jnp.float32),
            pltpu.SemaphoreType.DMA,
            pltpu.SemaphoreType.DMA,
        ],
    )(big_flat, srcs2, coef)


def kernel(x, Wr, br, w1, w2, w3):
    x_flat = x.reshape(T, D)
    coef, idx = _router(x, Wr, br.reshape(1, E))
    dsts = idx[:, 0:2].T.copy()
    src0 = idx[:, 2].reshape(NW, CHUNK)
    src1 = idx[:, 3].reshape(NW, CHUNK)
    srcs2 = jnp.concatenate([src0, src1], axis=1)
    big, vmap = _dispatch(x_flat, dsts)
    big = _ff(big.reshape(4, NPLANE, D), vmap.reshape(2, NPLANE, 128),
              w1, w2, w3)
    out = _combine(big.reshape(NBIG, D), srcs2, coef)
    return out.reshape(1, T, D)

# --- scband reference (transcript-rebuilt; emitter-appended) ---
"""Pipeline reference for scband-mo-eblock-49331994362544 (READ-ONLY COPY).

The authoritative reference and input builder live on the scoring server;
editing this copy changes nothing except your own understanding.
"""

import jax, jax.numpy as jnp
import numpy as np
import math

EMD_DIM = 768
HIDDEN_DIM = 1024
NUM_EXPERTS = 8
TOP_K = 2
EXPERT_CAPACITY = 0.25
B, T_SEQ = 1, 2048


def setup_inputs(seed: int = 0) -> dict:
    key = jax.random.key(seed)
    ks = jax.random.split(key, 6)
    x = jax.random.normal(ks[0], (B, T_SEQ, EMD_DIM), dtype=jnp.float32)
    Wr = jax.random.normal(ks[1], (EMD_DIM, NUM_EXPERTS), dtype=jnp.float32)
    br = jax.random.normal(ks[2], (NUM_EXPERTS,), dtype=jnp.float32)
    w1 = jax.random.normal(ks[3], (NUM_EXPERTS, EMD_DIM, HIDDEN_DIM), dtype=jnp.float32) * (1.0 / math.sqrt(EMD_DIM))
    w2 = jax.random.normal(ks[4], (NUM_EXPERTS, EMD_DIM, HIDDEN_DIM), dtype=jnp.float32) * (1.0 / math.sqrt(EMD_DIM))
    w3 = jax.random.normal(ks[5], (NUM_EXPERTS, HIDDEN_DIM, EMD_DIM), dtype=jnp.float32) * (1.0 / math.sqrt(HIDDEN_DIM))
    return {"x": x, "Wr": Wr, "br": br, "w1": w1, "w2": w2, "w3": w3}


def _moe_forward(x, Wr, br, w1, w2, w3):
    b, t, D = x.shape
    Tt = b * t
    E = NUM_EXPERTS
    k = TOP_K
    cap = math.floor(Tt * EXPERT_CAPACITY)
    x_flat = x.reshape(Tt, D)
    # router (always runs in float32, with bias)
    logits = jnp.einsum('io,ti->to', Wr, x_flat.astype(jnp.float32)) + br
    scores, assignment = jax.lax.top_k(logits, k)
    scores = jax.nn.softmax(scores, axis=-1).astype(x_flat.dtype)
    # token -> expert slot assignment (capacity-limited)
    oh = jax.nn.one_hot(assignment, E)                                    # [T, k, E]
    pos = jnp.cumsum(jnp.cumsum(oh, axis=0), axis=1).astype(jnp.int32)    # [T, k, E]
    mask = oh * jnp.less(pos, cap)                                        # [T, k, E]
    tok_mask = jnp.sum(mask, axis=-1)                                     # [T, k]
    choices = jax.nn.one_hot(pos, cap) * mask[..., None]                  # [T, k, E, cap]
    choices = jnp.sum(choices, axis=1)                                    # [T, E, cap]
    choices = choices.transpose(1, 2, 0).astype(jnp.int32)                # [E, cap, T]
    ea = jnp.einsum('tke,e->tk', mask, jnp.arange(E, dtype=mask.dtype))
    psel = jnp.einsum('tke,tke->tk', mask, pos.astype(mask.dtype))
    epa = jnp.stack([ea, psel], axis=-1).astype(jnp.int32)                # [T, k, 2]
    scores_r = scores.reshape(b, t, k)
    epa_r = epa.reshape(b, t, k, 2)
    tok_mask_r = tok_mask.reshape(b, t, k)
    # dispatch tokens to expert buffers
    grouped = jnp.einsum('ect,td->ecd', choices.astype(x_flat.dtype), x_flat)  # [E, cap, D]
    # per-expert gated FF (DenseFF with gelu, no bias)
    def expert_fn(xg, W1, W2, W3):
        h = jnp.einsum('cd,dh->ch', xg, W2) * jnp.einsum('cd,dh->ch', xg, W1)
        h = jax.nn.gelu(h)
        return jnp.einsum('ch,hd->cd', h, W3)
    outs = jax.vmap(expert_fn)(grouped, w1, w2, w3)                       # [E, cap, D]
    # gather expert outputs back to token positions
    gathered = outs[epa_r[..., 0], epa_r[..., 1], :]                      # [b, t, k, D]
    gathered = jnp.where(tok_mask_r[..., None].astype(bool), gathered, x[..., None, :])
    return jnp.einsum('btkd,btk->btd', gathered, scores_r)


def reference(x, Wr, br, w1, w2, w3):
    return _moe_forward(x, Wr, br, w1, w2, w3)

if __name__ == "__main__":
    import jax
    _d = setup_inputs()
    print(jax.jit(kernel)(*tuple(_d.values())))

</pallas_src>

<mosaic_0001>
#map = affine_map<(d0, d1) -> (0, 0)>
module attributes {stable_mosaic.version = 14 : i64} {
  func.func @_dispatch_body(%arg0: i32, %arg1: i32, %arg2: memref<2048x768xf32, #tpu.memory_space<hbm>>, %arg3: memref<2x2048xi32, #tpu.memory_space<hbm>>, %arg4: memref<18432x768xf32, #tpu.memory_space<hbm>>, %arg5: memref<9216x128xf32, #tpu.memory_space<hbm>>, %arg6: memref<64x768xf32, #tpu.memory_space<vmem>>, %arg7: memref<64x768xf32, #tpu.memory_space<vmem>>, %arg8: memref<64xi32, #tpu.memory_space<vmem>>, %arg9: memref<64xi32, #tpu.memory_space<vmem>>, %arg10: memref<64x128xf32, #tpu.memory_space<vmem>>, %arg11: memref<64x128xf32, #tpu.memory_space<vmem>>, %arg12: memref<!tpu.dma_semaphore, #tpu.memory_space<semaphore_mem>>, %arg13: memref<!tpu.dma_semaphore, #tpu.memory_space<semaphore_mem>>) attributes {dimension_semantics = [#tpu.dimension_semantics<core_parallel>, #tpu.dimension_semantics<subcore_parallel>], iteration_bounds = array<i64: 2, 16>, scalar_prefetch = 0 : i64, scratch_operands = 8 : i64, tpu.core_type = #tpu.core_type<sc_vector_subcore>, window_params = [{transform_indices = #map}, {transform_indices = #map}, {transform_indices = #map}, {transform_indices = #map}]} {
    %mul3A = arith.constant 128 : i32
    %mul3A_0 = arith.muli %arg1, %mul3A : i32
    %dma_start3A = tpu.memref_slice %arg3[%arg0, %mul3A_0] : memref<2x2048xi32, #tpu.memory_space<hbm>> -> memref<1x64xi32, #tpu.memory_space<hbm>>
    %dma_start3A_1 = tpu.memref_squeeze %dma_start3A : memref<1x64xi32, #tpu.memory_space<hbm>> -> memref<64xi32, #tpu.memory_space<hbm>>
    %dma_start3A_2 = tpu.memref_slice %arg3[%arg0, %mul3A_0] : memref<2x2048xi32, #tpu.memory_space<hbm>> -> memref<1x64xi32, #tpu.memory_space<hbm>>
    %dma_start3A_3 = tpu.memref_squeeze %dma_start3A_2 : memref<1x64xi32, #tpu.memory_space<hbm>> -> memref<64xi32, #tpu.memory_space<hbm>>
    tpu.enqueue_dma source(%dma_start3A_3 : memref<64xi32, #tpu.memory_space<hbm>>) target(%arg8 : memref<64xi32, #tpu.memory_space<vmem>>) target_semaphore(%arg13 : memref<!tpu.dma_semaphore, #tpu.memory_space<semaphore_mem>>)
    %add3A = arith.constant 64 : i32
    %add3A_4 = arith.addi %mul3A_0, %add3A : i32
    %dma_start3A_5 = tpu.memref_slice %arg3[%arg0, %add3A_4] : memref<2x2048xi32, #tpu.memory_space<hbm>> -> memref<1x64xi32, #tpu.memory_space<hbm>>
    %dma_start3A_6 = tpu.memref_squeeze %dma_start3A_5 : memref<1x64xi32, #tpu.memory_space<hbm>> -> memref<64xi32, #tpu.memory_space<hbm>>
    %dma_start3A_7 = tpu.memref_slice %arg3[%arg0, %add3A_4] : memref<2x2048xi32, #tpu.memory_space<hbm>> -> memref<1x64xi32, #tpu.memory_space<hbm>>
    %dma_start3A_8 = tpu.memref_squeeze %dma_start3A_7 : memref<1x64xi32, #tpu.memory_space<hbm>> -> memref<64xi32, #tpu.memory_space<hbm>>
    tpu.enqueue_dma source(%dma_start3A_8 : memref<64xi32, #tpu.memory_space<hbm>>) target(%arg9 : memref<64xi32, #tpu.memory_space<vmem>>) target_semaphore(%arg13 : memref<!tpu.dma_semaphore, #tpu.memory_space<semaphore_mem>>)
    %dma_start3A_9 = arith.constant 0 : i32
    %dma_start3A_10 = tpu.memref_slice %arg2[%mul3A_0, %dma_start3A_9] : memref<2048x768xf32, #tpu.memory_space<hbm>> -> memref<64x768xf32, #tpu.memory_space<hbm>>
    %dma_start3A_11 = arith.constant 0 : i32
    %dma_start3A_12 = tpu.memref_slice %arg2[%mul3A_0, %dma_start3A_11] : memref<2048x768xf32, #tpu.memory_space<hbm>> -> memref<64x768xf32, #tpu.memory_space<hbm>>
    tpu.enqueue_dma source(%dma_start3A_12 : memref<64x768xf32, #tpu.memory_space<hbm>>) target(%arg6 : memref<64x768xf32, #tpu.memory_space<vmem>>) target_semaphore(%arg13 : memref<!tpu.dma_semaphore, #tpu.memory_space<semaphore_mem>>)
    %add3A_13 = arith.constant 64 : i32
    %add3A_14 = arith.addi %mul3A_0, %add3A_13 : i32
    %dma_start3A_15 = arith.constant 0 : i32
    %dma_start3A_16 = tpu.memref_slice %arg2[%add3A_14, %dma_start3A_15] : memref<2048x768xf32, #tpu.memory_space<hbm>> -> memref<64x768xf32, #tpu.memory_space<hbm>>
    %dma_start3A_17 = arith.constant 0 : i32
    %dma_start3A_18 = tpu.memref_slice %arg2[%add3A_14, %dma_start3A_17] : memref<2048x768xf32, #tpu.memory_space<hbm>> -> memref<64x768xf32, #tpu.memory_space<hbm>>
    tpu.enqueue_dma source(%dma_start3A_18 : memref<64x768xf32, #tpu.memory_space<hbm>>) target(%arg7 : memref<64x768xf32, #tpu.memory_space<vmem>>) target_semaphore(%arg13 : memref<!tpu.dma_semaphore, #tpu.memory_space<semaphore_mem>>)
    %scan3A = arith.constant 0 : i32
    %scan3A_19 = arith.constant 0 : i32
    %scan3A_20 = arith.constant 64 : i32
    %scan3A_21 = arith.addi %scan3A_19, %scan3A_20 : i32
    %scan3A_22 = arith.constant 1 : i32
    %scan3A_23 = scf.for %scan3A_126 = %scan3A_19 to %scan3A_21 step %scan3A_22 iter_args(%scan3A_127 = %scan3A) -> (i32)  : i32 {
      %broadcast_in_dim3A = arith.constant 0.000000e+00 : f32
      %broadcast_in_dim3A_128 = vector.broadcast %broadcast_in_dim3A : f32 to vector<16xf32>
      %swap3A = arith.index_cast %scan3A_126 : i32 to index
      %swap3A_129 = arith.constant 0 : index
      %swap3A_130 = tpu.vector_load %arg10[%swap3A, %swap3A_129] {strides = array<i32>} : memref<64x128xf32, #tpu.memory_space<vmem>>, vector<1x16xf32>,
      %swap3A_131 = vector.shape_cast %swap3A_130 : vector<1x16xf32> to vector<16xf32>
      %swap3A_132 = vector.shape_cast %broadcast_in_dim3A_128 : vector<16xf32> to vector<1x16xf32>
      tpu.vector_store %arg10[%swap3A, %swap3A_129], %swap3A_132 {strides = array<i32>} : memref<64x128xf32, #tpu.memory_space<vmem>>, vector<1x16xf32>,
      %broadcast_in_dim3A_133 = arith.constant 1.000000e+00 : f32
      %broadcast_in_dim3A_134 = vector.broadcast %broadcast_in_dim3A_133 : f32 to vector<16xf32>
      %swap3A_135 = arith.index_cast %scan3A_126 : i32 to index
      %swap3A_136 = arith.constant 0 : index
      %swap3A_137 = tpu.vector_load %arg11[%swap3A_135, %swap3A_136] {strides = array<i32>} : memref<64x128xf32, #tpu.memory_space<vmem>>, vector<1x16xf32>,
      %swap3A_138 = vector.shape_cast %swap3A_137 : vector<1x16xf32> to vector<16xf32>
      %swap3A_139 = vector.shape_cast %broadcast_in_dim3A_134 : vector<16xf32> to vector<1x16xf32>
      tpu.vector_store %arg11[%swap3A_135, %swap3A_136], %swap3A_139 {strides = array<i32>} : memref<64x128xf32, #tpu.memory_space<vmem>>, vector<1x16xf32>,
      %broadcast_in_dim3A_140 = arith.constant 0.000000e+00 : f32
      %broadcast_in_dim3A_141 = vector.broadcast %broadcast_in_dim3A_140 : f32 to vector<16xf32>
      %swap3A_142 = arith.index_cast %scan3A_126 : i32 to index
      %swap3A_143 = arith.constant 16 : index
      %swap3A_144 = tpu.vector_load %arg10[%swap3A_142, %swap3A_143] {strides = array<i32>} : memref<64x128xf32, #tpu.memory_space<vmem>>, vector<1x16xf32>,
      %swap3A_145 = vector.shape_cast %swap3A_144 : vector<1x16xf32> to vector<16xf32>
      %swap3A_146 = vector.shape_cast %broadcast_in_dim3A_141 : vector<16xf32> to vector<1x16xf32>
      tpu.vector_store %arg10[%swap3A_142, %swap3A_143], %swap3A_146 {strides = array<i32>} : memref<64x128xf32, #tpu.memory_space<vmem>>, vector<1x16xf32>,
      %broadcast_in_dim3A_147 = arith.constant 1.000000e+00 : f32
      %broadcast_in_dim3A_148 = vector.broadcast %broadcast_in_dim3A_147 : f32 to vector<16xf32>
      %swap3A_149 = arith.index_cast %scan3A_126 : i32 to index
      %swap3A_150 = arith.constant 16 : index
      %swap3A_151 = tpu.vector_load %arg11[%swap3A_149, %swap3A_150] {strides = array<i32>} : memref<64x128xf32, #tpu.memory_space<vmem>>, vector<1x16xf32>,
      %swap3A_152 = vector.shape_cast %swap3A_151 : vector<1x16xf32> to vector<16xf32>
      %swap3A_153 = vector.shape_cast %broadcast_in_dim3A_148 : vector<16xf32> to vector<1x16xf32>
      tpu.vector_store %arg11[%swap3A_149, %swap3A_150], %swap3A_153 {strides = array<i32>} : memref<64x128xf32, #tpu.memory_space<vmem>>, vector<1x16xf32>,
      %broadcast_in_dim3A_154 = arith.constant 0.000000e+00 : f32
      %broadcast_in_dim3A_155 = vector.broadcast %broadcast_in_dim3A_154 : f32 to vector<16xf32>
      %swap3A_156 = arith.index_cast %scan3A_126 : i32 to index
      %swap3A_157 = arith.constant 32 : index
      %swap3A_158 = tpu.vector_load %arg10[%swap3A_156, %swap3A_157] {strides = array<i32>} : memref<64x128xf32, #tpu.memory_space<vmem>>, vector<1x16xf32>,
      %swap3A_159 = vector.shape_cast %swap3A_158 : vector<1x16xf32> to vector<16xf32>
      %swap3A_160 = vector.shape_cast %broadcast_in_dim3A_155 : vector<16xf32> to vector<1x16xf32>
      tpu.vector_store %arg10[%swap3A_156, %swap3A_157], %swap3A_160 {strides = array<i32>} : memref<64x128xf32, #tpu.memory_space<vmem>>, vector<1x16xf32>,
      %broadcast_in_dim3A_161 = arith.constant 1.000000e+00 : f32
      %broadcast_in_dim3A_162 = vector.broadcast %broadcast_in_dim3A_161 : f32 to vector<16xf32>
      %swap3A_163 = arith.index_cast %scan3A_126 : i32 to index
      %swap3A_164 = arith.constant 32 : index
      %swap3A_165 = tpu.vector_load %arg11[%swap3A_163, %swap3A_164] {strides = array<i32>} : memref<64x128xf32, #tpu.memory_space<vmem>>, vector<1x16xf32>,
      %swap3A_166 = vector.shape_cast %swap3A_165 : vector<1x16xf32> to vector<16xf32>
      %swap3A_167 = vector.shape_cast %broadcast_in_dim3A_162 : vector<16xf32> to vector<1x16xf32>
      tpu.vector_store %arg11[%swap3A_163, %swap3A_164], %swap3A_167 {strides = array<i32>} : memref<64x128xf32, #tpu.memory_space<vmem>>, vector<1x16xf32>,
      %broadcast_in_dim3A_168 = arith.constant 0.000000e+00 : f32
      %broadcast_in_dim3A_169 = vector.broadcast %broadcast_in_dim3A_168 : f32 to vector<16xf32>
      %swap3A_170 = arith.index_cast %scan3A_126 : i32 to index
      %swap3A_171 = arith.constant 48 : index
      %swap3A_172 = tpu.vector_load %arg10[%swap3A_170, %swap3A_171] {strides = array<i32>} : memref<64x128xf32, #tpu.memory_space<vmem>>, vector<1x16xf32>,
      %swap3A_173 = vector.shape_cast %swap3A_172 : vector<1x16xf32> to vector<16xf32>
      %swap3A_174 = vector.shape_cast %broadcast_in_dim3A_169 : vector<16xf32> to vector<1x16xf32>
      tpu.vector_store %arg10[%swap3A_170, %swap3A_171], %swap3A_174 {strides = array<i32>} : memref<64x128xf32, #tpu.memory_space<vmem>>, vector<1x16xf32>,
      %broadcast_in_dim3A_175 = arith.constant 1.000000e+00 : f32
      %broadcast_in_dim3A_176 = vector.broadcast %broadcast_in_dim3A_175 : f32 to vector<16xf32>
      %swap3A_177 = arith.index_cast %scan3A_126 : i32 to index
      %swap3A_178 = arith.constant 48 : index
      %swap3A_179 = tpu.vector_load %arg11[%swap3A_177, %swap3A_178] {strides = array<i32>} : memref<64x128xf32, #tpu.memory_space<vmem>>, vector<1x16xf32>,
      %swap3A_180 = vector.shape_cast %swap3A_179 : vector<1x16xf32> to vector<16xf32>
      %swap3A_181 = vector.shape_cast %broadcast_in_dim3A_176 : vector<16xf32> to vector<1x16xf32>
      tpu.vector_store %arg11[%swap3A_177, %swap3A_178], %swap3A_181 {strides = array<i32>} : memref<64x128xf32, #tpu.memory_space<vmem>>, vector<1x16xf32>,
      %broadcast_in_dim3A_182 = arith.constant 0.000000e+00 : f32
      %broadcast_in_dim3A_183 = vector.broadcast %broadcast_in_dim3A_182 : f32 to vector<16xf32>
      %swap3A_184 = arith.index_cast %scan3A_126 : i32 to index
      %swap3A_185 = arith.constant 64 : index
      %swap3A_186 = tpu.vector_load %arg10[%swap3A_184, %swap3A_185] {strides = array<i32>} : memref<64x128xf32, #tpu.memory_space<vmem>>, vector<1x16xf32>,
      %swap3A_187 = vector.shape_cast %swap3A_186 : vector<1x16xf32> to vector<16xf32>
      %swap3A_188 = vector.shape_cast %broadcast_in_dim3A_183 : vector<16xf32> to vector<1x16xf32>
      tpu.vector_store %arg10[%swap3A_184, %swap3A_185], %swap3A_188 {strides = array<i32>} : memref<64x128xf32, #tpu.memory_space<vmem>>, vector<1x16xf32>,
      %broadcast_in_dim3A_189 = arith.constant 1.000000e+00 : f32
      %broadcast_in_dim3A_190 = vector.broadcast %broadcast_in_dim3A_189 : f32 to vector<16xf32>
      %swap3A_191 = arith.index_cast %scan3A_126 : i32 to index
      %swap3A_192 = arith.constant 64 : index
      %swap3A_193 = tpu.vector_load %arg11[%swap3A_191, %swap3A_192] {strides = array<i32>} : memref<64x128xf32, #tpu.memory_space<vmem>>, vector<1x16xf32>,
      %swap3A_194 = vector.shape_cast %swap3A_193 : vector<1x16xf32> to vector<16xf32>
      %swap3A_195 = vector.shape_cast %broadcast_in_dim3A_190 : vector<16xf32> to vector<1x16xf32>
      tpu.vector_store %arg11[%swap3A_191, %swap3A_192], %swap3A_195 {strides = array<i32>} : memref<64x128xf32, #tpu.memory_space<vmem>>, vector<1x16xf32>,
      %broadcast_in_dim3A_196 = arith.constant 0.000000e+00 : f32
      %broadcast_in_dim3A_197 = vector.broadcast %broadcast_in_dim3A_196 : f32 to vector<16xf32>
      %swap3A_198 = arith.index_cast %scan3A_126 : i32 to index
      %swap3A_199 = arith.constant 80 : index
      %swap3A_200 = tpu.vector_load %arg10[%swap3A_198, %swap3A_199] {strides = array<i32>} : memref<64x128xf32, #tpu.memory_space<vmem>>, vector<1x16xf32>,
      %swap3A_201 = vector.shape_cast %swap3A_200 : vector<1x16xf32> to vector<16xf32>
      %swap3A_202 = vector.shape_cast %broadcast_in_dim3A_197 : vector<16xf32> to vector<1x16xf32>
      tpu.vector_store %arg10[%swap3A_198, %swap3A_199], %swap3A_202 {strides = array<i32>} : memref<64x128xf32, #tpu.memory_space<vmem>>, vector<1x16xf32>,
      %broadcast_in_dim3A_203 = arith.constant 1.000000e+00 : f32
      %broadcast_in_dim3A_204 = vector.broadcast %broadcast_in_dim3A_203 : f32 to vector<16xf32>
      %swap3A_205 = arith.index_cast %scan3A_126 : i32 to index
      %swap3A_206 = arith.constant 80 : index
      %swap3A_207 = tpu.vector_load %arg11[%swap3A_205, %swap3A_206] {strides = array<i32>} : memref<64x128xf32, #tpu.memory_space<vmem>>, vector<1x16xf32>,
      %swap3A_208 = vector.shape_cast %swap3A_207 : vector<1x16xf32> to vector<16xf32>
      %swap3A_209 = vector.shape_cast %broadcast_in_dim3A_204 : vector<16xf32> to vector<1x16xf32>
      tpu.vector_store %arg11[%swap3A_205, %swap3A_206], %swap3A_209 {strides = array<i32>} : memref<64x128xf32, #tpu.memory_space<vmem>>, vector<1x16xf32>,
      %broadcast_in_dim3A_210 = arith.constant 0.000000e+00 : f32
      %broadcast_in_dim3A_211 = vector.broadcast %broadcast_in_dim3A_210 : f32 to vector<16xf32>
      %swap3A_212 = arith.index_cast %scan3A_126 : i32 to index
      %swap3A_213 = arith.constant 96 : index
      %swap3A_214 = tpu.vector_load %arg10[%swap3A_212, %swap3A_213] {strides = array<i32>} : memref<64x128xf32, #tpu.memory_space<vmem>>, vector<1x16xf32>,
      %swap3A_215 = vector.shape_cast %swap3A_214 : vector<1x16xf32> to vector<16xf32>
      %swap3A_216 = vector.shape_cast %broadcast_in_dim3A_211 : vector<16xf32> to vector<1x16xf32>
      tpu.vector_store %arg10[%swap3A_212, %swap3A_213], %swap3A_216 {strides = array<i32>} : memref<64x128xf32, #tpu.memory_space<vmem>>, vector<1x16xf32>,
      %broadcast_in_dim3A_217 = arith.constant 1.000000e+00 : f32
      %broadcast_in_dim3A_218 = vector.broadcast %broadcast_in_dim3A_217 : f32 to vector<16xf32>
      %swap3A_219 = arith.index_cast %scan3A_126 : i32 to index
      %swap3A_220 = arith.constant 96 : index
      %swap3A_221 = tpu.vector_load %arg11[%swap3A_219, %swap3A_220] {strides = array<i32>} : memref<64x128xf32, #tpu.memory_space<vmem>>, vector<1x16xf32>,
      %swap3A_222 = vector.shape_cast %swap3A_221 : vector<1x16xf32> to vector<16xf32>
      %swap3A_223 = vector.shape_cast %broadcast_in_dim3A_218 : vector<16xf32> to vector<1x16xf32>
      tpu.vector_store %arg11[%swap3A_219, %swap3A_220], %swap3A_223 {strides = array<i32>} : memref<64x128xf32, #tpu.memory_space<vmem>>, vector<1x16xf32>,
      %broadcast_in_dim3A_224 = arith.constant 0.000000e+00 : f32
      %broadcast_in_dim3A_225 = vector.broadcast %broadcast_in_dim3A_224 : f32 to vector<16xf32>
      %swap3A_226 = arith.index_cast %scan3A_126 : i32 to index
      %swap3A_227 = arith.constant 112 : index
      %swap3A_228 = tpu.vector_load %arg10[%swap3A_226, %swap3A_227] {strides = array<i32>} : memref<64x128xf32, #tpu.memory_space<vmem>>, vector<1x16xf32>,
      %swap3A_229 = vector.shape_cast %swap3A_228 : vector<1x16xf32> to vector<16xf32>
      %swap3A_230 = vector.shape_cast %broadcast_in_dim3A_225 : vector<16xf32> to vector<1x16xf32>
      tpu.vector_store %arg10[%swap3A_226, %swap3A_227], %swap3A_230 {strides = array<i32>} : memref<64x128xf32, #tpu.memory_space<vmem>>, vector<1x16xf32>,
      %broadcast_in_dim3A_231 = arith.constant 1.000000e+00 : f32
      %broadcast_in_dim3A_232 = vector.broadcast %broadcast_in_dim3A_231 : f32 to vector<16xf32>
      %swap3A_233 = arith.index_cast %scan3A_126 : i32 to index
      %swap3A_234 = arith.constant 112 : index
      %swap3A_235 = tpu.vector_load %arg11[%swap3A_233, %swap3A_234] {strides = array<i32>} : memref<64x128xf32, #tpu.memory_space<vmem>>, vector<1x16xf32>,
      %swap3A_236 = vector.shape_cast %swap3A_235 : vector<1x16xf32> to vector<16xf32>
      %swap3A_237 = vector.shape_cast %broadcast_in_dim3A_232 : vector<16xf32> to vector<1x16xf32>
      tpu.vector_store %arg11[%swap3A_233, %swap3A_234], %swap3A_237 {strides = array<i32>} : memref<64x128xf32, #tpu.memory_space<vmem>>, vector<1x16xf32>,
      %scan3A_238 = arith.constant 0 : i32
      scf.yield %scan3A_238 : i32
    }
    %scan3A_24 = arith.constant 64 : i32
    %mul3A_25 = arith.constant 4608 : i32
    %mul3A_26 = arith.muli %arg0, %mul3A_25 : i32
    %mul3A_27 = arith.constant 256 : i32
    %mul3A_28 = arith.muli %arg1, %mul3A_27 : i32
    %add3A_29 = arith.addi %mul3A_26, %mul3A_28 : i32
    %add3A_30 = arith.constant 0 : i32
    %add3A_31 = arith.addi %add3A_29, %add3A_30 : i32
    %dma_start3A_32 = arith.constant 0 : i32
    %dma_start3A_33 = tpu.memref_slice %arg5[%add3A_31, %dma_start3A_32] : memref<9216x128xf32, #tpu.memory_space<hbm>> -> memref<64x128xf32, #tpu.memory_space<hbm>>
    %dma_start3A_34 = arith.constant 0 : i32
    %dma_start3A_35 = tpu.memref_slice %arg5[%add3A_31, %dma_start3A_34] : memref<9216x128xf32, #tpu.memory_space<hbm>> -> memref<64x128xf32, #tpu.memory_space<hbm>>
    tpu.enqueue_dma source(%arg10 : memref<64x128xf32, #tpu.memory_space<vmem>>) target(%dma_start3A_35 : memref<64x128xf32, #tpu.memory_space<hbm>>) target_semaphore(%arg12 : memref<!tpu.dma_semaphore, #tpu.memory_space<semaphore_mem>>)
    %mul3A_36 = arith.constant 4608 : i32
    %mul3A_37 = arith.muli %arg0, %mul3A_36 : i32
    %mul3A_38 = arith.constant 256 : i32
    %mul3A_39 = arith.muli %arg1, %mul3A_38 : i32
    %add3A_40 = arith.addi %mul3A_37, %mul3A_39 : i32
    %add3A_41 = arith.constant 64 : i32
    %add3A_42 = arith.addi %add3A_40, %add3A_41 : i32
    %dma_start3A_43 = arith.constant 0 : i32
    %dma_start3A_44 = tpu.memref_slice %arg5[%add3A_42, %dma_start3A_43] : memref<9216x128xf32, #tpu.memory_space<hbm>> -> memref<64x128xf32, #tpu.memory_space<hbm>>
    %dma_start3A_45 = arith.constant 0 : i32
    %dma_start3A_46 = tpu.memref_slice %arg5[%add3A_42, %dma_start3A_45] : memref<9216x128xf32, #tpu.memory_space<hbm>> -> memref<64x128xf32, #tpu.memory_space<hbm>>
    tpu.enqueue_dma source(%arg10 : memref<64x128xf32, #tpu.memory_space<vmem>>) target(%dma_start3A_46 : memref<64x128xf32, #tpu.memory_space<hbm>>) target_semaphore(%arg12 : memref<!tpu.dma_semaphore, #tpu.memory_space<semaphore_mem>>)
    %mul3A_47 = arith.constant 4608 : i32
    %mul3A_48 = arith.muli %arg0, %mul3A_47 : i32
    %mul3A_49 = arith.constant 256 : i32
    %mul3A_50 = arith.muli %arg1, %mul3A_49 : i32
    %add3A_51 = arith.addi %mul3A_48, %mul3A_50 : i32
    %add3A_52 = arith.constant 128 : i32
    %add3A_53 = arith.addi %add3A_51, %add3A_52 : i32
    %dma_start3A_54 = arith.constant 0 : i32
    %dma_start3A_55 = tpu.memref_slice %arg5[%add3A_53, %dma_start3A_54] : memref<9216x128xf32, #tpu.memory_space<hbm>> -> memref<64x128xf32, #tpu.memory_space<hbm>>
    %dma_start3A_56 = arith.constant 0 : i32
    %dma_start3A_57 = tpu.memref_slice %arg5[%add3A_53, %dma_start3A_56] : memref<9216x128xf32, #tpu.memory_space<hbm>> -> memref<64x128xf32, #tpu.memory_space<hbm>>
    tpu.enqueue_dma source(%arg10 : memref<64x128xf32, #tpu.memory_space<vmem>>) target(%dma_start3A_57 : memref<64x128xf32, #tpu.memory_space<hbm>>) target_semaphore(%arg12 : memref<!tpu.dma_semaphore, #tpu.memory_space<semaphore_mem>>)
    %mul3A_58 = arith.constant 4608 : i32
    %mul3A_59 = arith.muli %arg0, %mul3A_58 : i32
    %mul3A_60 = arith.constant 256 : i32
    %mul3A_61 = arith.muli %arg1, %mul3A_60 : i32
    %add3A_62 = arith.addi %mul3A_59, %mul3A_61 : i32
    %add3A_63 = arith.constant 192 : i32
    %add3A_64 = arith.addi %add3A_62, %add3A_63 : i32
    %dma_start3A_65 = arith.constant 0 : i32
    %dma_start3A_66 = tpu.memref_slice %arg5[%add3A_64, %dma_start3A_65] : memref<9216x128xf32, #tpu.memory_space<hbm>> -> memref<64x128xf32, #tpu.memory_space<hbm>>
    %dma_start3A_67 = arith.constant 0 : i32
    %dma_start3A_68 = tpu.memref_slice %arg5[%add3A_64, %dma_start3A_67] : memref<9216x128xf32, #tpu.memory_space<hbm>> -> memref<64x128xf32, #tpu.memory_space<hbm>>
    tpu.enqueue_dma source(%arg10 : memref<64x128xf32, #tpu.memory_space<vmem>>) target(%dma_start3A_68 : memref<64x128xf32, #tpu.memory_space<hbm>>) target_semaphore(%arg12 : memref<!tpu.dma_semaphore, #tpu.memory_space<semaphore_mem>>)
    %dma_wait3A = arith.constant 0 : i32
    %dma_wait3A_69 = tpu.memref_slice %arg5[%add3A_31, %dma_wait3A] : memref<9216x128xf32, #tpu.memory_space<hbm>> -> memref<64x128xf32, #tpu.memory_space<hbm>>
    %dma_wait3A_70 = arith.constant 0 : i32
    %dma_wait3A_71 = tpu.memref_slice %arg5[%add3A_31, %dma_wait3A_70] : memref<9216x128xf32, #tpu.memory_space<hbm>> -> memref<64x128xf32, #tpu.memory_space<hbm>>
    tpu.wait_dma2 semaphore(%arg12 : memref<!tpu.dma_semaphore, #tpu.memory_space<semaphore_mem>>) src(%arg10 : memref<64x128xf32, #tpu.memory_space<vmem>>) dst(%dma_wait3A_71 : memref<64x128xf32, #tpu.memory_space<hbm>>)
    %dma_wait3A_72 = arith.constant 0 : i32
    %dma_wait3A_73 = tpu.memref_slice %arg5[%add3A_42, %dma_wait3A_72] : memref<9216x128xf32, #tpu.memory_space<hbm>> -> memref<64x128xf32, #tpu.memory_space<hbm>>
    %dma_wait3A_74 = arith.constant 0 : i32
    %dma_wait3A_75 = tpu.memref_slice %arg5[%add3A_42, %dma_wait3A_74] : memref<9216x128xf32, #tpu.memory_space<hbm>> -> memref<64x128xf32, #tpu.memory_space<hbm>>
    tpu.wait_dma2 semaphore(%arg12 : memref<!tpu.dma_semaphore, #tpu.memory_space<semaphore_mem>>) src(%arg10 : memref<64x128xf32, #tpu.memory_space<vmem>>) dst(%dma_wait3A_75 : memref<64x128xf32, #tpu.memory_space<hbm>>)
    %dma_wait3A_76 = arith.constant 0 : i32
    %dma_wait3A_77 = tpu.memref_slice %arg5[%add3A_53, %dma_wait3A_76] : memref<9216x128xf32, #tpu.memory_space<hbm>> -> memref<64x128xf32, #tpu.memory_space<hbm>>
    %dma_wait3A_78 = arith.constant 0 : i32
    %dma_wait3A_79 = tpu.memref_slice %arg5[%add3A_53, %dma_wait3A_78] : memref<9216x128xf32, #tpu.memory_space<hbm>> -> memref<64x128xf32, #tpu.memory_space<hbm>>
    tpu.wait_dma2 semaphore(%arg12 : memref<!tpu.dma_semaphore, #tpu.memory_space<semaphore_mem>>) src(%arg10 : memref<64x128xf32, #tpu.memory_space<vmem>>) dst(%dma_wait3A_79 : memref<64x128xf32, #tpu.memory_space<hbm>>)
    %dma_wait3A_80 = arith.constant 0 : i32
    %dma_wait3A_81 = tpu.memref_slice %arg5[%add3A_64, %dma_wait3A_80] : memref<9216x128xf32, #tpu.memory_space<hbm>> -> memref<64x128xf32, #tpu.memory_space<hbm>>
    %dma_wait3A_82 = arith.constant 0 : i32
    %dma_wait3A_83 = tpu.memref_slice %arg5[%add3A_64, %dma_wait3A_82] : memref<9216x128xf32, #tpu.memory_space<hbm>> -> memref<64x128xf32, #tpu.memory_space<hbm>>
    tpu.wait_dma2 semaphore(%arg12 : memref<!tpu.dma_semaphore, #tpu.memory_space<semaphore_mem>>) src(%arg10 : memref<64x128xf32, #tpu.memory_space<vmem>>) dst(%dma_wait3A_83 : memref<64x128xf32, #tpu.memory_space<hbm>>)
    %barrier3A = arith.constant 0 : index
    tpu.barrier barrier_id(%barrier3A)
    %dma_wait3A_84 = tpu.memref_slice %arg3[%arg0, %mul3A_0] : memref<2x2048xi32, #tpu.memory_space<hbm>> -> memref<1x64xi32, #tpu.memory_space<hbm>>
    %dma_wait3A_85 = tpu.memref_squeeze %dma_wait3A_84 : memref<1x64xi32, #tpu.memory_space<hbm>> -> memref<64xi32, #tpu.memory_space<hbm>>
    %dma_wait3A_86 = tpu.memref_slice %arg3[%arg0, %mul3A_0] : memref<2x2048xi32, #tpu.memory_space<hbm>> -> memref<1x64xi32, #tpu.memory_space<hbm>>
    %dma_wait3A_87 = tpu.memref_squeeze %dma_wait3A_86 : memref<1x64xi32, #tpu.memory_space<hbm>> -> memref<64xi32, #tpu.memory_space<hbm>>
    tpu.wait_dma2 semaphore(%arg13 : memref<!tpu.dma_semaphore, #tpu.memory_space<semaphore_mem>>) src(%dma_wait3A_87 : memref<64xi32, #tpu.memory_space<hbm>>) dst(%arg8 : memref<64xi32, #tpu.memory_space<vmem>>)
    %dma_wait3A_88 = tpu.memref_slice %arg3[%arg0, %add3A_4] : memref<2x2048xi32, #tpu.memory_space<hbm>> -> memref<1x64xi32, #tpu.memory_space<hbm>>
    %dma_wait3A_89 = tpu.memref_squeeze %dma_wait3A_88 : memref<1x64xi32, #tpu.memory_space<hbm>> -> memref<64xi32, #tpu.memory_space<hbm>>
    %dma_wait3A_90 = tpu.memref_slice %arg3[%arg0, %add3A_4] : memref<2x2048xi32, #tpu.memory_space<hbm>> -> memref<1x64xi32, #tpu.memory_space<hbm>>
    %dma_wait3A_91 = tpu.memref_squeeze %dma_wait3A_90 : memref<1x64xi32, #tpu.memory_space<hbm>> -> memref<64xi32, #tpu.memory_space<hbm>>
    tpu.wait_dma2 semaphore(%arg13 : memref<!tpu.dma_semaphore, #tpu.memory_space<semaphore_mem>>) src(%dma_wait3A_91 : memref<64xi32, #tpu.memory_space<hbm>>) dst(%arg9 : memref<64xi32, #tpu.memory_space<vmem>>)
    %dma_wait3A_92 = arith.constant 0 : i32
    %dma_wait3A_93 = tpu.memref_slice %arg2[%mul3A_0, %dma_wait3A_92] : memref<2048x768xf32, #tpu.memory_space<hbm>> -> memref<64x768xf32, #tpu.memory_space<hbm>>
    %dma_wait3A_94 = arith.constant 0 : i32
    %dma_wait3A_95 = tpu.memref_slice %arg2[%mul3A_0, %dma_wait3A_94] : memref<2048x768xf32, #tpu.memory_space<hbm>> -> memref<64x768xf32, #tpu.memory_space<hbm>>
    tpu.wait_dma2 semaphore(%arg13 : memref<!tpu.dma_semaphore, #tpu.memory_space<semaphore_mem>>) src(%dma_wait3A_95 : memref<64x768xf32, #tpu.memory_space<hbm>>) dst(%arg6 : memref<64x768xf32, #tpu.memory_space<vmem>>)
    %dma_wait3A_96 = arith.constant 0 : i32
    %dma_wait3A_97 = tpu.memref_slice %arg2[%add3A_14, %dma_wait3A_96] : memref<2048x768xf32, #tpu.memory_space<hbm>> -> memref<64x768xf32, #tpu.memory_space<hbm>>
    %dma_wait3A_98 = arith.constant 0 : i32
    %dma_wait3A_99 = tpu.memref_slice %arg2[%add3A_14, %dma_wait3A_98] : memref<2048x768xf32, #tpu.memory_space<hbm>> -> memref<64x768xf32, #tpu.memory_space<hbm>>
    tpu.wait_dma2 semaphore(%arg13 : memref<!tpu.dma_semaphore, #tpu.memory_space<semaphore_mem>>) src(%dma_wait3A_99 : memref<64x768xf32, #tpu.memory_space<hbm>>) dst(%arg7 : memref<64x768xf32, #tpu.memory_space<vmem>>)
    %dma_start3A_100 = arith.constant 0 : i32
    %dma_start3A_101 = arith.constant 0 : i32
    %dma_start3A_102 = tpu.memref_slice %arg4[%dma_start3A_100, %dma_start3A_101] : memref<18432x768xf32, #tpu.memory_space<hbm>> -> memref<18432x768xf32, #tpu.memory_space<hbm>>
    tpu.enqueue_indirect_dma source(%arg6 : memref<64x768xf32, #tpu.memory_space<vmem>>) target(%dma_start3A_102 : memref<18432x768xf32, #tpu.memory_space<hbm>>) offsets(%arg8 : memref<64xi32, #tpu.memory_space<vmem>>) semaphore(%arg12 : memref<!tpu.dma_semaphore, #tpu.memory_space<semaphore_mem>>)
    %dma_start3A_103 = arith.constant 0 : i32
    %dma_start3A_104 = arith.constant 0 : i32
    %dma_start3A_105 = tpu.memref_slice %arg5[%dma_start3A_103, %dma_start3A_104] : memref<9216x128xf32, #tpu.memory_space<hbm>> -> memref<9216x128xf32, #tpu.memory_space<hbm>>
    tpu.enqueue_indirect_dma source(%arg11 : memref<64x128xf32, #tpu.memory_space<vmem>>) target(%dma_start3A_105 : memref<9216x128xf32, #tpu.memory_space<hbm>>) offsets(%arg8 : memref<64xi32, #tpu.memory_space<vmem>>) semaphore(%arg12 : memref<!tpu.dma_semaphore, #tpu.memory_space<semaphore_mem>>)
    %dma_start3A_106 = arith.constant 0 : i32
    %dma_start3A_107 = arith.constant 0 : i32
    %dma_start3A_108 = tpu.memref_slice %arg4[%dma_start3A_106, %dma_start3A_107] : memref<18432x768xf32, #tpu.memory_space<hbm>> -> memref<18432x768xf32, #tpu.memory_space<hbm>>
    tpu.enqueue_indirect_dma source(%arg7 : memref<64x768xf32, #tpu.memory_space<vmem>>) target(%dma_start3A_108 : memref<18432x768xf32, #tpu.memory_space<hbm>>) offsets(%arg9 : memref<64xi32, #tpu.memory_space<vmem>>) semaphore(%arg12 : memref<!tpu.dma_semaphore, #tpu.memory_space<semaphore_mem>>)
    %dma_start3A_109 = arith.constant 0 : i32
    %dma_start3A_110 = arith.constant 0 : i32
    %dma_start3A_111 = tpu.memref_slice %arg5[%dma_start3A_109, %dma_start3A_110] : memref<9216x128xf32, #tpu.memory_space<hbm>> -> memref<9216x128xf32, #tpu.memory_space<hbm>>
    tpu.enqueue_indirect_dma source(%arg11 : memref<64x128xf32, #tpu.memory_space<vmem>>) target(%dma_start3A_111 : memref<9216x128xf32, #tpu.memory_space<hbm>>) offsets(%arg9 : memref<64xi32, #tpu.memory_space<vmem>>) semaphore(%arg12 : memref<!tpu.dma_semaphore, #tpu.memory_space<semaphore_mem>>)
    %eq3A = arith.constant 0 : i32
    %eq3A_112 = arith.cmpi eq, %arg0, %eq3A : i32
    %convert_element_type3A = arith.extui %eq3A_112 : i1 to i32
    %cond3A = arith.constant 0 : i32
    %cond3A_113 = arith.cmpi ne, %convert_element_type3A, %cond3A : i32
    scf.if %cond3A_113 {
      %add3A_126 = arith.constant 13824 : i32
      %add3A_127 = arith.addi %add3A_126, %mul3A_0 : i32
      %dma_start3A_128 = arith.constant 0 : i32
      %dma_start3A_129 = tpu.memref_slice %arg4[%add3A_127, %dma_start3A_128] : memref<18432x768xf32, #tpu.memory_space<hbm>> -> memref<64x768xf32, #tpu.memory_space<hbm>>
      %dma_start3A_130 = arith.constant 0 : i32
      %dma_start3A_131 = tpu.memref_slice %arg4[%add3A_127, %dma_start3A_130] : memref<18432x768xf32, #tpu.memory_space<hbm>> -> memref<64x768xf32, #tpu.memory_space<hbm>>
      tpu.enqueue_dma source(%arg6 : memref<64x768xf32, #tpu.memory_space<vmem>>) target(%dma_start3A_131 : memref<64x768xf32, #tpu.memory_space<hbm>>) target_semaphore(%arg12 : memref<!tpu.dma_semaphore, #tpu.memory_space<semaphore_mem>>)
      %add3A_132 = arith.constant 13824 : i32
      %add3A_133 = arith.addi %add3A_132, %mul3A_0 : i32
      %add3A_134 = arith.constant 64 : i32
      %add3A_135 = arith.addi %add3A_133, %add3A_134 : i32
      %dma_start3A_136 = arith.constant 0 : i32
      %dma_start3A_137 = tpu.memref_slice %arg4[%add3A_135, %dma_start3A_136] : memref<18432x768xf32, #tpu.memory_space<hbm>> -> memref<64x768xf32, #tpu.memory_space<hbm>>
      %dma_start3A_138 = arith.constant 0 : i32
      %dma_start3A_139 = tpu.memref_slice %arg4[%add3A_135, %dma_start3A_138] : memref<18432x768xf32, #tpu.memory_space<hbm>> -> memref<64x768xf32, #tpu.memory_space<hbm>>
      tpu.enqueue_dma source(%arg7 : memref<64x768xf32, #tpu.memory_space<vmem>>) target(%dma_start3A_139 : memref<64x768xf32, #tpu.memory_space<hbm>>) target_semaphore(%arg12 : memref<!tpu.dma_semaphore, #tpu.memory_space<semaphore_mem>>)
      %dma_wait3A_140 = arith.constant 0 : i32
      %dma_wait3A_141 = tpu.memref_slice %arg4[%add3A_127, %dma_wait3A_140] : memref<18432x768xf32, #tpu.memory_space<hbm>> -> memref<64x768xf32, #tpu.memory_space<hbm>>
      %dma_wait3A_142 = arith.constant 0 : i32
      %dma_wait3A_143 = tpu.memref_slice %arg4[%add3A_127, %dma_wait3A_142] : memref<18432x768xf32, #tpu.memory_space<hbm>> -> memref<64x768xf32, #tpu.memory_space<hbm>>
      tpu.wait_dma2 semaphore(%arg12 : memref<!tpu.dma_semaphore, #tpu.memory_space<semaphore_mem>>) src(%arg6 : memref<64x768xf32, #tpu.memory_space<vmem>>) dst(%dma_wait3A_143 : memref<64x768xf32, #tpu.memory_space<hbm>>)
      %dma_wait3A_144 = arith.constant 0 : i32
      %dma_wait3A_145 = tpu.memref_slice %arg4[%add3A_135, %dma_wait3A_144] : memref<18432x768xf32, #tpu.memory_space<hbm>> -> memref<64x768xf32, #tpu.memory_space<hbm>>
      %dma_wait3A_146 = arith.constant 0 : i32
      %dma_wait3A_147 = tpu.memref_slice %arg4[%add3A_135, %dma_wait3A_146] : memref<18432x768xf32, #tpu.memory_space<hbm>> -> memref<64x768xf32, #tpu.memory_space<hbm>>
      tpu.wait_dma2 semaphore(%arg12 : memref<!tpu.dma_semaphore, #tpu.memory_space<semaphore_mem>>) src(%arg7 : memref<64x768xf32, #tpu.memory_space<vmem>>) dst(%dma_wait3A_147 : memref<64x768xf32, #tpu.memory_space<hbm>>)
    } else {
    }
    %dma_wait3A_114 = arith.constant 0 : i32
    %dma_wait3A_115 = arith.constant 0 : i32
    %dma_wait3A_116 = tpu.memref_slice %arg4[%dma_wait3A_114, %dma_wait3A_115] : memref<18432x768xf32, #tpu.memory_space<hbm>> -> memref<18432x768xf32, #tpu.memory_space<hbm>>
    tpu.wait_indirect_dma semaphore(%arg12 : memref<!tpu.dma_semaphore, #tpu.memory_space<semaphore_mem>>) src(%arg6 : memref<64x768xf32, #tpu.memory_space<vmem>>) dst(%dma_wait3A_116 : memref<18432x768xf32, #tpu.memory_space<hbm>>)
    %dma_wait3A_117 = arith.constant 0 : i32
    %dma_wait3A_118 = arith.constant 0 : i32
    %dma_wait3A_119 = tpu.memref_slice %arg5[%dma_wait3A_117, %dma_wait3A_118] : memref<9216x128xf32, #tpu.memory_space<hbm>> -> memref<9216x128xf32, #tpu.memory_space<hbm>>
    tpu.wait_indirect_dma semaphore(%arg12 : memref<!tpu.dma_semaphore, #tpu.memory_space<semaphore_mem>>) src(%arg11 : memref<64x128xf32, #tpu.memory_space<vmem>>) dst(%dma_wait3A_119 : memref<9216x128xf32, #tpu.memory_space<hbm>>)
    %dma_wait3A_120 = arith.constant 0 : i32
    %dma_wait3A_121 = arith.constant 0 : i32
    %dma_wait3A_122 = tpu.memref_slice %arg4[%dma_wait3A_120, %dma_wait3A_121] : memref<18432x768xf32, #tpu.memory_space<hbm>> -> memref<18432x768xf32, #tpu.memory_space<hbm>>
    tpu.wait_indirect_dma semaphore(%arg12 : memref<!tpu.dma_semaphore, #tpu.memory_space<semaphore_mem>>) src(%arg7 : memref<64x768xf32, #tpu.memory_space<vmem>>) dst(%dma_wait3A_122 : memref<18432x768xf32, #tpu.memory_space<hbm>>)
    %dma_wait3A_123 = arith.constant 0 : i32
    %dma_wait3A_124 = arith.constant 0 : i32
    %dma_wait3A_125 = tpu.memref_slice %arg5[%dma_wait3A_123, %dma_wait3A_124] : memref<9216x128xf32, #tpu.memory_space<hbm>> -> memref<9216x128xf32, #tpu.memory_space<hbm>>
    tpu.wait_indirect_dma semaphore(%arg12 : memref<!tpu.dma_semaphore, #tpu.memory_space<semaphore_mem>>) src(%arg11 : memref<64x128xf32, #tpu.memory_space<vmem>>) dst(%dma_wait3A_125 : memref<9216x128xf32, #tpu.memory_space<hbm>>)
    return
  }
}

#map = affine_map<(d0, d1) -> (0, 0)>
module attributes {stable_mosaic.version = 14 : i64} {
  func.func @_combine_body(%arg0: i32, %arg1: i32, %arg2: memref<18432x768xf32, #tpu.memory_space<hbm>>, %arg3: memref<32x128xi32, #tpu.memory_space<hbm>>, %arg4: memref<2048x32xf32, #tpu.memory_space<hbm>>, %arg5: memref<2048x768xf32, #tpu.memory_space<hbm>>, %arg6: memref<64xi32, #tpu.memory_space<vmem>>, %arg7: memref<64xi32, #tpu.memory_space<vmem>>, %arg8: memref<64x768xf32, #tpu.memory_space<vmem>>, %arg9: memref<64x768xf32, #tpu.memory_space<vmem>>, %arg10: memref<64x32xf32, #tpu.memory_space<vmem>>, %arg11: memref<!tpu.dma_semaphore, #tpu.memory_space<semaphore_mem>>, %arg12: memref<!tpu.dma_semaphore, #tpu.memory_space<semaphore_mem>>) attributes {dimension_semantics = [#tpu.dimension_semantics<core_parallel>, #tpu.dimension_semantics<subcore_parallel>], iteration_bounds = array<i64: 2, 16>, scalar_prefetch = 0 : i64, scratch_operands = 7 : i64, tpu.core_type = #tpu.core_type<sc_vector_subcore>, window_params = [{transform_indices = #map}, {transform_indices = #map}, {transform_indices = #map}, {transform_indices = #map}]} {
    %mul3A = arith.constant 2 : i32
    %mul3A_0 = arith.muli %arg1, %mul3A : i32
    %add3A = arith.addi %mul3A_0, %arg0 : i32
    %mul3A_1 = arith.constant 64 : i32
    %mul3A_2 = arith.muli %add3A, %mul3A_1 : i32
    "tpu.region"() ({
      %run_scoped3A = tpu.sem_alloc : memref<!tpu.dma_semaphore, #tpu.memory_space<semaphore_mem>>
      %dma_start3A_19 = arith.constant 0 : i32
      %dma_start3A_20 = tpu.memref_slice %arg3[%add3A, %dma_start3A_19] : memref<32x128xi32, #tpu.memory_space<hbm>> -> memref<1x64xi32, #tpu.memory_space<hbm>>
      %dma_start3A_21 = tpu.memref_squeeze %dma_start3A_20 : memref<1x64xi32, #tpu.memory_space<hbm>> -> memref<64xi32, #tpu.memory_space<hbm>>
      %dma_start3A_22 = arith.constant 0 : i32
      %dma_start3A_23 = tpu.memref_slice %arg3[%add3A, %dma_start3A_22] : memref<32x128xi32, #tpu.memory_space<hbm>> -> memref<1x64xi32, #tpu.memory_space<hbm>>
      %dma_start3A_24 = tpu.memref_squeeze %dma_start3A_23 : memref<1x64xi32, #tpu.memory_space<hbm>> -> memref<64xi32, #tpu.memory_space<hbm>>
      tpu.enqueue_dma source(%dma_start3A_24 : memref<64xi32, #tpu.memory_space<hbm>>) target(%arg6 : memref<64xi32, #tpu.memory_space<vmem>>) target_semaphore(%run_scoped3A : memref<!tpu.dma_semaphore, #tpu.memory_space<semaphore_mem>>)
      %dma_wait3A_25 = arith.constant 0 : i32
      %dma_wait3A_26 = tpu.memref_slice %arg3[%add3A, %dma_wait3A_25] : memref<32x128xi32, #tpu.memory_space<hbm>> -> memref<1x64xi32, #tpu.memory_space<hbm>>
      %dma_wait3A_27 = tpu.memref_squeeze %dma_wait3A_26 : memref<1x64xi32, #tpu.memory_space<hbm>> -> memref<64xi32, #tpu.memory_space<hbm>>
      %dma_wait3A_28 = arith.constant 0 : i32
      %dma_wait3A_29 = tpu.memref_slice %arg3[%add3A, %dma_wait3A_28] : memref<32x128xi32, #tpu.memory_space<hbm>> -> memref<1x64xi32, #tpu.memory_space<hbm>>
      %dma_wait3A_30 = tpu.memref_squeeze %dma_wait3A_29 : memref<1x64xi32, #tpu.memory_space<hbm>> -> memref<64xi32, #tpu.memory_space<hbm>>
      tpu.wait_dma2 semaphore(%run_scoped3A : memref<!tpu.dma_semaphore, #tpu.memory_space<semaphore_mem>>) src(%dma_wait3A_30 : memref<64xi32, #tpu.memory_space<hbm>>) dst(%arg6 : memref<64xi32, #tpu.memory_space<vmem>>)
      tpu.yield
    }) : () -> ()
    "tpu.region"() ({
      %run_scoped3A = tpu.sem_alloc : memref<!tpu.dma_semaphore, #tpu.memory_space<semaphore_mem>>
      %dma_start3A_19 = arith.constant 64 : i32
      %dma_start3A_20 = tpu.memref_slice %arg3[%add3A, %dma_start3A_19] : memref<32x128xi32, #tpu.memory_space<hbm>> -> memref<1x64xi32, #tpu.memory_space<hbm>>
      %dma_start3A_21 = tpu.memref_squeeze %dma_start3A_20 : memref<1x64xi32, #tpu.memory_space<hbm>> -> memref<64xi32, #tpu.memory_space<hbm>>
      %dma_start3A_22 = arith.constant 64 : i32
      %dma_start3A_23 = tpu.memref_slice %arg3[%add3A, %dma_start3A_22] : memref<32x128xi32, #tpu.memory_space<hbm>> -> memref<1x64xi32, #tpu.memory_space<hbm>>
      %dma_start3A_24 = tpu.memref_squeeze %dma_start3A_23 : memref<1x64xi32, #tpu.memory_space<hbm>> -> memref<64xi32, #tpu.memory_space<hbm>>
      tpu.enqueue_dma source(%dma_start3A_24 : memref<64xi32, #tpu.memory_space<hbm>>) target(%arg7 : memref<64xi32, #tpu.memory_space<vmem>>) target_semaphore(%run_scoped3A : memref<!tpu.dma_semaphore, #tpu.memory_space<semaphore_mem>>)
      %dma_wait3A_25 = arith.constant 64 : i32
      %dma_wait3A_26 = tpu.memref_slice %arg3[%add3A, %dma_wait3A_25] : memref<32x128xi32, #tpu.memory_space<hbm>> -> memref<1x64xi32, #tpu.memory_space<hbm>>
      %dma_wait3A_27 = tpu.memref_squeeze %dma_wait3A_26 : memref<1x64xi32, #tpu.memory_space<hbm>> -> memref<64xi32, #tpu.memory_space<hbm>>
      %dma_wait3A_28 = arith.constant 64 : i32
      %dma_wait3A_29 = tpu.memref_slice %arg3[%add3A, %dma_wait3A_28] : memref<32x128xi32, #tpu.memory_space<hbm>> -> memref<1x64xi32, #tpu.memory_space<hbm>>
      %dma_wait3A_30 = tpu.memref_squeeze %dma_wait3A_29 : memref<1x64xi32, #tpu.memory_space<hbm>> -> memref<64xi32, #tpu.memory_space<hbm>>
      tpu.wait_dma2 semaphore(%run_scoped3A : memref<!tpu.dma_semaphore, #tpu.memory_space<semaphore_mem>>) src(%dma_wait3A_30 : memref<64xi32, #tpu.memory_space<hbm>>) dst(%arg7 : memref<64xi32, #tpu.memory_space<vmem>>)
      tpu.yield
    }) : () -> ()
    %dma_start3A = arith.constant 0 : i32
    %dma_start3A_3 = arith.constant 0 : i32
    %dma_start3A_4 = tpu.memref_slice %arg2[%dma_start3A, %dma_start3A_3] : memref<18432x768xf32, #tpu.memory_space<hbm>> -> memref<18432x768xf32, #tpu.memory_space<hbm>>
    tpu.enqueue_indirect_dma source(%dma_start3A_4 : memref<18432x768xf32, #tpu.memory_space<hbm>>) target(%arg8 : memref<64x768xf32, #tpu.memory_space<vmem>>) offsets(%arg6 : memref<64xi32, #tpu.memory_space<vmem>>) semaphore(%arg11 : memref<!tpu.dma_semaphore, #tpu.memory_space<semaphore_mem>>)
    %dma_start3A_5 = arith.constant 0 : i32
    %dma_start3A_6 = arith.constant 0 : i32
    %dma_start3A_7 = tpu.memref_slice %arg2[%dma_start3A_5, %dma_start3A_6] : memref<18432x768xf32, #tpu.memory_space<hbm>> -> memref<18432x768xf32, #tpu.memory_space<hbm>>
    tpu.enqueue_indirect_dma source(%dma_start3A_7 : memref<18432x768xf32, #tpu.memory_space<hbm>>) target(%arg9 : memref<64x768xf32, #tpu.memory_space<vmem>>) offsets(%arg7 : memref<64xi32, #tpu.memory_space<vmem>>) semaphore(%arg12 : memref<!tpu.dma_semaphore, #tpu.memory_space<semaphore_mem>>)
    "tpu.region"() ({
      %run_scoped3A = tpu.sem_alloc : memref<!tpu.dma_semaphore, #tpu.memory_space<semaphore_mem>>
      %dma_start3A_19 = arith.constant 0 : i32
      %dma_start3A_20 = tpu.memref_slice %arg4[%mul3A_2, %dma_start3A_19] : memref<2048x32xf32, #tpu.memory_space<hbm>> -> memref<64x32xf32, #tpu.memory_space<hbm>>
      %dma_start3A_21 = arith.constant 0 : i32
      %dma_start3A_22 = tpu.memref_slice %arg4[%mul3A_2, %dma_start3A_21] : memref<2048x32xf32, #tpu.memory_space<hbm>> -> memref<64x32xf32, #tpu.memory_space<hbm>>
      tpu.enqueue_dma source(%dma_start3A_22 : memref<64x32xf32, #tpu.memory_space<hbm>>) target(%arg10 : memref<64x32xf32, #tpu.memory_space<vmem>>) target_semaphore(%run_scoped3A : memref<!tpu.dma_semaphore, #tpu.memory_space<semaphore_mem>>)
      %dma_wait3A_23 = arith.constant 0 : i32
      %dma_wait3A_24 = tpu.memref_slice %arg4[%mul3A_2, %dma_wait3A_23] : memref<2048x32xf32, #tpu.memory_space<hbm>> -> memref<64x32xf32, #tpu.memory_space<hbm>>
      %dma_wait3A_25 = arith.constant 0 : i32
      %dma_wait3A_26 = tpu.memref_slice %arg4[%mul3A_2, %dma_wait3A_25] : memref<2048x32xf32, #tpu.memory_space<hbm>> -> memref<64x32xf32, #tpu.memory_space<hbm>>
      tpu.wait_dma2 semaphore(%run_scoped3A : memref<!tpu.dma_semaphore, #tpu.memory_space<semaphore_mem>>) src(%dma_wait3A_26 : memref<64x32xf32, #tpu.memory_space<hbm>>) dst(%arg10 : memref<64x32xf32, #tpu.memory_space<vmem>>)
      tpu.yield
    }) : () -> ()
    %dma_wait3A = arith.constant 0 : i32
    %dma_wait3A_8 = arith.constant 0 : i32
    %dma_wait3A_9 = tpu.memref_slice %arg2[%dma_wait3A, %dma_wait3A_8] : memref<18432x768xf32, #tpu.memory_space<hbm>> -> memref<18432x768xf32, #tpu.memory_space<hbm>>
    tpu.wait_indirect_dma semaphore(%arg11 : memref<!tpu.dma_semaphore, #tpu.memory_space<semaphore_mem>>) src(%dma_wait3A_9 : memref<18432x768xf32, #tpu.memory_space<hbm>>) dst(%arg8 : memref<64x768xf32, #tpu.memory_space<vmem>>)
    %dma_wait3A_10 = arith.constant 0 : i32
    %dma_wait3A_11 = arith.constant 0 : i32
    %dma_wait3A_12 = tpu.memref_slice %arg2[%dma_wait3A_10, %dma_wait3A_11] : memref<18432x768xf32, #tpu.memory_space<hbm>> -> memref<18432x768xf32, #tpu.memory_space<hbm>>
    tpu.wait_indirect_dma semaphore(%arg12 : memref<!tpu.dma_semaphore, #tpu.memory_space<semaphore_mem>>) src(%dma_wait3A_12 : memref<18432x768xf32, #tpu.memory_space<hbm>>) dst(%arg9 : memref<64x768xf32, #tpu.memory_space<vmem>>)
    %scan3A = arith.constant 0 : i32
    %scan3A_13 = arith.constant 0 : i32
    %scan3A_14 = arith.constant 64 : i32
    %scan3A_15 = arith.addi %scan3A_13, %scan3A_14 : i32
    %scan3A_16 = arith.constant 1 : i32
    %scan3A_17 = scf.for %scan3A_19 = %scan3A_13 to %scan3A_15 step %scan3A_16 iter_args(%scan3A_20 = %scan3A) -> (i32)  : i32 {
      %get3A = arith.index_cast %scan3A_19 : i32 to index
      %get3A_21 = arith.constant 0 : index
      %get3A_22 = tpu.vector_load %arg10[%get3A, %get3A_21] {strides = array<i32>} : memref<64x32xf32, #tpu.memory_space<vmem>>, vector<1x16xf32>,
      %get3A_23 = vector.shape_cast %get3A_22 : vector<1x16xf32> to vector<16xf32>
      %get3A_24 = arith.index_cast %scan3A_19 : i32 to index
      %get3A_25 = arith.constant 16 : index
      %get3A_26 = tpu.vector_load %arg10[%get3A_24, %get3A_25] {strides = array<i32>} : memref<64x32xf32, #tpu.memory_space<vmem>>, vector<1x16xf32>,
      %get3A_27 = vector.shape_cast %get3A_26 : vector<1x16xf32> to vector<16xf32>
      %get3A_28 = arith.index_cast %scan3A_19 : i32 to index
      %get3A_29 = arith.constant 0 : index
      %get3A_30 = tpu.vector_load %arg8[%get3A_28, %get3A_29] {strides = array<i32>} : memref<64x768xf32, #tpu.memory_space<vmem>>, vector<1x16xf32>,
      %get3A_31 = vector.shape_cast %get3A_30 : vector<1x16xf32> to vector<16xf32>
      %get3A_32 = arith.index_cast %scan3A_19 : i32 to index
      %get3A_33 = arith.constant 0 : index
      %get3A_34 = tpu.vector_load %arg9[%get3A_32, %get3A_33] {strides = array<i32>} : memref<64x768xf32, #tpu.memory_space<vmem>>, vector<1x16xf32>,
      %get3A_35 = vector.shape_cast %get3A_34 : vector<1x16xf32> to vector<16xf32>
      %mul3A_36 = arith.mulf %get3A_23, %get3A_31 : vector<16xf32>
      %mul3A_37 = arith.mulf %get3A_27, %get3A_35 : vector<16xf32>
      %add3A_38 = arith.addf %mul3A_36, %mul3A_37 : vector<16xf32>
      %swap3A = arith.index_cast %scan3A_19 : i32 to index
      %swap3A_39 = arith.constant 0 : index
      %swap3A_40 = tpu.vector_load %arg8[%swap3A, %swap3A_39] {strides = array<i32>} : memref<64x768xf32, #tpu.memory_space<vmem>>, vector<1x16xf32>,
      %swap3A_41 = vector.shape_cast %swap3A_40 : vector<1x16xf32> to vector<16xf32>
      %swap3A_42 = vector.shape_cast %add3A_38 : vector<16xf32> to vector<1x16xf32>
      tpu.vector_store %arg8[%swap3A, %swap3A_39], %swap3A_42 {strides = array<i32>} : memref<64x768xf32, #tpu.memory_space<vmem>>, vector<1x16xf32>,
      %get3A_43 = arith.index_cast %scan3A_19 : i32 to index
      %get3A_44 = arith.constant 16 : index
      %get3A_45 = tpu.vector_load %arg8[%get3A_43, %get3A_44] {strides = array<i32>} : memref<64x768xf32, #tpu.memory_space<vmem>>, vector<1x16xf32>,
      %get3A_46 = vector.shape_cast %get3A_45 : vector<1x16xf32> to vector<16xf32>
      %get3A_47 = arith.index_cast %scan3A_19 : i32 to index
      %get3A_48 = arith.constant 16 : index
      %get3A_49 = tpu.vector_load %arg9[%get3A_47, %get3A_48] {strides = array<i32>} : memref<64x768xf32, #tpu.memory_space<vmem>>, vector<1x16xf32>,
      %get3A_50 = vector.shape_cast %get3A_49 : vector<1x16xf32> to vector<16xf32>
      %mul3A_51 = arith.mulf %get3A_23, %get3A_46 : vector<16xf32>
      %mul3A_52 = arith.mulf %get3A_27, %get3A_50 : vector<16xf32>
      %add3A_53 = arith.addf %mul3A_51, %mul3A_52 : vector<16xf32>
      %swap3A_54 = arith.index_cast %scan3A_19 : i32 to index
      %swap3A_55 = arith.constant 16 : index
      %swap3A_56 = tpu.vector_load %arg8[%swap3A_54, %swap3A_55] {strides = array<i32>} : memref<64x768xf32, #tpu.memory_space<vmem>>, vector<1x16xf32>,
      %swap3A_57 = vector.shape_cast %swap3A_56 : vector<1x16xf32> to vector<16xf32>
      %swap3A_58 = vector.shape_cast %add3A_53 : vector<16xf32> to vector<1x16xf32>
      tpu.vector_store %arg8[%swap3A_54, %swap3A_55], %swap3A_58 {strides = array<i32>} : memref<64x768xf32, #tpu.memory_space<vmem>>, vector<1x16xf32>,
      %get3A_59 = arith.index_cast %scan3A_19 : i32 to index
      %get3A_60 = arith.constant 32 : index
      %get3A_61 = tpu.vector_load %arg8[%get3A_59, %get3A_60] {strides = array<i32>} : memref<64x768xf32, #tpu.memory_space<vmem>>, vector<1x16xf32>,
      %get3A_62 = vector.shape_cast %get3A_61 : vector<1x16xf32> to vector<16xf32>
      %get3A_63 = arith.index_cast %scan3A_19 : i32 to index
      %get3A_64 = arith.constant 32 : index
      %get3A_65 = tpu.vector_load %arg9[%get3A_63, %get3A_64] {strides = array<i32>} : memref<64x768xf32, #tpu.memory_space<vmem>>, vector<1x16xf32>,
      %get3A_66 = vector.shape_cast %get3A_65 : vector<1x16xf32> to vector<16xf32>
      %mul3A_67 = arith.mulf %get3A_23, %get3A_62 : vector<16xf32>
      %mul3A_68 = arith.mulf %get3A_27, %get3A_66 : vector<16xf32>
      %add3A_69 = arith.addf %mul3A_67, %mul3A_68 : vector<16xf32>
      %swap3A_70 = arith.index_cast %scan3A_19 : i32 to index
      %swap3A_71 = arith.constant 32 : index
      %swap3A_72 = tpu.vector_load %arg8[%swap3A_70, %swap3A_71] {strides = array<i32>} : memref<64x768xf32, #tpu.memory_space<vmem>>, vector<1x16xf32>,
      %swap3A_73 = vector.shape_cast %swap3A_72 : vector<1x16xf32> to vector<16xf32>
      %swap3A_74 = vector.shape_cast %add3A_69 : vector<16xf32> to vector<1x16xf32>
      tpu.vector_store %arg8[%swap3A_70, %swap3A_71], %swap3A_74 {strides = array<i32>} : memref<64x768xf32, #tpu.memory_space<vmem>>, vector<1x16xf32>,
      %get3A_75 = arith.index_cast %scan3A_19 : i32 to index
      %get3A_76 = arith.constant 48 : index
      %get3A_77 = tpu.vector_load %arg8[%get3A_75, %get3A_76] {strides = array<i32>} : memref<64x768xf32, #tpu.memory_space<vmem>>, vector<1x16xf32>,
      %get3A_78 = vector.shape_cast %get3A_77 : vector<1x16xf32> to vector<16xf32>
      %get3A_79 = arith.index_cast %scan3A_19 : i32 to index
      %get3A_80 = arith.constant 48 : index
      %get3A_81 = tpu.vector_load %arg9[%get3A_79, %get3A_80] {strides = array<i32>} : memref<64x768xf32, #tpu.memory_space<vmem>>, vector<1x16xf32>,
      %get3A_82 = vector.shape_cast %get3A_81 : vector<1x16xf32> to vector<16xf32>
      %mul3A_83 = arith.mulf %get3A_23, %get3A_78 : vector<16xf32>
      %mul3A_84 = arith.mulf %get3A_27, %get3A_82 : vector<16xf32>
      %add3A_85 = arith.addf %mul3A_83, %mul3A_84 : vector<16xf32>
      %swap3A_86 = arith.index_cast %scan3A_19 : i32 to index
      %swap3A_87 = arith.constant 48 : index
      %swap3A_88 = tpu.vector_load %arg8[%swap3A_86, %swap3A_87] {strides = array<i32>} : memref<64x768xf32, #tpu.memory_space<vmem>>, vector<1x16xf32>,
      %swap3A_89 = vector.shape_cast %swap3A_88 : vector<1x16xf32> to vector<16xf32>
      %swap3A_90 = vector.shape_cast %add3A_85 : vector<16xf32> to vector<1x16xf32>
      tpu.vector_store %arg8[%swap3A_86, %swap3A_87], %swap3A_90 {strides = array<i32>} : memref<64x768xf32, #tpu.memory_space<vmem>>, vector<1x16xf32>,
      %get3A_91 = arith.index_cast %scan3A_19 : i32 to index
      %get3A_92 = arith.constant 64 : index
      %get3A_93 = tpu.vector_load %arg8[%get3A_91, %get3A_92] {strides = array<i32>} : memref<64x768xf32, #tpu.memory_space<vmem>>, vector<1x16xf32>,
      %get3A_94 = vector.shape_cast %get3A_93 : vector<1x16xf32> to vector<16xf32>
      %get3A_95 = arith.index_cast %scan3A_19 : i32 to index
      %get3A_96 = arith.constant 64 : index
      %get3A_97 = tpu.vector_load %arg9[%get3A_95, %get3A_96] {strides = array<i32>} : memref<64x768xf32, #tpu.memory_space<vmem>>, vector<1x16xf32>,
      %get3A_98 = vector.shape_cast %get3A_97 : vector<1x16xf32> to vector<16xf32>
      %mul3A_99 = arith.mulf %get3A_23, %get3A_94 : vector<16xf32>
      %mul3A_100 = arith.mulf %get3A_27, %get3A_98 : vector<16xf32>
      %add3A_101 = arith.addf %mul3A_99, %mul3A_100 : vector<16xf32>
      %swap3A_102 = arith.index_cast %scan3A_19 : i32 to index
      %swap3A_103 = arith.constant 64 : index
      %swap3A_104 = tpu.vector_load %arg8[%swap3A_102, %swap3A_103] {strides = array<i32>} : memref<64x768xf32, #tpu.memory_space<vmem>>, vector<1x16xf32>,
      %swap3A_105 = vector.shape_cast %swap3A_104 : vector<1x16xf32> to vector<16xf32>
      %swap3A_106 = vector.shape_cast %add3A_101 : vector<16xf32> to vector<1x16xf32>
      tpu.vector_store %arg8[%swap3A_102, %swap3A_103], %swap3A_106 {strides = array<i32>} : memref<64x768xf32, #tpu.memory_space<vmem>>, vector<1x16xf32>,
      %get3A_107 = arith.index_cast %scan3A_19 : i32 to index
      %get3A_108 = arith.constant 80 : index
      %get3A_109 = tpu.vector_load %arg8[%get3A_107, %get3A_108] {strides = array<i32>} : memref<64x768xf32, #tpu.memory_space<vmem>>, vector<1x16xf32>,
      %get3A_110 = vector.shape_cast %get3A_109 : vector<1x16xf32> to vector<16xf32>
      %get3A_111 = arith.index_cast %scan3A_19 : i32 to index
      %get3A_112 = arith.constant 80 : index
      %get3A_113 = tpu.vector_load %arg9[%get3A_111, %get3A_112] {strides = array<i32>} : memref<64x768xf32, #tpu.memory_space<vmem>>, vector<1x16xf32>,
      %get3A_114 = vector.shape_cast %get3A_113 : vector<1x16xf32> to vector<16xf32>
      %mul3A_115 = arith.mulf %get3A_23, %get3A_110 : vector<16xf32>
      %mul3A_116 = arith.mulf %get3A_27, %get3A_114 : vector<16xf32>
      %add3A_117 = arith.addf %mul3A_115, %mul3A_116 : vector<16xf32>
      %swap3A_118 = arith.index_cast %scan3A_19 : i32 to index
      %swap3A_119 = arith.constant 80 : index
      %swap3A_120 = tpu.vector_load %arg8[%swap3A_118, %swap3A_119] {strides = array<i32>} : memref<64x768xf32, #tpu.memory_space<vmem>>, vector<1x16xf32>,
      %swap3A_121 = vector.shape_cast %swap3A_120 : vector<1x16xf32> to vector<16xf32>
      %swap3A_122 = vector.shape_cast %add3A_117 : vector<16xf32> to vector<1x16xf32>
      tpu.vector_store %arg8[%swap3A_118, %swap3A_119], %swap3A_122 {strides = array<i32>} : memref<64x768xf32, #tpu.memory_space<vmem>>, vector<1x16xf32>,
      %get3A_123 = arith.index_cast %scan3A_19 : i32 to index
      %get3A_124 = arith.constant 96 : index
      %get3A_125 = tpu.vector_load %arg8[%get3A_123, %get3A_124] {strides = array<i32>} : memref<64x768xf32, #tpu.memory_space<vmem>>, vector<1x16xf32>,
      %get3A_126 = vector.shape_cast %get3A_125 : vector<1x16xf32> to vector<16xf32>
      %get3A_127 = arith.index_cast %scan3A_19 : i32 to index
      %get3A_128 = arith.constant 96 : index
      %get3A_129 = tpu.vector_load %arg9[%get3A_127, %get3A_128] {strides = array<i32>} : memref<64x768xf32, #tpu.memory_space<vmem>>, vector<1x16xf32>,
      %get3A_130 = vector.shape_cast %get3A_129 : vector<1x16xf32> to vector<16xf32>
      %mul3A_131 = arith.mulf %get3A_23, %get3A_126 : vector<16xf32>
      %mul3A_132 = arith.mulf %get3A_27, %get3A_130 : vector<16xf32>
      %add3A_133 = arith.addf %mul3A_131, %mul3A_132 : vector<16xf32>
      %swap3A_134 = arith.index_cast %scan3A_19 : i32 to index
      %swap3A_135 = arith.constant 96 : index
      %swap3A_136 = tpu.vector_load %arg8[%swap3A_134, %swap3A_135] {strides = array<i32>} : memref<64x768xf32, #tpu.memory_space<vmem>>, vector<1x16xf32>,
      %swap3A_137 = vector.shape_cast %swap3A_136 : vector<1x16xf32> to vector<16xf32>
      %swap3A_138 = vector.shape_cast %add3A_133 : vector<16xf32> to vector<1x16xf32>
      tpu.vector_store %arg8[%swap3A_134, %swap3A_135], %swap3A_138 {strides = array<i32>} : memref<64x768xf32, #tpu.memory_space<vmem>>, vector<1x16xf32>,
      %get3A_139 = arith.index_cast %scan3A_19 : i32 to index
      %get3A_140 = arith.constant 112 : index
      %get3A_141 = tpu.vector_load %arg8[%get3A_139, %get3A_140] {strides = array<i32>} : memref<64x768xf32, #tpu.memory_space<vmem>>, vector<1x16xf32>,
      %get3A_142 = vector.shape_cast %get3A_141 : vector<1x16xf32> to vector<16xf32>
      %get3A_143 = arith.index_cast %scan3A_19 : i32 to index
      %get3A_144 = arith.constant 112 : index
      %get3A_145 = tpu.vector_load %arg9[%get3A_143, %get3A_144] {strides = array<i32>} : memref<64x768xf32, #tpu.memory_space<vmem>>, vector<1x16xf32>,
      %get3A_146 = vector.shape_cast %get3A_145 : vector<1x16xf32> to vector<16xf32>
      %mul3A_147 = arith.mulf %get3A_23, %get3A_142 : vector<16xf32>
      %mul3A_148 = arith.mulf %get3A_27, %get3A_146 : vector<16xf32>
      %add3A_149 = arith.addf %mul3A_147, %mul3A_148 : vector<16xf32>
      %swap3A_150 = arith.index_cast %scan3A_19 : i32 to index
      %swap3A_151 = arith.constant 112 : index
      %swap3A_152 = tpu.vector_load %arg8[%swap3A_150, %swap3A_151] {strides = array<i32>} : memref<64x768xf32, #tpu.memory_space<vmem>>, vector<1x16xf32>,
      %swap3A_153 = vector.shape_cast %swap3A_152 : vector<1x16xf32> to vector<16xf32>
      %swap3A_154 = vector.shape_cast %add3A_149 : vector<16xf32> to vector<1x16xf32>
      tpu.vector_store %arg8[%swap3A_150, %swap3A_151], %swap3A_154 {strides = array<i32>} : memref<64x768xf32, #tpu.memory_space<vmem>>, vector<1x16xf32>,
      %get3A_155 = arith.index_cast %scan3A_19 : i32 to index
      %get3A_156 = arith.constant 128 : index
      %get3A_157 = tpu.vector_load %arg8[%get3A_155, %get3A_156] {strides = array<i32>} : memref<64x768xf32, #tpu.memory_space<vmem>>, vector<1x16xf32>,
      %get3A_158 = vector.shape_cast %get3A_157 : vector<1x16xf32> to vector<16xf32>
      %get3A_159 = arith.index_cast %scan3A_19 : i32 to index
      %get3A_160 = arith.constant 128 : index
      %get3A_161 = tpu.vector_load %arg9[%get3A_159, %get3A_160] {strides = array<i32>} : memref<64x768xf32, #tpu.memory_space<vmem>>, vector<1x16xf32>,
      %get3A_162 = vector.shape_cast %get3A_161 : vector<1x16xf32> to vector<16xf32>
      %mul3A_163 = arith.mulf %get3A_23, %get3A_158 : vector<16xf32>
      %mul3A_164 = arith.mulf %get3A_27, %get3A_162 : vector<16xf32>
      %add3A_165 = arith.addf %mul3A_163, %mul3A_164 : vector<16xf32>
      %swap3A_166 = arith.index_cast %scan3A_19 : i32 to index
      %swap3A_167 = arith.constant 128 : index
      %swap3A_168 = tpu.vector_load %arg8[%swap3A_166, %swap3A_167] {strides = array<i32>} : memref<64x768xf32, #tpu.memory_space<vmem>>, vector<1x16xf32>,
      %swap3A_169 = vector.shape_cast %swap3A_168 : vector<1x16xf32> to vector<16xf32>
      %swap3A_170 = vector.shape_cast %add3A_165 : vector<16xf32> to vector<1x16xf32>
      tpu.vector_store %arg8[%swap3A_166, %swap3A_167], %swap3A_170 {strides = array<i32>} : memref<64x768xf32, #tpu.memory_space<vmem>>, vector<1x16xf32>,
      %get3A_171 = arith.index_cast %scan3A_19 : i32 to index
      %get3A_172 = arith.constant 144 : index
      %get3A_173 = tpu.vector_load %arg8[%get3A_171, %get3A_172] {strides = array<i32>} : memref<64x768xf32, #tpu.memory_space<vmem>>, vector<1x16xf32>,
      %get3A_174 = vector.shape_cast %get3A_173 : vector<1x16xf32> to vector<16xf32>
      %get3A_175 = arith.index_cast %scan3A_19 : i32 to index
      %get3A_176 = arith.constant 144 : index
      %get3A_177 = tpu.vector_load %arg9[%get3A_175, %get3A_176] {strides = array<i32>} : memref<64x768xf32, #tpu.memory_space<vmem>>, vector<1x16xf32>,
      %get3A_178 = vector.shape_cast %get3A_177 : vector<1x16xf32> to vector<16xf32>
      %mul3A_179 = arith.mulf %get3A_23, %get3A_174 : vector<16xf32>
      %mul3A_180 = arith.mulf %get3A_27, %get3A_178 : vector<16xf32>
      %add3A_181 = arith.addf %mul3A_179, %mul3A_180 : vector<16xf32>
      %swap3A_182 = arith.index_cast %scan3A_19 : i32 to index
      %swap3A_183 = arith.constant 144 : index
      %swap3A_184 = tpu.vector_load %arg8[%swap3A_182, %swap3A_183] {strides = array<i32>} : memref<64x768xf32, #tpu.memory_space<vmem>>, vector<1x16xf32>,
      %swap3A_185 = vector.shape_cast %swap3A_184 : vector<1x16xf32> to vector<16xf32>
      %swap3A_186 = vector.shape_cast %add3A_181 : vector<16xf32> to vector<1x16xf32>
      tpu.vector_store %arg8[%swap3A_182, %swap3A_183], %swap3A_186 {strides = array<i32>} : memref<64x768xf32, #tpu.memory_space<vmem>>, vector<1x16xf32>,
      %get3A_187 = arith.index_cast %scan3A_19 : i32 to index
      %get3A_188 = arith.constant 160 : index
      %get3A_189 = tpu.vector_load %arg8[%get3A_187, %get3A_188] {strides = array<i32>} : memref<64x768xf32, #tpu.memory_space<vmem>>, vector<1x16xf32>,
      %get3A_190 = vector.shape_cast %get3A_189 : vector<1x16xf32> to vector<16xf32>
      %get3A_191 = arith.index_cast %scan3A_19 : i32 to index
      %get3A_192 = arith.constant 160 : index
      %get3A_193 = tpu.vector_load %arg9[%get3A_191, %get3A_192] {strides = array<i32>} : memref<64x768xf32, #tpu.memory_space<vmem>>, vector<1x16xf32>,
      %get3A_194 = vector.shape_cast %get3A_193 : vector<1x16xf32> to vector<16xf32>
      %mul3A_195 = arith.mulf %get3A_23, %get3A_190 : vector<16xf32>
      %mul3A_196 = arith.mulf %get3A_27, %get3A_194 : vector<16xf32>
      %add3A_197 = arith.addf %mul3A_195, %mul3A_196 : vector<16xf32>
      %swap3A_198 = arith.index_cast %scan3A_19 : i32 to index
      %swap3A_199 = arith.constant 160 : index
      %swap3A_200 = tpu.vector_load %arg8[%swap3A_198, %swap3A_199] {strides = array<i32>} : memref<64x768xf32, #tpu.memory_space<vmem>>, vector<1x16xf32>,
      %swap3A_201 = vector.shape_cast %swap3A_200 : vector<1x16xf32> to vector<16xf32>
      %swap3A_202 = vector.shape_cast %add3A_197 : vector<16xf32> to vector<1x16xf32>
      tpu.vector_store %arg8[%swap3A_198, %swap3A_199], %swap3A_202 {strides = array<i32>} : memref<64x768xf32, #tpu.memory_space<vmem>>, vector<1x16xf32>,
      %get3A_203 = arith.index_cast %scan3A_19 : i32 to index
      %get3A_204 = arith.constant 176 : index
      %get3A_205 = tpu.vector_load %arg8[%get3A_203, %get3A_204] {strides = array<i32>} : memref<64x768xf32, #tpu.memory_space<vmem>>, vector<1x16xf32>,
      %get3A_206 = vector.shape_cast %get3A_205 : vector<1x16xf32> to vector<16xf32>
      %get3A_207 = arith.index_cast %scan3A_19 : i32 to index
      %get3A_208 = arith.constant 176 : index
      %get3A_209 = tpu.vector_load %arg9[%get3A_207, %get3A_208] {strides = array<i32>} : memref<64x768xf32, #tpu.memory_space<vmem>>, vector<1x16xf32>,
      %get3A_210 = vector.shape_cast %get3A_209 : vector<1x16xf32> to vector<16xf32>
      %mul3A_211 = arith.mulf %get3A_23, %get3A_206 : vector<16xf32>
      %mul3A_212 = arith.mulf %get3A_27, %get3A_210 : vector<16xf32>
      %add3A_213 = arith.addf %mul3A_211, %mul3A_212 : vector<16xf32>
      %swap3A_214 = arith.index_cast %scan3A_19 : i32 to index
      %swap3A_215 = arith.constant 176 : index
      %swap3A_216 = tpu.vector_load %arg8[%swap3A_214, %swap3A_215] {strides = array<i32>} : memref<64x768xf32, #tpu.memory_space<vmem>>, vector<1x16xf32>,
      %swap3A_217 = vector.shape_cast %swap3A_216 : vector<1x16xf32> to vector<16xf32>
      %swap3A_218 = vector.shape_cast %add3A_213 : vector<16xf32> to vector<1x16xf32>
      tpu.vector_store %arg8[%swap3A_214, %swap3A_215], %swap3A_218 {strides = array<i32>} : memref<64x768xf32, #tpu.memory_space<vmem>>, vector<1x16xf32>,
      %get3A_219 = arith.index_cast %scan3A_19 : i32 to index
      %get3A_220 = arith.constant 192 : index
      %get3A_221 = tpu.vector_load %arg8[%get3A_219, %get3A_220] {strides = array<i32>} : memref<64x768xf32, #tpu.memory_space<vmem>>, vector<1x16xf32>,
      %get3A_222 = vector.shape_cast %get3A_221 : vector<1x16xf32> to vector<16xf32>
      %get3A_223 = arith.index_cast %scan3A_19 : i32 to index
      %get3A_224 = arith.constant 192 : index
      %get3A_225 = tpu.vector_load %arg9[%get3A_223, %get3A_224] {strides = array<i32>} : memref<64x768xf32, #tpu.memory_space<vmem>>, vector<1x16xf32>,
      %get3A_226 = vector.shape_cast %get3A_225 : vector<1x16xf32> to vector<16xf32>
      %mul3A_227 = arith.mulf %get3A_23, %get3A_222 : vector<16xf32>
      %mul3A_228 = arith.mulf %get3A_27, %get3A_226 : vector<16xf32>
      %add3A_229 = arith.addf %mul3A_227, %mul3A_228 : vector<16xf32>
      %swap3A_230 = arith.index_cast %scan3A_19 : i32 to index
      %swap3A_231 = arith.constant 192 : index
      %swap3A_232 = tpu.vector_load %arg8[%swap3A_230, %swap3A_231] {strides = array<i32>} : memref<64x768xf32, #tpu.memory_space<vmem>>, vector<1x16xf32>,
      %swap3A_233 = vector.shape_cast %swap3A_232 : vector<1x16xf32> to vector<16xf32>
      %swap3A_234 = vector.shape_cast %add3A_229 : vector<16xf32> to vector<1x16xf32>
      tpu.vector_store %arg8[%swap3A_230, %swap3A_231], %swap3A_234 {strides = array<i32>} : memref<64x768xf32, #tpu.memory_space<vmem>>, vector<1x16xf32>,
      %get3A_235 = arith.index_cast %scan3A_19 : i32 to index
      %get3A_236 = arith.constant 208 : index
      %get3A_237 = tpu.vector_load %arg8[%get3A_235, %get3A_236] {strides = array<i32>} : memref<64x768xf32, #tpu.memory_space<vmem>>, vector<1x16xf32>,
      %get3A_238 = vector.shape_cast %get3A_237 : vector<1x16xf32> to vector<16xf32>
      %get3A_239 = arith.index_cast %scan3A_19 : i32 to index
      %get3A_240 = arith.constant 208 : index
      %get3A_241 = tpu.vector_load %arg9[%get3A_239, %get3A_240] {strides = array<i32>} : memref<64x768xf32, #tpu.memory_space<vmem>>, vector<1x16xf32>,
      %get3A_242 = vector.shape_cast %get3A_241 : vector<1x16xf32> to vector<16xf32>
      %mul3A_243 = arith.mulf %get3A_23, %get3A_238 : vector<16xf32>
      %mul3A_244 = arith.mulf %get3A_27, %get3A_242 : vector<16xf32>
      %add3A_245 = arith.addf %mul3A_243, %mul3A_244 : vector<16xf32>
      %swap3A_246 = arith.index_cast %scan3A_19 : i32 to index
      %swap3A_247 = arith.constant 208 : index
      %swap3A_248 = tpu.vector_load %arg8[%swap3A_246, %swap3A_247] {strides = array<i32>} : memref<64x768xf32, #tpu.memory_space<vmem>>, vector<1x16xf32>,
      %swap3A_249 = vector.shape_cast %swap3A_248 : vector<1x16xf32> to vector<16xf32>
      %swap3A_250 = vector.shape_cast %add3A_245 : vector<16xf32> to vector<1x16xf32>
      tpu.vector_store %arg8[%swap3A_246, %swap3A_247], %swap3A_250 {strides = array<i32>} : memref<64x768xf32, #tpu.memory_space<vmem>>, vector<1x16xf32>,
      %get3A_251 = arith.index_cast %scan3A_19 : i32 to index
      %get3A_252 = arith.constant 224 : index
      %get3A_253 = tpu.vector_load %arg8[%get3A_251, %get3A_252] {strides = array<i32>} : memref<64x768xf32, #tpu.memory_space<vmem>>, vector<1x16xf32>,
      %get3A_254 = vector.shape_cast %get3A_253 : vector<1x16xf32> to vector<16xf32>
      %get3A_255 = arith.index_cast %scan3A_19 : i32 to index
      %get3A_256 = arith.constant 224 : index
      %get3A_257 = tpu.vector_load %arg9[%get3A_255, %get3A_256] {strides = array<i32>} : memref<64x768xf32, #tpu.memory_space<vmem>>, vector<1x16xf32>,
      %get3A_258 = vector.shape_cast %get3A_257 : vector<1x16xf32> to vector<16xf32>
      %mul3A_259 = arith.mulf %get3A_23, %get3A_254 : vector<16xf32>
      %mul3A_260 = arith.mulf %get3A_27, %get3A_258 : vector<16xf32>
      %add3A_261 = arith.addf %mul3A_259, %mul3A_260 : vector<16xf32>
      %swap3A_262 = arith.index_cast %scan3A_19 : i32 to index
      %swap3A_263 = arith.constant 224 : index
      %swap3A_264 = tpu.vector_load %arg8[%swap3A_262, %swap3A_263] {strides = array<i32>} : memref<64x768xf32, #tpu.memory_space<vmem>>, vector<1x16xf32>,
      %swap3A_265 = vector.shape_cast %swap3A_264 : vector<1x16xf32> to vector<16xf32>
      %swap3A_266 = vector.shape_cast %add3A_261 : vector<16xf32> to vector<1x16xf32>
      tpu.vector_store %arg8[%swap3A_262, %swap3A_263], %swap3A_266 {strides = array<i32>} : memref<64x768xf32, #tpu.memory_space<vmem>>, vector<1x16xf32>,
      %get3A_267 = arith.index_cast %scan3A_19 : i32 to index
      %get3A_268 = arith.constant 240 : index
      %get3A_269 = tpu.vector_load %arg8[%get3A_267, %get3A_268] {strides = array<i32>} : memref<64x768xf32, #tpu.memory_space<vmem>>, vector<1x16xf32>,
      %get3A_270 = vector.shape_cast %get3A_269 : vector<1x16xf32> to vector<16xf32>
      %get3A_271 = arith.index_cast %scan3A_19 : i32 to index
      %get3A_272 = arith.constant 240 : index
      %get3A_273 = tpu.vector_load %arg9[%get3A_271, %get3A_272] {strides = array<i32>} : memref<64x768xf32, #tpu.memory_space<vmem>>, vector<1x16xf32>,
      %get3A_274 = vector.shape_cast %get3A_273 : vector<1x16xf32> to vector<16xf32>
      %mul3A_275 = arith.mulf %get3A_23, %get3A_270 : vector<16xf32>
      %mul3A_276 = arith.mulf %get3A_27, %get3A_274 : vector<16xf32>
      %add3A_277 = arith.addf %mul3A_275, %mul3A_276 : vector<16xf32>
      %swap3A_278 = arith.index_cast %scan3A_19 : i32 to index
      %swap3A_279 = arith.constant 240 : index
      %swap3A_280 = tpu.vector_load %arg8[%swap3A_278, %swap3A_279] {strides = array<i32>} : memref<64x768xf32, #tpu.memory_space<vmem>>, vector<1x16xf32>,
      %swap3A_281 = vector.shape_cast %swap3A_280 : vector<1x16xf32> to vector<16xf32>
      %swap3A_282 = vector.shape_cast %add3A_277 : vector<16xf32> to vector<1x16xf32>
      tpu.vector_store %arg8[%swap3A_278, %swap3A_279], %swap3A_282 {strides = array<i32>} : memref<64x768xf32, #tpu.memory_space<vmem>>, vector<1x16xf32>,
      %get3A_283 = arith.index_cast %scan3A_19 : i32 to index
      %get3A_284 = arith.constant 256 : index
      %get3A_285 = tpu.vector_load %arg8[%get3A_283, %get3A_284] {strides = array<i32>} : memref<64x768xf32, #tpu.memory_space<vmem>>, vector<1x16xf32>,
      %get3A_286 = vector.shape_cast %get3A_285 : vector<1x16xf32> to vector<16xf32>
      %get3A_287 = arith.index_cast %scan3A_19 : i32 to index
      %get3A_288 = arith.constant 256 : index
      %get3A_289 = tpu.vector_load %arg9[%get3A_287, %get3A_288] {strides = array<i32>} : memref<64x768xf32, #tpu.memory_space<vmem>>, vector<1x16xf32>,
      %get3A_290 = vector.shape_cast %get3A_289 : vector<1x16xf32> to vector<16xf32>
      %mul3A_291 = arith.mulf %get3A_23, %get3A_286 : vector<16xf32>
      %mul3A_292 = arith.mulf %get3A_27, %get3A_290 : vector<16xf32>
      %add3A_293 = arith.addf %mul3A_291, %mul3A_292 : vector<16xf32>
      %swap3A_294 = arith.index_cast %scan3A_19 : i32 to index
      %swap3A_295 = arith.constant 256 : index
      %swap3A_296 = tpu.vector_load %arg8[%swap3A_294, %swap3A_295] {strides = array<i32>} : memref<64x768xf32, #tpu.memory_space<vmem>>, vector<1x16xf32>,
      %swap3A_297 = vector.shape_cast %swap3A_296 : vector<1x16xf32> to vector<16xf32>
      %swap3A_298 = vector.shape_cast %add3A_293 : vector<16xf32> to vector<1x16xf32>
      tpu.vector_store %arg8[%swap3A_294, %swap3A_295], %swap3A_298 {strides = array<i32>} : memref<64x768xf32, #tpu.memory_space<vmem>>, vector<1x16xf32>,
      %get3A_299 = arith.index_cast %scan3A_19 : i32 to index
      %get3A_300 = arith.constant 272 : index
      %get3A_301 = tpu.vector_load %arg8[%get3A_299, %get3A_300] {strides = array<i32>} : memref<64x768xf32, #tpu.memory_space<vmem>>, vector<1x16xf32>,
      %get3A_302 = vector.shape_cast %get3A_301 : vector<1x16xf32> to vector<16xf32>
      %get3A_303 = arith.index_cast %scan3A_19 : i32 to index
      %get3A_304 = arith.constant 272 : index
      %get3A_305 = tpu.vector_load %arg9[%get3A_303, %get3A_304] {strides = array<i32>} : memref<64x768xf32, #tpu.memory_space<vmem>>, vector<1x16xf32>,
      %get3A_306 = vector.shape_cast %get3A_305 : vector<1x16xf32> to vector<16xf32>
      %mul3A_307 = arith.mulf %get3A_23, %get3A_302 : vector<16xf32>
      %mul3A_308 = arith.mulf %get3A_27, %get3A_306 : vector<16xf32>
      %add3A_309 = arith.addf %mul3A_307, %mul3A_308 : vector<16xf32>
      %swap3A_310 = arith.index_cast %scan3A_19 : i32 to index
      %swap3A_311 = arith.constant 272 : index
      %swap3A_312 = tpu.vector_load %arg8[%swap3A_310, %swap3A_311] {strides = array<i32>} : memref<64x768xf32, #tpu.memory_space<vmem>>, vector<1x16xf32>,
      %swap3A_313 = vector.shape_cast %swap3A_312 : vector<1x16xf32> to vector<16xf32>
      %swap3A_314 = vector.shape_cast %add3A_309 : vector<16xf32> to vector<1x16xf32>
      tpu.vector_store %arg8[%swap3A_310, %swap3A_311], %swap3A_314 {strides = array<i32>} : memref<64x768xf32, #tpu.memory_space<vmem>>, vector<1x16xf32>,
      %get3A_315 = arith.index_cast %scan3A_19 : i32 to index
      %get3A_316 = arith.constant 288 : index
      %get3A_317 = tpu.vector_load %arg8[%get3A_315, %get3A_316] {strides = array<i32>} : memref<64x768xf32, #tpu.memory_space<vmem>>, vector<1x16xf32>,
      %get3A_318 = vector.shape_cast %get3A_317 : vector<1x16xf32> to vector<16xf32>
      %get3A_319 = arith.index_cast %scan3A_19 : i32 to index
      %get3A_320 = arith.constant 288 : index
      %get3A_321 = tpu.vector_load %arg9[%get3A_319, %get3A_320] {strides = array<i32>} : memref<64x768xf32, #tpu.memory_space<vmem>>, vector<1x16xf32>,
      %get3A_322 = vector.shape_cast %get3A_321 : vector<1x16xf32> to vector<16xf32>
      %mul3A_323 = arith.mulf %get3A_23, %get3A_318 : vector<16xf32>
      %mul3A_324 = arith.mulf %get3A_27, %get3A_322 : vector<16xf32>
      %add3A_325 = arith.addf %mul3A_323, %mul3A_324 : vector<16xf32>
      %swap3A_326 = arith.index_cast %scan3A_19 : i32 to index
      %swap3A_327 = arith.constant 288 : index
      %swap3A_328 = tpu.vector_load %arg8[%swap3A_326, %swap3A_327] {strides = array<i32>} : memref<64x768xf32, #tpu.memory_space<vmem>>, vector<1x16xf32>,
      %swap3A_329 = vector.shape_cast %swap3A_328 : vector<1x16xf32> to vector<16xf32>
      %swap3A_330 = vector.shape_cast %add3A_325 : vector<16xf32> to vector<1x16xf32>
      tpu.vector_store %arg8[%swap3A_326, %swap3A_327], %swap3A_330 {strides = array<i32>} : memref<64x768xf32, #tpu.memory_space<vmem>>, vector<1x16xf32>,
      %get3A_331 = arith.index_cast %scan3A_19 : i32 to index
      %get3A_332 = arith.constant 304 : index
      %get3A_333 = tpu.vector_load %arg8[%get3A_331, %get3A_332] {strides = array<i32>} : memref<64x768xf32, #tpu.memory_space<vmem>>, vector<1x16xf32>,
      %get3A_334 = vector.shape_cast %get3A_333 : vector<1x16xf32> to vector<16xf32>
      %get3A_335 = arith.index_cast %scan3A_19 : i32 to index
      %get3A_336 = arith.constant 304 : index
      %get3A_337 = tpu.vector_load %arg9[%get3A_335, %get3A_336] {strides = array<i32>} : memref<64x768xf32, #tpu.memory_space<vmem>>, vector<1x16xf32>,
      %get3A_338 = vector.shape_cast %get3A_337 : vector<1x16xf32> to vector<16xf32>
      %mul3A_339 = arith.mulf %get3A_23, %get3A_334 : vector<16xf32>
      %mul3A_340 = arith.mulf %get3A_27, %get3A_338 : vector<16xf32>
      %add3A_341 = arith.addf %mul3A_339, %mul3A_340 : vector<16xf32>
      %swap3A_342 = arith.index_cast %scan3A_19 : i32 to index
      %swap3A_343 = arith.constant 304 : index
      %swap3A_344 = tpu.vector_load %arg8[%swap3A_342, %swap3A_343] {strides = array<i32>} : memref<64x768xf32, #tpu.memory_space<vmem>>, vector<1x16xf32>,
      %swap3A_345 = vector.shape_cast %swap3A_344 : vector<1x16xf32> to vector<16xf32>
      %swap3A_346 = vector.shape_cast %add3A_341 : vector<16xf32> to vector<1x16xf32>
      tpu.vector_store %arg8[%swap3A_342, %swap3A_343], %swap3A_346 {strides = array<i32>} : memref<64x768xf32, #tpu.memory_space<vmem>>, vector<1x16xf32>,
      %get3A_347 = arith.index_cast %scan3A_19 : i32 to index
      %get3A_348 = arith.constant 320 : index
      %get3A_349 = tpu.vector_load %arg8[%get3A_347, %get3A_348] {strides = array<i32>} : memref<64x768xf32, #tpu.memory_space<vmem>>, vector<1x16xf32>,
      %get3A_350 = vector.shape_cast %get3A_349 : vector<1x16xf32> to vector<16xf32>
      %get3A_351 = arith.index_cast %scan3A_19 : i32 to index
      %get3A_352 = arith.constant 320 : index
      %get3A_353 = tpu.vector_load %arg9[%get3A_351, %get3A_352] {strides = array<i32>} : memref<64x768xf32, #tpu.memory_space<vmem>>, vector<1x16xf32>,
      %get3A_354 = vector.shape_cast %get3A_353 : vector<1x16xf32> to vector<16xf32>
      %mul3A_355 = arith.mulf %get3A_23, %get3A_350 : vector<16xf32>
      %mul3A_356 = arith.mulf %get3A_27, %get3A_354 : vector<16xf32>
      %add3A_357 = arith.addf %mul3A_355, %mul3A_356 : vector<16xf32>
      %swap3A_358 = arith.index_cast %scan3A_19 : i32 to index
      %swap3A_359 = arith.constant 320 : index
      %swap3A_360 = tpu.vector_load %arg8[%swap3A_358, %swap3A_359] {strides = array<i32>} : memref<64x768xf32, #tpu.memory_space<vmem>>, vector<1x16xf32>,
      %swap3A_361 = vector.shape_cast %swap3A_360 : vector<1x16xf32> to vector<16xf32>
      %swap3A_362 = vector.shape_cast %add3A_357 : vector<16xf32> to vector<1x16xf32>
      tpu.vector_store %arg8[%swap3A_358, %swap3A_359], %swap3A_362 {strides = array<i32>} : memref<64x768xf32, #tpu.memory_space<vmem>>, vector<1x16xf32>,
      %get3A_363 = arith.index_cast %scan3A_19 : i32 to index
      %get3A_364 = arith.constant 336 : index
      %get3A_365 = tpu.vector_load %arg8[%get3A_363, %get3A_364] {strides = array<i32>} : memref<64x768xf32, #tpu.memory_space<vmem>>, vector<1x16xf32>,
      %get3A_366 = vector.shape_cast %get3A_365 : vector<1x16xf32> to vector<16xf32>
      %get3A_367 = arith.index_cast %scan3A_19 : i32 to index
      %get3A_368 = arith.constant 336 : index
      %get3A_369 = tpu.vector_load %arg9[%get3A_367, %get3A_368] {strides = array<i32>} : memref<64x768xf32, #tpu.memory_space<vmem>>, vector<1x16xf32>,
      %get3A_370 = vector.shape_cast %get3A_369 : vector<1x16xf32> to vector<16xf32>
      %mul3A_371 = arith.mulf %get3A_23, %get3A_366 : vector<16xf32>
      %mul3A_372 = arith.mulf %get3A_27, %get3A_370 : vector<16xf32>
      %add3A_373 = arith.addf %mul3A_371, %mul3A_372 : vector<16xf32>
      %swap3A_374 = arith.index_cast %scan3A_19 : i32 to index
      %swap3A_375 = arith.constant 336 : index
      %swap3A_376 = tpu.vector_load %arg8[%swap3A_374, %swap3A_375] {strides = array<i32>} : memref<64x768xf32, #tpu.memory_space<vmem>>, vector<1x16xf32>,
      %swap3A_377 = vector.shape_cast %swap3A_376 : vector<1x16xf32> to vector<16xf32>
      %swap3A_378 = vector.shape_cast %add3A_373 : vector<16xf32> to vector<1x16xf32>
      tpu.vector_store %arg8[%swap3A_374, %swap3A_375], %swap3A_378 {strides = array<i32>} : memref<64x768xf32, #tpu.memory_space<vmem>>, vector<1x16xf32>,
      %get3A_379 = arith.index_cast %scan3A_19 : i32 to index
      %get3A_380 = arith.constant 352 : index
      %get3A_381 = tpu.vector_load %arg8[%get3A_379, %get3A_380] {strides = array<i32>} : memref<64x768xf32, #tpu.memory_space<vmem>>, vector<1x16xf32>,
      %get3A_382 = vector.shape_cast %get3A_381 : vector<1x16xf32> to vector<16xf32>
      %get3A_383 = arith.index_cast %scan3A_19 : i32 to index
      %get3A_384 = arith.constant 352 : index
      %get3A_385 = tpu.vector_load %arg9[%get3A_383, %get3A_384] {strides = array<i32>} : memref<64x768xf32, #tpu.memory_space<vmem>>, vector<1x16xf32>,
      %get3A_386 = vector.shape_cast %get3A_385 : vector<1x16xf32> to vector<16xf32>
      %mul3A_387 = arith.mulf %get3A_23, %get3A_382 : vector<16xf32>
      %mul3A_388 = arith.mulf %get3A_27, %get3A_386 : vector<16xf32>
      %add3A_389 = arith.addf %mul3A_387, %mul3A_388 : vector<16xf32>
      %swap3A_390 = arith.index_cast %scan3A_19 : i32 to index
      %swap3A_391 = arith.constant 352 : index
      %swap3A_392 = tpu.vector_load %arg8[%swap3A_390, %swap3A_391] {strides = array<i32>} : memref<64x768xf32, #tpu.memory_space<vmem>>, vector<1x16xf32>,
      %swap3A_393 = vector.shape_cast %swap3A_392 : vector<1x16xf32> to vector<16xf32>
      %swap3A_394 = vector.shape_cast %add3A_389 : vector<16xf32> to vector<1x16xf32>
      tpu.vector_store %arg8[%swap3A_390, %swap3A_391], %swap3A_394 {strides = array<i32>} : memref<64x768xf32, #tpu.memory_space<vmem>>, vector<1x16xf32>,
      %get3A_395 = arith.index_cast %scan3A_19 : i32 to index
      %get3A_396 = arith.constant 368 : index
      %get3A_397 = tpu.vector_load %arg8[%get3A_395, %get3A_396] {strides = array<i32>} : memref<64x768xf32, #tpu.memory_space<vmem>>, vector<1x16xf32>,
      %get3A_398 = vector.shape_cast %get3A_397 : vector<1x16xf32> to vector<16xf32>
      %get3A_399 = arith.index_cast %scan3A_19 : i32 to index
      %get3A_400 = arith.constant 368 : index
      %get3A_401 = tpu.vector_load %arg9[%get3A_399, %get3A_400] {strides = array<i32>} : memref<64x768xf32, #tpu.memory_space<vmem>>, vector<1x16xf32>,
      %get3A_402 = vector.shape_cast %get3A_401 : vector<1x16xf32> to vector<16xf32>
      %mul3A_403 = arith.mulf %get3A_23, %get3A_398 : vector<16xf32>
      %mul3A_404 = arith.mulf %get3A_27, %get3A_402 : vector<16xf32>
      %add3A_405 = arith.addf %mul3A_403, %mul3A_404 : vector<16xf32>
      %swap3A_406 = arith.index_cast %scan3A_19 : i32 to index
      %swap3A_407 = arith.constant 368 : index
      %swap3A_408 = tpu.vector_load %arg8[%swap3A_406, %swap3A_407] {strides = array<i32>} : memref<64x768xf32, #tpu.memory_space<vmem>>, vector<1x16xf32>,
      %swap3A_409 = vector.shape_cast %swap3A_408 : vector<1x16xf32> to vector<16xf32>
      %swap3A_410 = vector.shape_cast %add3A_405 : vector<16xf32> to vector<1x16xf32>
      tpu.vector_store %arg8[%swap3A_406, %swap3A_407], %swap3A_410 {strides = array<i32>} : memref<64x768xf32, #tpu.memory_space<vmem>>, vector<1x16xf32>,
      %get3A_411 = arith.index_cast %scan3A_19 : i32 to index
      %get3A_412 = arith.constant 384 : index
      %get3A_413 = tpu.vector_load %arg8[%get3A_411, %get3A_412] {strides = array<i32>} : memref<64x768xf32, #tpu.memory_space<vmem>>, vector<1x16xf32>,
      %get3A_414 = vector.shape_cast %get3A_413 : vector<1x16xf32> to vector<16xf32>
      %get3A_415 = arith.index_cast %scan3A_19 : i32 to index
      %get3A_416 = arith.constant 384 : index
      %get3A_417 = tpu.vector_load %arg9[%get3A_415, %get3A_416] {strides = array<i32>} : memref<64x768xf32, #tpu.memory_space<vmem>>, vector<1x16xf32>,
      %get3A_418 = vector.shape_cast %get3A_417 : vector<1x16xf32> to vector<16xf32>
      %mul3A_419 = arith.mulf %get3A_23, %get3A_414 : vector<16xf32>
      %mul3A_420 = arith.mulf %get3A_27, %get3A_418 : vector<16xf32>
      %add3A_421 = arith.addf %mul3A_419, %mul3A_420 : vector<16xf32>
      %swap3A_422 = arith.index_cast %scan3A_19 : i32 to index
      %swap3A_423 = arith.constant 384 : index
      %swap3A_424 = tpu.vector_load %arg8[%swap3A_422, %swap3A_423] {strides = array<i32>} : memref<64x768xf32, #tpu.memory_space<vmem>>, vector<1x16xf32>,
      %swap3A_425 = vector.shape_cast %swap3A_424 : vector<1x16xf32> to vector<16xf32>
      %swap3A_426 = vector.shape_cast %add3A_421 : vector<16xf32> to vector<1x16xf32>
      tpu.vector_store %arg8[%swap3A_422, %swap3A_423], %swap3A_426 {strides = array<i32>} : memref<64x768xf32, #tpu.memory_space<vmem>>, vector<1x16xf32>,
      %get3A_427 = arith.index_cast %scan3A_19 : i32 to index
      %get3A_428 = arith.constant 400 : index
      %get3A_429 = tpu.vector_load %arg8[%get3A_427, %get3A_428] {strides = array<i32>} : memref<64x768xf32, #tpu.memory_space<vmem>>, vector<1x16xf32>,
      %get3A_430 = vector.shape_cast %get3A_429 : vector<1x16xf32> to vector<16xf32>
      %get3A_431 = arith.index_cast %scan3A_19 : i32 to index
      %get3A_432 = arith.constant 400 : index
      %get3A_433 = tpu.vector_load %arg9[%get3A_431, %get3A_432] {strides = array<i32>} : memref<64x768xf32, #tpu.memory_space<vmem>>, vector<1x16xf32>,
      %get3A_434 = vector.shape_cast %get3A_433 : vector<1x16xf32> to vector<16xf32>
      %mul3A_435 = arith.mulf %get3A_23, %get3A_430 : vector<16xf32>
      %mul3A_436 = arith.mulf %get3A_27, %get3A_434 : vector<16xf32>
      %add3A_437 = arith.addf %mul3A_435, %mul3A_436 : vector<16xf32>
      %swap3A_438 = arith.index_cast %scan3A_19 : i32 to index
      %swap3A_439 = arith.constant 400 : index
      %swap3A_440 = tpu.vector_load %arg8[%swap3A_438, %swap3A_439] {strides = array<i32>} : memref<64x768xf32, #tpu.memory_space<vmem>>, vector<1x16xf32>,
      %swap3A_441 = vector.shape_cast %swap3A_440 : vector<1x16xf32> to vector<16xf32>
      %swap3A_442 = vector.shape_cast %add3A_437 : vector<16xf32> to vector<1x16xf32>
      tpu.vector_store %arg8[%swap3A_438, %swap3A_439], %swap3A_442 {strides = array<i32>} : memref<64x768xf32, #tpu.memory_space<vmem>>, vector<1x16xf32>,
      %get3A_443 = arith.index_cast %scan3A_19 : i32 to index
      %get3A_444 = arith.constant 416 : index
      %get3A_445 = tpu.vector_load %arg8[%get3A_443, %get3A_444] {strides = array<i32>} : memref<64x768xf32, #tpu.memory_space<vmem>>, vector<1x16xf32>,
      %get3A_446 = vector.shape_cast %get3A_445 : vector<1x16xf32> to vector<16xf32>
      %get3A_447 = arith.index_cast %scan3A_19 : i32 to index
      %get3A_448 = arith.constant 416 : index
      %get3A_449 = tpu.vector_load %arg9[%get3A_447, %get3A_448] {strides = array<i32>} : memref<64x768xf32, #tpu.memory_space<vmem>>, vector<1x16xf32>,
      %get3A_450 = vector.shape_cast %get3A_449 : vector<1x16xf32> to vector<16xf32>
      %mul3A_451 = arith.mulf %get3A_23, %get3A_446 : vector<16xf32>
      %mul3A_452 = arith.mulf %get3A_27, %get3A_450 : vector<16xf32>
      %add3A_453 = arith.addf %mul3A_451, %mul3A_452 : vector<16xf32>
      %swap3A_454 = arith.index_cast %scan3A_19 : i32 to index
      %swap3A_455 = arith.constant 416 : index
      %swap3A_456 = tpu.vector_load %arg8[%swap3A_454, %swap3A_455] {strides = array<i32>} : memref<64x768xf32, #tpu.memory_space<vmem>>, vector<1x16xf32>,
      %swap3A_457 = vector.shape_cast %swap3A_456 : vector<1x16xf32> to vector<16xf32>
      %swap3A_458 = vector.shape_cast %add3A_453 : vector<16xf32> to vector<1x16xf32>
      tpu.vector_store %arg8[%swap3A_454, %swap3A_455], %swap3A_458 {strides = array<i32>} : memref<64x768xf32, #tpu.memory_space<vmem>>, vector<1x16xf32>,
      %get3A_459 = arith.index_cast %scan3A_19 : i32 to index
      %get3A_460 = arith.constant 432 : index
      %get3A_461 = tpu.vector_load %arg8[%get3A_459, %get3A_460] {strides = array<i32>} : memref<64x768xf32, #tpu.memory_space<vmem>>, vector<1x16xf32>,
      %get3A_462 = vector.shape_cast %get3A_461 : vector<1x16xf32> to vector<16xf32>
      %get3A_463 = arith.index_cast %scan3A_19 : i32 to index
      %get3A_464 = arith.constant 432 : index
      %get3A_465 = tpu.vector_load %arg9[%get3A_463, %get3A_464] {strides = array<i32>} : memref<64x768xf32, #tpu.memory_space<vmem>>, vector<1x16xf32>,
      %get3A_466 = vector.shape_cast %get3A_465 : vector<1x16xf32> to vector<16xf32>
      %mul3A_467 = arith.mulf %get3A_23, %get3A_462 : vector<16xf32>
      %mul3A_468 = arith.mulf %get3A_27, %get3A_466 : vector<16xf32>
      %add3A_469 = arith.addf %mul3A_467, %mul3A_468 : vector<16xf32>
      %swap3A_470 = arith.index_cast %scan3A_19 : i32 to index
      %swap3A_471 = arith.constant 432 : index
      %swap3A_472 = tpu.vector_load %arg8[%swap3A_470, %swap3A_471] {strides = array<i32>} : memref<64x768xf32, #tpu.memory_space<vmem>>, vector<1x16xf32>,
      %swap3A_473 = vector.shape_cast %swap3A_472 : vector<1x16xf32> to vector<16xf32>
      %swap3A_474 = vector.shape_cast %add3A_469 : vector<16xf32> to vector<1x16xf32>
      tpu.vector_store %arg8[%swap3A_470, %swap3A_471], %swap3A_474 {strides = array<i32>} : memref<64x768xf32, #tpu.memory_space<vmem>>, vector<1x16xf32>,
      %get3A_475 = arith.index_cast %scan3A_19 : i32 to index
      %get3A_476 = arith.constant 448 : index
      %get3A_477 = tpu.vector_load %arg8[%get3A_475, %get3A_476] {strides = array<i32>} : memref<64x768xf32, #tpu.memory_space<vmem>>, vector<1x16xf32>,
      %get3A_478 = vector.shape_cast %get3A_477 : vector<1x16xf32> to vector<16xf32>
      %get3A_479 = arith.index_cast %scan3A_19 : i32 to index
      %get3A_480 = arith.constant 448 : index
      %get3A_481 = tpu.vector_load %arg9[%get3A_479, %get3A_480] {strides = array<i32>} : memref<64x768xf32, #tpu.memory_space<vmem>>, vector<1x16xf32>,
      %get3A_482 = vector.shape_cast %get3A_481 : vector<1x16xf32> to vector<16xf32>
      %mul3A_483 = arith.mulf %get3A_23, %get3A_478 : vector<16xf32>
      %mul3A_484 = arith.mulf %get3A_27, %get3A_482 : vector<16xf32>
      %add3A_485 = arith.addf %mul3A_483, %mul3A_484 : vector<16xf32>
      %swap3A_486 = arith.index_cast %scan3A_19 : i32 to index
      %swap3A_487 = arith.constant 448 : index
      %swap3A_488 = tpu.vector_load %arg8[%swap3A_486, %swap3A_487] {strides = array<i32>} : memref<64x768xf32, #tpu.memory_space<vmem>>, vector<1x16xf32>,
      %swap3A_489 = vector.shape_cast %swap3A_488 : vector<1x16xf32> to vector<16xf32>
      %swap3A_490 = vector.shape_cast %add3A_485 : vector<16xf32> to vector<1x16xf32>
      tpu.vector_store %arg8[%swap3A_486, %swap3A_487], %swap3A_490 {strides = array<i32>} : memref<64x768xf32, #tpu.memory_space<vmem>>, vector<1x16xf32>,
      %get3A_491 = arith.index_cast %scan3A_19 : i32 to index
      %get3A_492 = arith.constant 464 : index
      %get3A_493 = tpu.vector_load %arg8[%get3A_491, %get3A_492] {strides = array<i32>} : memref<64x768xf32, #tpu.memory_space<vmem>>, vector<1x16xf32>,
      %get3A_494 = vector.shape_cast %get3A_493 : vector<1x16xf32> to vector<16xf32>
      %get3A_495 = arith.index_cast %scan3A_19 : i32 to index
      %get3A_496 = arith.constant 464 : index
      %get3A_497 = tpu.vector_load %arg9[%get3A_495, %get3A_496] {strides = array<i32>} : memref<64x768xf32, #tpu.memory_space<vmem>>, vector<1x16xf32>,
      %get3A_498 = vector.shape_cast %get3A_497 : vector<1x16xf32> to vector<16xf32>
      %mul3A_499 = arith.mulf %get3A_23, %get3A_494 : vector<16xf32>
      %mul3A_500 = arith.mulf %get3A_27, %get3A_498 : vector<16xf32>
      %add3A_501 = arith.addf %mul3A_499, %mul3A_500 : vector<16xf32>
      %swap3A_502 = arith.index_cast %scan3A_19 : i32 to index
      %swap3A_503 = arith.constant 464 : index
      %swap3A_504 = tpu.vector_load %arg8[%swap3A_502, %swap3A_503] {strides = array<i32>} : memref<64x768xf32, #tpu.memory_space<vmem>>, vector<1x16xf32>,
      %swap3A_505 = vector.shape_cast %swap3A_504 : vector<1x16xf32> to vector<16xf32>
      %swap3A_506 = vector.shape_cast %add3A_501 : vector<16xf32> to vector<1x16xf32>
      tpu.vector_store %arg8[%swap3A_502, %swap3A_503], %swap3A_506 {strides = array<i32>} : memref<64x768xf32, #tpu.memory_space<vmem>>, vector<1x16xf32>,
      %get3A_507 = arith.index_cast %scan3A_19 : i32 to index
      %get3A_508 = arith.constant 480 : index
      %get3A_509 = tpu.vector_load %arg8[%get3A_507, %get3A_508] {strides = array<i32>} : memref<64x768xf32, #tpu.memory_space<vmem>>, vector<1x16xf32>,
      %get3A_510 = vector.shape_cast %get3A_509 : vector<1x16xf32> to vector<16xf32>
      %get3A_511 = arith.index_cast %scan3A_19 : i32 to index
      %get3A_512 = arith.constant 480 : index
      %get3A_513 = tpu.vector_load %arg9[%get3A_511, %get3A_512] {strides = array<i32>} : memref<64x768xf32, #tpu.memory_space<vmem>>, vector<1x16xf32>,
      %get3A_514 = vector.shape_cast %get3A_513 : vector<1x16xf32> to vector<16xf32>
      %mul3A_515 = arith.mulf %get3A_23, %get3A_510 : vector<16xf32>
      %mul3A_516 = arith.mulf %get3A_27, %get3A_514 : vector<16xf32>
      %add3A_517 = arith.addf %mul3A_515, %mul3A_516 : vector<16xf32>
      %swap3A_518 = arith.index_cast %scan3A_19 : i32 to index
      %swap3A_519 = arith.constant 480 : index
      %swap3A_520 = tpu.vector_load %arg8[%swap3A_518, %swap3A_519] {strides = array<i32>} : memref<64x768xf32, #tpu.memory_space<vmem>>, vector<1x16xf32>,
      %swap3A_521 = vector.shape_cast %swap3A_520 : vector<1x16xf32> to vector<16xf32>
      %swap3A_522 = vector.shape_cast %add3A_517 : vector<16xf32> to vector<1x16xf32>
      tpu.vector_store %arg8[%swap3A_518, %swap3A_519], %swap3A_522 {strides = array<i32>} : memref<64x768xf32, #tpu.memory_space<vmem>>, vector<1x16xf32>,
      %get3A_523 = arith.index_cast %scan3A_19 : i32 to index
      %get3A_524 = arith.constant 496 : index
      %get3A_525 = tpu.vector_load %arg8[%get3A_523, %get3A_524] {strides = array<i32>} : memref<64x768xf32, #tpu.memory_space<vmem>>, vector<1x16xf32>,
      %get3A_526 = vector.shape_cast %get3A_525 : vector<1x16xf32> to vector<16xf32>
      %get3A_527 = arith.index_cast %scan3A_19 : i32 to index
      %get3A_528 = arith.constant 496 : index
      %get3A_529 = tpu.vector_load %arg9[%get3A_527, %get3A_528] {strides = array<i32>} : memref<64x768xf32, #tpu.memory_space<vmem>>, vector<1x16xf32>,
      %get3A_530 = vector.shape_cast %get3A_529 : vector<1x16xf32> to vector<16xf32>
      %mul3A_531 = arith.mulf %get3A_23, %get3A_526 : vector<16xf32>
      %mul3A_532 = arith.mulf %get3A_27, %get3A_530 : vector<16xf32>
      %add3A_533 = arith.addf %mul3A_531, %mul3A_532 : vector<16xf32>
      %swap3A_534 = arith.index_cast %scan3A_19 : i32 to index
      %swap3A_535 = arith.constant 496 : index
      %swap3A_536 = tpu.vector_load %arg8[%swap3A_534, %swap3A_535] {strides = array<i32>} : memref<64x768xf32, #tpu.memory_space<vmem>>, vector<1x16xf32>,
      %swap3A_537 = vector.shape_cast %swap3A_536 : vector<1x16xf32> to vector<16xf32>
      %swap3A_538 = vector.shape_cast %add3A_533 : vector<16xf32> to vector<1x16xf32>
      tpu.vector_store %arg8[%swap3A_534, %swap3A_535], %swap3A_538 {strides = array<i32>} : memref<64x768xf32, #tpu.memory_space<vmem>>, vector<1x16xf32>,
      %get3A_539 = arith.index_cast %scan3A_19 : i32 to index
      %get3A_540 = arith.constant 512 : index
      %get3A_541 = tpu.vector_load %arg8[%get3A_539, %get3A_540] {strides = array<i32>} : memref<64x768xf32, #tpu.memory_space<vmem>>, vector<1x16xf32>,
      %get3A_542 = vector.shape_cast %get3A_541 : vector<1x16xf32> to vector<16xf32>
      %get3A_543 = arith.index_cast %scan3A_19 : i32 to index
      %get3A_544 = arith.constant 512 : index
      %get3A_545 = tpu.vector_load %arg9[%get3A_543, %get3A_544] {strides = array<i32>} : memref<64x768xf32, #tpu.memory_space<vmem>>, vector<1x16xf32>,
      %get3A_546 = vector.shape_cast %get3A_545 : vector<1x16xf32> to vector<16xf32>
      %mul3A_547 = arith.mulf %get3A_23, %get3A_542 : vector<16xf32>
      %mul3A_548 = arith.mulf %get3A_27, %get3A_546 : vector<16xf32>
      %add3A_549 = arith.addf %mul3A_547, %mul3A_548 : vector<16xf32>
      %swap3A_550 = arith.index_cast %scan3A_19 : i32 to index
      %swap3A_551 = arith.constant 512 : index
      %swap3A_552 = tpu.vector_load %arg8[%swap3A_550, %swap3A_551] {strides = array<i32>} : memref<64x768xf32, #tpu.memory_space<vmem>>, vector<1x16xf32>,
      %swap3A_553 = vector.shape_cast %swap3A_552 : vector<1x16xf32> to vector<16xf32>
      %swap3A_554 = vector.shape_cast %add3A_549 : vector<16xf32> to vector<1x16xf32>
      tpu.vector_store %arg8[%swap3A_550, %swap3A_551], %swap3A_554 {strides = array<i32>} : memref<64x768xf32, #tpu.memory_space<vmem>>, vector<1x16xf32>,
      %get3A_555 = arith.index_cast %scan3A_19 : i32 to index
      %get3A_556 = arith.constant 528 : index
      %get3A_557 = tpu.vector_load %arg8[%get3A_555, %get3A_556] {strides = array<i32>} : memref<64x768xf32, #tpu.memory_space<vmem>>, vector<1x16xf32>,
      %get3A_558 = vector.shape_cast %get3A_557 : vector<1x16xf32> to vector<16xf32>
      %get3A_559 = arith.index_cast %scan3A_19 : i32 to index
      %get3A_560 = arith.constant 528 : index
      %get3A_561 = tpu.vector_load %arg9[%get3A_559, %get3A_560] {strides = array<i32>} : memref<64x768xf32, #tpu.memory_space<vmem>>, vector<1x16xf32>,
      %get3A_562 = vector.shape_cast %get3A_561 : vector<1x16xf32> to vector<16xf32>
      %mul3A_563 = arith.mulf %get3A_23, %get3A_558 : vector<16xf32>
      %mul3A_564 = arith.mulf %get3A_27, %get3A_562 : vector<16xf32>
      %add3A_565 = arith.addf %mul3A_563, %mul3A_564 : vector<16xf32>
      %swap3A_566 = arith.index_cast %scan3A_19 : i32 to index
      %swap3A_567 = arith.constant 528 : index
      %swap3A_568 = tpu.vector_load %arg8[%swap3A_566, %swap3A_567] {strides = array<i32>} : memref<64x768xf32, #tpu.memory_space<vmem>>, vector<1x16xf32>,
      %swap3A_569 = vector.shape_cast %swap3A_568 : vector<1x16xf32> to vector<16xf32>
      %swap3A_570 = vector.shape_cast %add3A_565 : vector<16xf32> to vector<1x16xf32>
      tpu.vector_store %arg8[%swap3A_566, %swap3A_567], %swap3A_570 {strides = array<i32>} : memref<64x768xf32, #tpu.memory_space<vmem>>, vector<1x16xf32>,
      %get3A_571 = arith.index_cast %scan3A_19 : i32 to index
      %get3A_572 = arith.constant 544 : index
      %get3A_573 = tpu.vector_load %arg8[%get3A_571, %get3A_572] {strides = array<i32>} : memref<64x768xf32, #tpu.memory_space<vmem>>, vector<1x16xf32>,
      %get3A_574 = vector.shape_cast %get3A_573 : vector<1x16xf32> to vector<16xf32>
      %get3A_575 = arith.index_cast %scan3A_19 : i32 to index
      %get3A_576 = arith.constant 544 : index
      %get3A_577 = tpu.vector_load %arg9[%get3A_575, %get3A_576] {strides = array<i32>} : memref<64x768xf32, #tpu.memory_space<vmem>>, vector<1x16xf32>,
      %get3A_578 = vector.shape_cast %get3A_577 : vector<1x16xf32> to vector<16xf32>
      %mul3A_579 = arith.mulf %get3A_23, %get3A_574 : vector<16xf32>
      %mul3A_580 = arith.mulf %get3A_27, %get3A_578 : vector<16xf32>
      %add3A_581 = arith.addf %mul3A_579, %mul3A_580 : vector<16xf32>
      %swap3A_582 = arith.index_cast %scan3A_19 : i32 to index
      %swap3A_583 = arith.constant 544 : index
      %swap3A_584 = tpu.vector_load %arg8[%swap3A_582, %swap3A_583] {strides = array<i32>} : memref<64x768xf32, #tpu.memory_space<vmem>>, vector<1x16xf32>,
      %swap3A_585 = vector.shape_cast %swap3A_584 : vector<1x16xf32> to vector<16xf32>
      %swap3A_586 = vector.shape_cast %add3A_581 : vector<16xf32> to vector<1x16xf32>
      tpu.vector_store %arg8[%swap3A_582, %swap3A_583], %swap3A_586 {strides = array<i32>} : memref<64x768xf32, #tpu.memory_space<vmem>>, vector<1x16xf32>,
      %get3A_587 = arith.index_cast %scan3A_19 : i32 to index
      %get3A_588 = arith.constant 560 : index
      %get3A_589 = tpu.vector_load %arg8[%get3A_587, %get3A_588] {strides = array<i32>} : memref<64x768xf32, #tpu.memory_space<vmem>>, vector<1x16xf32>,
      %get3A_590 = vector.shape_cast %get3A_589 : vector<1x16xf32> to vector<16xf32>
      %get3A_591 = arith.index_cast %scan3A_19 : i32 to index
      %get3A_592 = arith.constant 560 : index
      %get3A_593 = tpu.vector_load %arg9[%get3A_591, %get3A_592] {strides = array<i32>} : memref<64x768xf32, #tpu.memory_space<vmem>>, vector<1x16xf32>,
      %get3A_594 = vector.shape_cast %get3A_593 : vector<1x16xf32> to vector<16xf32>
      %mul3A_595 = arith.mulf %get3A_23, %get3A_590 : vector<16xf32>
      %mul3A_596 = arith.mulf %get3A_27, %get3A_594 : vector<16xf32>
      %add3A_597 = arith.addf %mul3A_595, %mul3A_596 : vector<16xf32>
      %swap3A_598 = arith.index_cast %scan3A_19 : i32 to index
      %swap3A_599 = arith.constant 560 : index
      %swap3A_600 = tpu.vector_load %arg8[%swap3A_598, %swap3A_599] {strides = array<i32>} : memref<64x768xf32, #tpu.memory_space<vmem>>, vector<1x16xf32>,
      %swap3A_601 = vector.shape_cast %swap3A_600 : vector<1x16xf32> to vector<16xf32>
      %swap3A_602 = vector.shape_cast %add3A_597 : vector<16xf32> to vector<1x16xf32>
      tpu.vector_store %arg8[%swap3A_598, %swap3A_599], %swap3A_602 {strides = array<i32>} : memref<64x768xf32, #tpu.memory_space<vmem>>, vector<1x16xf32>,
      %get3A_603 = arith.index_cast %scan3A_19 : i32 to index
      %get3A_604 = arith.constant 576 : index
      %get3A_605 = tpu.vector_load %arg8[%get3A_603, %get3A_604] {strides = array<i32>} : memref<64x768xf32, #tpu.memory_space<vmem>>, vector<1x16xf32>,
      %get3A_606 = vector.shape_cast %get3A_605 : vector<1x16xf32> to vector<16xf32>
      %get3A_607 = arith.index_cast %scan3A_19 : i32 to index
      %get3A_608 = arith.constant 576 : index
      %get3A_609 = tpu.vector_load %arg9[%get3A_607, %get3A_608] {strides = array<i32>} : memref<64x768xf32, #tpu.memory_space<vmem>>, vector<1x16xf32>,
      %get3A_610 = vector.shape_cast %get3A_609 : vector<1x16xf32> to vector<16xf32>
      %mul3A_611 = arith.mulf %get3A_23, %get3A_606 : vector<16xf32>
      %mul3A_612 = arith.mulf %get3A_27, %get3A_610 : vector<16xf32>
      %add3A_613 = arith.addf %mul3A_611, %mul3A_612 : vector<16xf32>
      %swap3A_614 = arith.index_cast %scan3A_19 : i32 to index
      %swap3A_615 = arith.constant 576 : index
      %swap3A_616 = tpu.vector_load %arg8[%swap3A_614, %swap3A_615] {strides = array<i32>} : memref<64x768xf32, #tpu.memory_space<vmem>>, vector<1x16xf32>,
      %swap3A_617 = vector.shape_cast %swap3A_616 : vector<1x16xf32> to vector<16xf32>
      %swap3A_618 = vector.shape_cast %add3A_613 : vector<16xf32> to vector<1x16xf32>
      tpu.vector_store %arg8[%swap3A_614, %swap3A_615], %swap3A_618 {strides = array<i32>} : memref<64x768xf32, #tpu.memory_space<vmem>>, vector<1x16xf32>,
      %get3A_619 = arith.index_cast %scan3A_19 : i32 to index
      %get3A_620 = arith.constant 592 : index
      %get3A_621 = tpu.vector_load %arg8[%get3A_619, %get3A_620] {strides = array<i32>} : memref<64x768xf32, #tpu.memory_space<vmem>>, vector<1x16xf32>,
      %get3A_622 = vector.shape_cast %get3A_621 : vector<1x16xf32> to vector<16xf32>
      %get3A_623 = arith.index_cast %scan3A_19 : i32 to index
      %get3A_624 = arith.constant 592 : index
      %get3A_625 = tpu.vector_load %arg9[%get3A_623, %get3A_624] {strides = array<i32>} : memref<64x768xf32, #tpu.memory_space<vmem>>, vector<1x16xf32>,
      %get3A_626 = vector.shape_cast %get3A_625 : vector<1x16xf32> to vector<16xf32>
      %mul3A_627 = arith.mulf %get3A_23, %get3A_622 : vector<16xf32>
      %mul3A_628 = arith.mulf %get3A_27, %get3A_626 : vector<16xf32>
      %add3A_629 = arith.addf %mul3A_627, %mul3A_628 : vector<16xf32>
      %swap3A_630 = arith.index_cast %scan3A_19 : i32 to index
      %swap3A_631 = arith.constant 592 : index
      %swap3A_632 = tpu.vector_load %arg8[%swap3A_630, %swap3A_631] {strides = array<i32>} : memref<64x768xf32, #tpu.memory_space<vmem>>, vector<1x16xf32>,
      %swap3A_633 = vector.shape_cast %swap3A_632 : vector<1x16xf32> to vector<16xf32>
      %swap3A_634 = vector.shape_cast %add3A_629 : vector<16xf32> to vector<1x16xf32>
      tpu.vector_store %arg8[%swap3A_630, %swap3A_631], %swap3A_634 {strides = array<i32>} : memref<64x768xf32, #tpu.memory_space<vmem>>, vector<1x16xf32>,
      %get3A_635 = arith.index_cast %scan3A_19 : i32 to index
      %get3A_636 = arith.constant 608 : index
      %get3A_637 = tpu.vector_load %arg8[%get3A_635, %get3A_636] {strides = array<i32>} : memref<64x768xf32, #tpu.memory_space<vmem>>, vector<1x16xf32>,
      %get3A_638 = vector.shape_cast %get3A_637 : vector<1x16xf32> to vector<16xf32>
      %get3A_639 = arith.index_cast %scan3A_19 : i32 to index
      %get3A_640 = arith.constant 608 : index
      %get3A_641 = tpu.vector_load %arg9[%get3A_639, %get3A_640] {strides = array<i32>} : memref<64x768xf32, #tpu.memory_space<vmem>>, vector<1x16xf32>,
      %get3A_642 = vector.shape_cast %get3A_641 : vector<1x16xf32> to vector<16xf32>
      %mul3A_643 = arith.mulf %get3A_23, %get3A_638 : vector<16xf32>
      %mul3A_644 = arith.mulf %get3A_27, %get3A_642 : vector<16xf32>
      %add3A_645 = arith.addf %mul3A_643, %mul3A_644 : vector<16xf32>
      %swap3A_646 = arith.index_cast %scan3A_19 : i32 to index
      %swap3A_647 = arith.constant 608 : index
      %swap3A_648 = tpu.vector_load %arg8[%swap3A_646, %swap3A_647] {strides = array<i32>} : memref<64x768xf32, #tpu.memory_space<vmem>>, vector<1x16xf32>,
      %swap3A_649 = vector.shape_cast %swap3A_648 : vector<1x16xf32> to vector<16xf32>
      %swap3A_650 = vector.shape_cast %add3A_645 : vector<16xf32> to vector<1x16xf32>
      tpu.vector_store %arg8[%swap3A_646, %swap3A_647], %swap3A_650 {strides = array<i32>} : memref<64x768xf32, #tpu.memory_space<vmem>>, vector<1x16xf32>,
      %get3A_651 = arith.index_cast %scan3A_19 : i32 to index
      %get3A_652 = arith.constant 624 : index
      %get3A_653 = tpu.vector_load %arg8[%get3A_651, %get3A_652] {strides = array<i32>} : memref<64x768xf32, #tpu.memory_space<vmem>>, vector<1x16xf32>,
      %get3A_654 = vector.shape_cast %get3A_653 : vector<1x16xf32> to vector<16xf32>
      %get3A_655 = arith.index_cast %scan3A_19 : i32 to index
      %get3A_656 = arith.constant 624 : index
      %get3A_657 = tpu.vector_load %arg9[%get3A_655, %get3A_656] {strides = array<i32>} : memref<64x768xf32, #tpu.memory_space<vmem>>, vector<1x16xf32>,
      %get3A_658 = vector.shape_cast %get3A_657 : vector<1x16xf32> to vector<16xf32>
      %mul3A_659 = arith.mulf %get3A_23, %get3A_654 : vector<16xf32>
      %mul3A_660 = arith.mulf %get3A_27, %get3A_658 : vector<16xf32>
      %add3A_661 = arith.addf %mul3A_659, %mul3A_660 : vector<16xf32>
      %swap3A_662 = arith.index_cast %scan3A_19 : i32 to index
      %swap3A_663 = arith.constant 624 : index
      %swap3A_664 = tpu.vector_load %arg8[%swap3A_662, %swap3A_663] {strides = array<i32>} : memref<64x768xf32, #tpu.memory_space<vmem>>, vector<1x16xf32>,
      %swap3A_665 = vector.shape_cast %swap3A_664 : vector<1x16xf32> to vector<16xf32>
      %swap3A_666 = vector.shape_cast %add3A_661 : vector<16xf32> to vector<1x16xf32>
      tpu.vector_store %arg8[%swap3A_662, %swap3A_663], %swap3A_666 {strides = array<i32>} : memref<64x768xf32, #tpu.memory_space<vmem>>, vector<1x16xf32>,
      %get3A_667 = arith.index_cast %scan3A_19 : i32 to index
      %get3A_668 = arith.constant 640 : index
      %get3A_669 = tpu.vector_load %arg8[%get3A_667, %get3A_668] {strides = array<i32>} : memref<64x768xf32, #tpu.memory_space<vmem>>, vector<1x16xf32>,
      %get3A_670 = vector.shape_cast %get3A_669 : vector<1x16xf32> to vector<16xf32>
      %get3A_671 = arith.index_cast %scan3A_19 : i32 to index
      %get3A_672 = arith.constant 640 : index
      %get3A_673 = tpu.vector_load %arg9[%get3A_671, %get3A_672] {strides = array<i32>} : memref<64x768xf32, #tpu.memory_space<vmem>>, vector<1x16xf32>,
      %get3A_674 = vector.shape_cast %get3A_673 : vector<1x16xf32> to vector<16xf32>
      %mul3A_675 = arith.mulf %get3A_23, %get3A_670 : vector<16xf32>
      %mul3A_676 = arith.mulf %get3A_27, %get3A_674 : vector<16xf32>
      %add3A_677 = arith.addf %mul3A_675, %mul3A_676 : vector<16xf32>
      %swap3A_678 = arith.index_cast %scan3A_19 : i32 to index
      %swap3A_679 = arith.constant 640 : index
      %swap3A_680 = tpu.vector_load %arg8[%swap3A_678, %swap3A_679] {strides = array<i32>} : memref<64x768xf32, #tpu.memory_space<vmem>>, vector<1x16xf32>,
      %swap3A_681 = vector.shape_cast %swap3A_680 : vector<1x16xf32> to vector<16xf32>
      %swap3A_682 = vector.shape_cast %add3A_677 : vector<16xf32> to vector<1x16xf32>
      tpu.vector_store %arg8[%swap3A_678, %swap3A_679], %swap3A_682 {strides = array<i32>} : memref<64x768xf32, #tpu.memory_space<vmem>>, vector<1x16xf32>,
      %get3A_683 = arith.index_cast %scan3A_19 : i32 to index
      %get3A_684 = arith.constant 656 : index
      %get3A_685 = tpu.vector_load %arg8[%get3A_683, %get3A_684] {strides = array<i32>} : memref<64x768xf32, #tpu.memory_space<vmem>>, vector<1x16xf32>,
      %get3A_686 = vector.shape_cast %get3A_685 : vector<1x16xf32> to vector<16xf32>
      %get3A_687 = arith.index_cast %scan3A_19 : i32 to index
      %get3A_688 = arith.constant 656 : index
      %get3A_689 = tpu.vector_load %arg9[%get3A_687, %get3A_688] {strides = array<i32>} : memref<64x768xf32, #tpu.memory_space<vmem>>, vector<1x16xf32>,
      %get3A_690 = vector.shape_cast %get3A_689 : vector<1x16xf32> to vector<16xf32>
      %mul3A_691 = arith.mulf %get3A_23, %get3A_686 : vector<16xf32>
      %mul3A_692 = arith.mulf %get3A_27, %get3A_690 : vector<16xf32>
      %add3A_693 = arith.addf %mul3A_691, %mul3A_692 : vector<16xf32>
      %swap3A_694 = arith.index_cast %scan3A_19 : i32 to index
      %swap3A_695 = arith.constant 656 : index
      %swap3A_696 = tpu.vector_load %arg8[%swap3A_694, %swap3A_695] {strides = array<i32>} : memref<64x768xf32, #tpu.memory_space<vmem>>, vector<1x16xf32>,
      %swap3A_697 = vector.shape_cast %swap3A_696 : vector<1x16xf32> to vector<16xf32>
      %swap3A_698 = vector.shape_cast %add3A_693 : vector<16xf32> to vector<1x16xf32>
      tpu.vector_store %arg8[%swap3A_694, %swap3A_695], %swap3A_698 {strides = array<i32>} : memref<64x768xf32, #tpu.memory_space<vmem>>, vector<1x16xf32>,
      %get3A_699 = arith.index_cast %scan3A_19 : i32 to index
      %get3A_700 = arith.constant 672 : index
      %get3A_701 = tpu.vector_load %arg8[%get3A_699, %get3A_700] {strides = array<i32>} : memref<64x768xf32, #tpu.memory_space<vmem>>, vector<1x16xf32>,
      %get3A_702 = vector.shape_cast %get3A_701 : vector<1x16xf32> to vector<16xf32>
      %get3A_703 = arith.index_cast %scan3A_19 : i32 to index
      %get3A_704 = arith.constant 672 : index
      %get3A_705 = tpu.vector_load %arg9[%get3A_703, %get3A_704] {strides = array<i32>} : memref<64x768xf32, #tpu.memory_space<vmem>>, vector<1x16xf32>,
      %get3A_706 = vector.shape_cast %get3A_705 : vector<1x16xf32> to vector<16xf32>
      %mul3A_707 = arith.mulf %get3A_23, %get3A_702 : vector<16xf32>
      %mul3A_708 = arith.mulf %get3A_27, %get3A_706 : vector<16xf32>
      %add3A_709 = arith.addf %mul3A_707, %mul3A_708 : vector<16xf32>
      %swap3A_710 = arith.index_cast %scan3A_19 : i32 to index
      %swap3A_711 = arith.constant 672 : index
      %swap3A_712 = tpu.vector_load %arg8[%swap3A_710, %swap3A_711] {strides = array<i32>} : memref<64x768xf32, #tpu.memory_space<vmem>>, vector<1x16xf32>,
      %swap3A_713 = vector.shape_cast %swap3A_712 : vector<1x16xf32> to vector<16xf32>
      %swap3A_714 = vector.shape_cast %add3A_709 : vector<16xf32> to vector<1x16xf32>
      tpu.vector_store %arg8[%swap3A_710, %swap3A_711], %swap3A_714 {strides = array<i32>} : memref<64x768xf32, #tpu.memory_space<vmem>>, vector<1x16xf32>,
      %get3A_715 = arith.index_cast %scan3A_19 : i32 to index
      %get3A_716 = arith.constant 688 : index
      %get3A_717 = tpu.vector_load %arg8[%get3A_715, %get3A_716] {strides = array<i32>} : memref<64x768xf32, #tpu.memory_space<vmem>>, vector<1x16xf32>,
      %get3A_718 = vector.shape_cast %get3A_717 : vector<1x16xf32> to vector<16xf32>
      %get3A_719 = arith.index_cast %scan3A_19 : i32 to index
      %get3A_720 = arith.constant 688 : index
      %get3A_721 = tpu.vector_load %arg9[%get3A_719, %get3A_720] {strides = array<i32>} : memref<64x768xf32, #tpu.memory_space<vmem>>, vector<1x16xf32>,
      %get3A_722 = vector.shape_cast %get3A_721 : vector<1x16xf32> to vector<16xf32>
      %mul3A_723 = arith.mulf %get3A_23, %get3A_718 : vector<16xf32>
      %mul3A_724 = arith.mulf %get3A_27, %get3A_722 : vector<16xf32>
      %add3A_725 = arith.addf %mul3A_723, %mul3A_724 : vector<16xf32>
      %swap3A_726 = arith.index_cast %scan3A_19 : i32 to index
      %swap3A_727 = arith.constant 688 : index
      %swap3A_728 = tpu.vector_load %arg8[%swap3A_726, %swap3A_727] {strides = array<i32>} : memref<64x768xf32, #tpu.memory_space<vmem>>, vector<1x16xf32>,
      %swap3A_729 = vector.shape_cast %swap3A_728 : vector<1x16xf32> to vector<16xf32>
      %swap3A_730 = vector.shape_cast %add3A_725 : vector<16xf32> to vector<1x16xf32>
      tpu.vector_store %arg8[%swap3A_726, %swap3A_727], %swap3A_730 {strides = array<i32>} : memref<64x768xf32, #tpu.memory_space<vmem>>, vector<1x16xf32>,
      %get3A_731 = arith.index_cast %scan3A_19 : i32 to index
      %get3A_732 = arith.constant 704 : index
      %get3A_733 = tpu.vector_load %arg8[%get3A_731, %get3A_732] {strides = array<i32>} : memref<64x768xf32, #tpu.memory_space<vmem>>, vector<1x16xf32>,
      %get3A_734 = vector.shape_cast %get3A_733 : vector<1x16xf32> to vector<16xf32>
      %get3A_735 = arith.index_cast %scan3A_19 : i32 to index
      %get3A_736 = arith.constant 704 : index
      %get3A_737 = tpu.vector_load %arg9[%get3A_735, %get3A_736] {strides = array<i32>} : memref<64x768xf32, #tpu.memory_space<vmem>>, vector<1x16xf32>,
      %get3A_738 = vector.shape_cast %get3A_737 : vector<1x16xf32> to vector<16xf32>
      %mul3A_739 = arith.mulf %get3A_23, %get3A_734 : vector<16xf32>
      %mul3A_740 = arith.mulf %get3A_27, %get3A_738 : vector<16xf32>
      %add3A_741 = arith.addf %mul3A_739, %mul3A_740 : vector<16xf32>
      %swap3A_742 = arith.index_cast %scan3A_19 : i32 to index
      %swap3A_743 = arith.constant 704 : index
      %swap3A_744 = tpu.vector_load %arg8[%swap3A_742, %swap3A_743] {strides = array<i32>} : memref<64x768xf32, #tpu.memory_space<vmem>>, vector<1x16xf32>,
      %swap3A_745 = vector.shape_cast %swap3A_744 : vector<1x16xf32> to vector<16xf32>
      %swap3A_746 = vector.shape_cast %add3A_741 : vector<16xf32> to vector<1x16xf32>
      tpu.vector_store %arg8[%swap3A_742, %swap3A_743], %swap3A_746 {strides = array<i32>} : memref<64x768xf32, #tpu.memory_space<vmem>>, vector<1x16xf32>,
      %get3A_747 = arith.index_cast %scan3A_19 : i32 to index
      %get3A_748 = arith.constant 720 : index
      %get3A_749 = tpu.vector_load %arg8[%get3A_747, %get3A_748] {strides = array<i32>} : memref<64x768xf32, #tpu.memory_space<vmem>>, vector<1x16xf32>,
      %get3A_750 = vector.shape_cast %get3A_749 : vector<1x16xf32> to vector<16xf32>
      %get3A_751 = arith.index_cast %scan3A_19 : i32 to index
      %get3A_752 = arith.constant 720 : index
      %get3A_753 = tpu.vector_load %arg9[%get3A_751, %get3A_752] {strides = array<i32>} : memref<64x768xf32, #tpu.memory_space<vmem>>, vector<1x16xf32>,
      %get3A_754 = vector.shape_cast %get3A_753 : vector<1x16xf32> to vector<16xf32>
      %mul3A_755 = arith.mulf %get3A_23, %get3A_750 : vector<16xf32>
      %mul3A_756 = arith.mulf %get3A_27, %get3A_754 : vector<16xf32>
      %add3A_757 = arith.addf %mul3A_755, %mul3A_756 : vector<16xf32>
      %swap3A_758 = arith.index_cast %scan3A_19 : i32 to index
      %swap3A_759 = arith.constant 720 : index
      %swap3A_760 = tpu.vector_load %arg8[%swap3A_758, %swap3A_759] {strides = array<i32>} : memref<64x768xf32, #tpu.memory_space<vmem>>, vector<1x16xf32>,
      %swap3A_761 = vector.shape_cast %swap3A_760 : vector<1x16xf32> to vector<16xf32>
      %swap3A_762 = vector.shape_cast %add3A_757 : vector<16xf32> to vector<1x16xf32>
      tpu.vector_store %arg8[%swap3A_758, %swap3A_759], %swap3A_762 {strides = array<i32>} : memref<64x768xf32, #tpu.memory_space<vmem>>, vector<1x16xf32>,
      %get3A_763 = arith.index_cast %scan3A_19 : i32 to index
      %get3A_764 = arith.constant 736 : index
      %get3A_765 = tpu.vector_load %arg8[%get3A_763, %get3A_764] {strides = array<i32>} : memref<64x768xf32, #tpu.memory_space<vmem>>, vector<1x16xf32>,
      %get3A_766 = vector.shape_cast %get3A_765 : vector<1x16xf32> to vector<16xf32>
      %get3A_767 = arith.index_cast %scan3A_19 : i32 to index
      %get3A_768 = arith.constant 736 : index
      %get3A_769 = tpu.vector_load %arg9[%get3A_767, %get3A_768] {strides = array<i32>} : memref<64x768xf32, #tpu.memory_space<vmem>>, vector<1x16xf32>,
      %get3A_770 = vector.shape_cast %get3A_769 : vector<1x16xf32> to vector<16xf32>
      %mul3A_771 = arith.mulf %get3A_23, %get3A_766 : vector<16xf32>
      %mul3A_772 = arith.mulf %get3A_27, %get3A_770 : vector<16xf32>
      %add3A_773 = arith.addf %mul3A_771, %mul3A_772 : vector<16xf32>
      %swap3A_774 = arith.index_cast %scan3A_19 : i32 to index
      %swap3A_775 = arith.constant 736 : index
      %swap3A_776 = tpu.vector_load %arg8[%swap3A_774, %swap3A_775] {strides = array<i32>} : memref<64x768xf32, #tpu.memory_space<vmem>>, vector<1x16xf32>,
      %swap3A_777 = vector.shape_cast %swap3A_776 : vector<1x16xf32> to vector<16xf32>
      %swap3A_778 = vector.shape_cast %add3A_773 : vector<16xf32> to vector<1x16xf32>
      tpu.vector_store %arg8[%swap3A_774, %swap3A_775], %swap3A_778 {strides = array<i32>} : memref<64x768xf32, #tpu.memory_space<vmem>>, vector<1x16xf32>,
      %get3A_779 = arith.index_cast %scan3A_19 : i32 to index
      %get3A_780 = arith.constant 752 : index
      %get3A_781 = tpu.vector_load %arg8[%get3A_779, %get3A_780] {strides = array<i32>} : memref<64x768xf32, #tpu.memory_space<vmem>>, vector<1x16xf32>,
      %get3A_782 = vector.shape_cast %get3A_781 : vector<1x16xf32> to vector<16xf32>
      %get3A_783 = arith.index_cast %scan3A_19 : i32 to index
      %get3A_784 = arith.constant 752 : index
      %get3A_785 = tpu.vector_load %arg9[%get3A_783, %get3A_784] {strides = array<i32>} : memref<64x768xf32, #tpu.memory_space<vmem>>, vector<1x16xf32>,
      %get3A_786 = vector.shape_cast %get3A_785 : vector<1x16xf32> to vector<16xf32>
      %mul3A_787 = arith.mulf %get3A_23, %get3A_782 : vector<16xf32>
      %mul3A_788 = arith.mulf %get3A_27, %get3A_786 : vector<16xf32>
      %add3A_789 = arith.addf %mul3A_787, %mul3A_788 : vector<16xf32>
      %swap3A_790 = arith.index_cast %scan3A_19 : i32 to index
      %swap3A_791 = arith.constant 752 : index
      %swap3A_792 = tpu.vector_load %arg8[%swap3A_790, %swap3A_791] {strides = array<i32>} : memref<64x768xf32, #tpu.memory_space<vmem>>, vector<1x16xf32>,
      %swap3A_793 = vector.shape_cast %swap3A_792 : vector<1x16xf32> to vector<16xf32>
      %swap3A_794 = vector.shape_cast %add3A_789 : vector<16xf32> to vector<1x16xf32>
      tpu.vector_store %arg8[%swap3A_790, %swap3A_791], %swap3A_794 {strides = array<i32>} : memref<64x768xf32, #tpu.memory_space<vmem>>, vector<1x16xf32>,
      %scan3A_795 = arith.constant 0 : i32
      scf.yield %scan3A_795 : i32
    }
    %scan3A_18 = arith.constant 64 : i32
    "tpu.region"() ({
      %run_scoped3A = tpu.sem_alloc : memref<!tpu.dma_semaphore, #tpu.memory_space<semaphore_mem>>
      %dma_start3A_19 = arith.constant 0 : i32
      %dma_start3A_20 = tpu.memref_slice %arg5[%mul3A_2, %dma_start3A_19] : memref<2048x768xf32, #tpu.memory_space<hbm>> -> memref<64x768xf32, #tpu.memory_space<hbm>>
      %dma_start3A_21 = arith.constant 0 : i32
      %dma_start3A_22 = tpu.memref_slice %arg5[%mul3A_2, %dma_start3A_21] : memref<2048x768xf32, #tpu.memory_space<hbm>> -> memref<64x768xf32, #tpu.memory_space<hbm>>
      tpu.enqueue_dma source(%arg8 : memref<64x768xf32, #tpu.memory_space<vmem>>) target(%dma_start3A_22 : memref<64x768xf32, #tpu.memory_space<hbm>>) target_semaphore(%run_scoped3A : memref<!tpu.dma_semaphore, #tpu.memory_space<semaphore_mem>>)
      %dma_wait3A_23 = arith.constant 0 : i32
      %dma_wait3A_24 = tpu.memref_slice %arg5[%mul3A_2, %dma_wait3A_23] : memref<2048x768xf32, #tpu.memory_space<hbm>> -> memref<64x768xf32, #tpu.memory_space<hbm>>
      %dma_wait3A_25 = arith.constant 0 : i32
      %dma_wait3A_26 = tpu.memref_slice %arg5[%mul3A_2, %dma_wait3A_25] : memref<2048x768xf32, #tpu.memory_space<hbm>> -> memref<64x768xf32, #tpu.memory_space<hbm>>
      tpu.wait_dma2 semaphore(%run_scoped3A : memref<!tpu.dma_semaphore, #tpu.memory_space<semaphore_mem>>) src(%arg8 : memref<64x768xf32, #tpu.memory_space<vmem>>) dst(%dma_wait3A_26 : memref<64x768xf32, #tpu.memory_space<hbm>>)
      tpu.yield
    }) : () -> ()
    return
  }
}

module attributes {stable_mosaic.version = 14 : i64} {
  func.func @_ff_body(%arg0: i32, %arg1: memref<2x512x768xf32, #tpu.memory_space<vmem>>, %arg2: memref<2x512x128xf32, #tpu.memory_space<vmem>>, %arg3: memref<1x768x1024xf32, #tpu.memory_space<vmem>>, %arg4: memref<1x768x1024xf32, #tpu.memory_space<vmem>>, %arg5: memref<1x1024x768xf32, #tpu.memory_space<vmem>>, %arg6: memref<1x512x768xf32, #tpu.memory_space<vmem>>) attributes {dimension_semantics = [#tpu.dimension_semantics<arbitrary>], iteration_bounds = array<i64: 8>, scalar_prefetch = 0 : i64, scratch_operands = 0 : i64, tpu.core_type = #tpu.core_type<tc>, window_params = [{transform_indices = @transform_0, window_bounds = array<i64: 2, 512, 768>}, {transform_indices = @transform_1, window_bounds = array<i64: 2, 512, 128>}, {transform_indices = @transform_2, window_bounds = array<i64: 1, 768, 1024>}, {transform_indices = @transform_3, window_bounds = array<i64: 1, 768, 1024>}, {transform_indices = @transform_4, window_bounds = array<i64: 1, 1024, 768>}, {transform_indices = @transform_5, window_bounds = array<i64: 1, 512, 768>}]} {
    %get3A = arith.constant 0 : index
    %get3A_0 = arith.constant 0 : index
    %get3A_1 = arith.constant 0 : index
    %get3A_2 = vector.load %arg2[%get3A, %get3A_0, %get3A_1] : memref<2x512x128xf32, #tpu.memory_space<vmem>>, vector<1x512x128xf32>
    %get3A_3 = vector.shape_cast %get3A_2 : vector<1x512x128xf32> to vector<512x128xf32>
    %slice3A = vector.extract_strided_slice %get3A_3 {offsets = [0, 0], sizes = [512, 1], strides = [1, 1]} : vector<512x128xf32> to vector<512x1xf32>
    %gt3A = arith.constant 0.000000e+00 : f32
    %gt3A_4 = vector.broadcast %gt3A : f32 to vector<512x1xf32>
    %gt3A_5 = arith.cmpf ogt, %slice3A, %gt3A_4 : vector<512x1xf32>
    %get3A_6 = arith.constant 1 : index
    %get3A_7 = arith.constant 0 : index
    %get3A_8 = arith.constant 0 : index
    %get3A_9 = vector.load %arg2[%get3A_6, %get3A_7, %get3A_8] : memref<2x512x128xf32, #tpu.memory_space<vmem>>, vector<1x512x128xf32>
    %get3A_10 = vector.shape_cast %get3A_9 : vector<1x512x128xf32> to vector<512x128xf32>
    %slice3A_11 = vector.extract_strided_slice %get3A_10 {offsets = [0, 0], sizes = [512, 1], strides = [1, 1]} : vector<512x128xf32> to vector<512x1xf32>
    %gt3A_12 = arith.constant 0.000000e+00 : f32
    %gt3A_13 = vector.broadcast %gt3A_12 : f32 to vector<512x1xf32>
    %gt3A_14 = arith.cmpf ogt, %slice3A_11, %gt3A_13 : vector<512x1xf32>
    %get3A_15 = arith.constant 0 : index
    %get3A_16 = arith.constant 0 : index
    %get3A_17 = arith.constant 0 : index
    %get3A_18 = vector.load %arg1[%get3A_15, %get3A_16, %get3A_17] : memref<2x512x768xf32, #tpu.memory_space<vmem>>, vector<1x512x768xf32>
    %get3A_19 = vector.shape_cast %get3A_18 : vector<1x512x768xf32> to vector<512x768xf32>
    %jit3A = arith.constant 0.000000e+00 : f32
    %broadcast_in_dim3A = vector.shape_cast %gt3A_5 : vector<512x1xi1> to vector<512x1xi1>
    %broadcast_in_dim3A_20 = vector.broadcast %broadcast_in_dim3A : vector<512x1xi1> to vector<512x768xi1>
    %broadcast_in_dim3A_21 = vector.broadcast %jit3A : f32 to vector<512x768xf32>
    %select_n3A = arith.select %broadcast_in_dim3A_20, %get3A_19, %broadcast_in_dim3A_21 : vector<512x768xi1>, vector<512x768xf32>
    %get3A_22 = arith.constant 1 : index
    %get3A_23 = arith.constant 0 : index
    %get3A_24 = arith.constant 0 : index
    %get3A_25 = vector.load %arg1[%get3A_22, %get3A_23, %get3A_24] : memref<2x512x768xf32, #tpu.memory_space<vmem>>, vector<1x512x768xf32>
    %get3A_26 = vector.shape_cast %get3A_25 : vector<1x512x768xf32> to vector<512x768xf32>
    %jit3A_27 = arith.constant 0.000000e+00 : f32
    %broadcast_in_dim3A_28 = vector.shape_cast %gt3A_14 : vector<512x1xi1> to vector<512x1xi1>
    %broadcast_in_dim3A_29 = vector.broadcast %broadcast_in_dim3A_28 : vector<512x1xi1> to vector<512x768xi1>
    %broadcast_in_dim3A_30 = vector.broadcast %jit3A_27 : f32 to vector<512x768xf32>
    %select_n3A_31 = arith.select %broadcast_in_dim3A_29, %get3A_26, %broadcast_in_dim3A_30 : vector<512x768xi1>, vector<512x768xf32>
    %add3A = arith.addf %select_n3A, %select_n3A_31 : vector<512x768xf32>
    %convert_element_type3A = arith.truncf %add3A : vector<512x768xf32> to vector<512x768xbf16>
    %get3A_32 = arith.constant 0 : index
    %get3A_33 = arith.constant 0 : index
    %get3A_34 = arith.constant 0 : index
    %get3A_35 = vector.load %arg4[%get3A_32, %get3A_33, %get3A_34] : memref<1x768x1024xf32, #tpu.memory_space<vmem>>, vector<1x768x1024xf32>
    %get3A_36 = vector.shape_cast %get3A_35 : vector<1x768x1024xf32> to vector<768x1024xf32>
    %convert_element_type3A_37 = arith.truncf %get3A_36 : vector<768x1024xf32> to vector<768x1024xbf16>
    %dot_general3A = arith.constant dense<0.000000e+00> : vector<512x1024xf32>
    %dot_general3A_38 = tpu.matmul %convert_element_type3A, %convert_element_type3A_37, %dot_general3A {dimension_numbers = #tpu.dot_dimension_numbers<[1], [0], [0], [1], [0, 0, 1, 1], [], []>, transpose_lhs_hint = false} : vector<512x768xbf16>, vector<768x1024xbf16>, vector<512x1024xf32> -> vector<512x1024xf32>
    %get3A_39 = arith.constant 0 : index
    %get3A_40 = arith.constant 0 : index
    %get3A_41 = arith.constant 0 : index
    %get3A_42 = vector.load %arg3[%get3A_39, %get3A_40, %get3A_41] : memref<1x768x1024xf32, #tpu.memory_space<vmem>>, vector<1x768x1024xf32>
    %get3A_43 = vector.shape_cast %get3A_42 : vector<1x768x1024xf32> to vector<768x1024xf32>
    %convert_element_type3A_44 = arith.truncf %get3A_43 : vector<768x1024xf32> to vector<768x1024xbf16>
    %dot_general3A_45 = arith.constant dense<0.000000e+00> : vector<512x1024xf32>
    %dot_general3A_46 = tpu.matmul %convert_element_type3A, %convert_element_type3A_44, %dot_general3A_45 {dimension_numbers = #tpu.dot_dimension_numbers<[1], [0], [0], [1], [0, 0, 1, 1], [], []>, transpose_lhs_hint = false} : vector<512x768xbf16>, vector<768x1024xbf16>, vector<512x1024xf32> -> vector<512x1024xf32>
    %mul3A = arith.mulf %dot_general3A_38, %dot_general3A_46 : vector<512x1024xf32>
    %integer_pow3A = arith.mulf %mul3A, %mul3A : vector<512x1024xf32>
    %integer_pow3A_47 = arith.mulf %mul3A, %integer_pow3A : vector<512x1024xf32>
    %mul3A_48 = arith.constant 4.471500e-02 : f32
    %mul3A_49 = vector.broadcast %mul3A_48 : f32 to vector<512x1024xf32>
    %mul3A_50 = arith.mulf %mul3A_49, %integer_pow3A_47 : vector<512x1024xf32>
    %add3A_51 = arith.addf %mul3A, %mul3A_50 : vector<512x1024xf32>
    %mul3A_52 = arith.constant 0.797884583 : f32
    %mul3A_53 = vector.broadcast %mul3A_52 : f32 to vector<512x1024xf32>
    %mul3A_54 = arith.mulf %mul3A_53, %add3A_51 : vector<512x1024xf32>
    %tanh3A = math.tanh %mul3A_54 : vector<512x1024xf32>
    %add3A_55 = arith.constant 1.000000e+00 : f32
    %add3A_56 = vector.broadcast %add3A_55 : f32 to vector<512x1024xf32>
    %add3A_57 = arith.addf %add3A_56, %tanh3A : vector<512x1024xf32>
    %mul3A_58 = arith.constant 5.000000e-01 : f32
    %mul3A_59 = vector.broadcast %mul3A_58 : f32 to vector<512x1024xf32>
    %mul3A_60 = arith.mulf %mul3A_59, %add3A_57 : vector<512x1024xf32>
    %mul3A_61 = arith.mulf %mul3A, %mul3A_60 : vector<512x1024xf32>
    %convert_element_type3A_62 = arith.truncf %mul3A_61 : vector<512x1024xf32> to vector<512x1024xbf16>
    %get3A_63 = arith.constant 0 : index
    %get3A_64 = arith.constant 0 : index
    %get3A_65 = arith.constant 0 : index
    %get3A_66 = vector.load %arg5[%get3A_63, %get3A_64, %get3A_65] : memref<1x1024x768xf32, #tpu.memory_space<vmem>>, vector<1x1024x768xf32>
    %get3A_67 = vector.shape_cast %get3A_66 : vector<1x1024x768xf32> to vector<1024x768xf32>
    %convert_element_type3A_68 = arith.truncf %get3A_67 : vector<1024x768xf32> to vector<1024x768xbf16>
    %dot_general3A_69 = arith.constant dense<0.000000e+00> : vector<512x768xf32>
    %dot_general3A_70 = tpu.matmul %convert_element_type3A_62, %convert_element_type3A_68, %dot_general3A_69 {dimension_numbers = #tpu.dot_dimension_numbers<[1], [0], [0], [1], [0, 0, 1, 1], [], []>, transpose_lhs_hint = false} : vector<512x1024xbf16>, vector<1024x768xbf16>, vector<512x768xf32> -> vector<512x768xf32>
    %swap3A = arith.constant 0 : index
    %swap3A_71 = arith.constant 0 : index
    %swap3A_72 = arith.constant 0 : index
    %swap3A_73 = vector.load %arg6[%swap3A, %swap3A_71, %swap3A_72] : memref<1x512x768xf32, #tpu.memory_space<vmem>>, vector<1x512x768xf32>
    %swap3A_74 = vector.shape_cast %swap3A_73 : vector<1x512x768xf32> to vector<512x768xf32>
    %swap3A_75 = vector.shape_cast %dot_general3A_70 : vector<512x768xf32> to vector<1x512x768xf32>
    tpu.vector_store %arg6[%swap3A, %swap3A_71, %swap3A_72], %swap3A_75 {strides = array<i32>} : memref<1x512x768xf32, #tpu.memory_space<vmem>>, vector<1x512x768xf32>,
    return
  }
  func.func @transform_0(%arg0: i32) -> (i32, i32, i32) {
    %c0_i32 = arith.constant 0 : i32
    %c0_i32_0 = arith.constant 0 : i32
    %c0_i32_1 = arith.constant 0 : i32
    return %c0_i32, %arg0, %c0_i32_0 : i32, i32, i32
  }
  func.func @transform_1(%arg0: i32) -> (i32, i32, i32) {
    %c0_i32 = arith.constant 0 : i32
    %c0_i32_0 = arith.constant 0 : i32
    %c0_i32_1 = arith.constant 0 : i32
    return %c0_i32, %arg0, %c0_i32_0 : i32, i32, i32
  }
  func.func @transform_2(%arg0: i32) -> (i32, i32, i32) {
    %c0_i32 = arith.constant 0 : i32
    %c0_i32_0 = arith.constant 0 : i32
    %c0_i32_1 = arith.constant 0 : i32
    return %arg0, %c0_i32, %c0_i32_0 : i32, i32, i32
  }
  func.func @transform_3(%arg0: i32) -> (i32, i32, i32) {
    %c0_i32 = arith.constant 0 : i32
    %c0_i32_0 = arith.constant 0 : i32
    %c0_i32_1 = arith.constant 0 : i32
    return %arg0, %c0_i32, %c0_i32_0 : i32, i32, i32
  }
  func.func @transform_4(%arg0: i32) -> (i32, i32, i32) {
    %c0_i32 = arith.constant 0 : i32
    %c0_i32_0 = arith.constant 0 : i32
    %c0_i32_1 = arith.constant 0 : i32
    return %arg0, %c0_i32, %c0_i32_0 : i32, i32, i32
  }
  func.func @transform_5(%arg0: i32) -> (i32, i32, i32) {
    %c0_i32 = arith.constant 0 : i32
    %c0_i32_0 = arith.constant 0 : i32
    %c0_i32_1 = arith.constant 0 : i32
    return %c0_i32, %arg0, %c0_i32_0 : i32, i32, i32
  }
}

module attributes {stable_mosaic.version = 14 : i64} {
  func.func @_router_body(%arg0: memref<1x2048x768xf32, #tpu.memory_space<vmem>>, %arg1: memref<768x8xf32, #tpu.memory_space<vmem>>, %arg2: memref<1x8xf32, #tpu.memory_space<vmem>>, %arg3: memref<2048x32xf32, #tpu.memory_space<vmem>>, %arg4: memref<2048x8xi32, #tpu.memory_space<vmem>>) attributes {dimension_semantics = [], scalar_prefetch = 0 : i64, scratch_operands = 0 : i64, tpu.core_type = #tpu.core_type<tc>} {
    %get3A = arith.constant 0 : index
    %get3A_0 = arith.constant 0 : index
    %get3A_1 = arith.constant 0 : index
    %get3A_2 = vector.load %arg0[%get3A, %get3A_0, %get3A_1] : memref<1x2048x768xf32, #tpu.memory_space<vmem>>, vector<1x2048x768xf32>
    %get3A_3 = vector.shape_cast %get3A_2 : vector<1x2048x768xf32> to vector<2048x768xf32>
    %get3A_4 = arith.constant 0 : index
    %get3A_5 = arith.constant 0 : index
    %get3A_6 = vector.load %arg1[%get3A_4, %get3A_5] : memref<768x8xf32, #tpu.memory_space<vmem>>, vector<768x8xf32>
    %dot_general3A = arith.constant dense<0.000000e+00> : vector<2048x8xf32>
    %dot_general3A_7 = tpu.matmul %get3A_3, %get3A_6, %dot_general3A {dimension_numbers = #tpu.dot_dimension_numbers<[1], [0], [0], [1], [0, 0, 1, 1], [], []>, transpose_lhs_hint = false} : vector<2048x768xf32>, vector<768x8xf32>, vector<2048x8xf32> -> vector<2048x8xf32>
    %get3A_8 = arith.constant 0 : index
    %get3A_9 = arith.constant 0 : index
    %get3A_10 = vector.load %arg2[%get3A_8, %get3A_9] : memref<1x8xf32, #tpu.memory_space<vmem>>, vector<1x8xf32>
    %add3A = vector.broadcast %get3A_10 : vector<1x8xf32> to vector<2048x8xf32>
    %add3A_11 = arith.addf %dot_general3A_7, %add3A : vector<2048x8xf32>
    %iota3A = tpu.iota {dimensions = array<i32: 1>} : vector<2048x8xi32>
    %reduce_max3A = arith.constant dense<0xFF800000> : vector<2048xf32>
    %reduce_max3A_12 = vector.multi_reduction <maximumf>, %add3A_11, %reduce_max3A [1] : vector<2048x8xf32> to vector<2048xf32>
    %broadcast_in_dim3A = vector.shape_cast %reduce_max3A_12 : vector<2048xf32> to vector<2048x1xf32>
    %eq3A = vector.broadcast %broadcast_in_dim3A : vector<2048x1xf32> to vector<2048x8xf32>
    %eq3A_13 = arith.cmpf oeq, %add3A_11, %eq3A : vector<2048x8xf32>
    %jit3A = arith.constant 8 : i32
    %broadcast_in_dim3A_14 = vector.broadcast %jit3A : i32 to vector<2048x8xi32>
    %select_n3A = arith.select %eq3A_13, %iota3A, %broadcast_in_dim3A_14 : vector<2048x8xi1>, vector<2048x8xi32>
    %reduce_min3A = arith.constant dense<2147483647> : vector<2048xi32>
    %reduce_min3A_15 = vector.multi_reduction <minsi>, %select_n3A, %reduce_min3A [1] : vector<2048x8xi32> to vector<2048xi32>
    %broadcast_in_dim3A_16 = vector.shape_cast %reduce_min3A_15 : vector<2048xi32> to vector<2048x1xi32>
    %eq3A_17 = vector.broadcast %broadcast_in_dim3A_16 : vector<2048x1xi32> to vector<2048x8xi32>
    %eq3A_18 = arith.cmpi eq, %iota3A, %eq3A_17 : vector<2048x8xi32>
    %jit3A_19 = arith.constant 0xFF800000 : f32
    %broadcast_in_dim3A_20 = vector.broadcast %jit3A_19 : f32 to vector<2048x8xf32>
    %select_n3A_21 = arith.select %eq3A_18, %broadcast_in_dim3A_20, %add3A_11 : vector<2048x8xi1>, vector<2048x8xf32>
    %reduce_max3A_22 = arith.constant dense<0xFF800000> : vector<2048xf32>
    %reduce_max3A_23 = vector.multi_reduction <maximumf>, %select_n3A_21, %reduce_max3A_22 [1] : vector<2048x8xf32> to vector<2048xf32>
    %broadcast_in_dim3A_24 = vector.shape_cast %reduce_max3A_23 : vector<2048xf32> to vector<2048x1xf32>
    %eq3A_25 = vector.broadcast %broadcast_in_dim3A_24 : vector<2048x1xf32> to vector<2048x8xf32>
    %eq3A_26 = arith.cmpf oeq, %select_n3A_21, %eq3A_25 : vector<2048x8xf32>
    %jit3A_27 = arith.constant 8 : i32
    %broadcast_in_dim3A_28 = vector.broadcast %jit3A_27 : i32 to vector<2048x8xi32>
    %select_n3A_29 = arith.select %eq3A_26, %iota3A, %broadcast_in_dim3A_28 : vector<2048x8xi1>, vector<2048x8xi32>
    %reduce_min3A_30 = arith.constant dense<2147483647> : vector<2048xi32>
    %reduce_min3A_31 = vector.multi_reduction <minsi>, %select_n3A_29, %reduce_min3A_30 [1] : vector<2048x8xi32> to vector<2048xi32>
    %broadcast_in_dim3A_32 = vector.shape_cast %reduce_min3A_31 : vector<2048xi32> to vector<2048x1xi32>
    %eq3A_33 = vector.broadcast %broadcast_in_dim3A_32 : vector<2048x1xi32> to vector<2048x8xi32>
    %eq3A_34 = arith.cmpi eq, %iota3A, %eq3A_33 : vector<2048x8xi32>
    %sub3A = arith.subf %broadcast_in_dim3A_24, %broadcast_in_dim3A : vector<2048x1xf32>
    %exp3A = math.exp %sub3A : vector<2048x1xf32>
    %add3A_35 = arith.constant 1.000000e+00 : f32
    %add3A_36 = vector.broadcast %add3A_35 : f32 to vector<2048x1xf32>
    %add3A_37 = arith.addf %add3A_36, %exp3A : vector<2048x1xf32>
    %div3A = arith.constant 1.000000e+00 : f32
    %div3A_38 = vector.broadcast %div3A : f32 to vector<2048x1xf32>
    %div3A_39 = arith.divf %div3A_38, %add3A_37 : vector<2048x1xf32>
    %add3A_40 = arith.constant 1.000000e+00 : f32
    %add3A_41 = vector.broadcast %add3A_40 : f32 to vector<2048x1xf32>
    %add3A_42 = arith.addf %add3A_41, %exp3A : vector<2048x1xf32>
    %div3A_43 = arith.divf %exp3A, %add3A_42 : vector<2048x1xf32>
    %convert_element_type3A = arith.extui %eq3A_18 : vector<2048x8xi1> to vector<2048x8xi32>
    %convert_element_type3A_44 = arith.sitofp %convert_element_type3A : vector<2048x8xi32> to vector<2048x8xf32>
    %convert_element_type3A_45 = arith.extui %eq3A_34 : vector<2048x8xi1> to vector<2048x8xi32>
    %convert_element_type3A_46 = arith.sitofp %convert_element_type3A_45 : vector<2048x8xi32> to vector<2048x8xf32>
    %add3A_47 = arith.addf %convert_element_type3A_44, %convert_element_type3A_46 : vector<2048x8xf32>
    %concatenate3A = tpu.concatenate %convert_element_type3A_44, %add3A_47 in 1 : vector<2048x8xf32>, vector<2048x8xf32> -> vector<2048x16xf32>
    %iota3A_48 = tpu.iota {dimensions = array<i32: 0>} : vector<128x128xi32>
    %iota3A_49 = tpu.iota {dimensions = array<i32: 1>} : vector<128x128xi32>
    %le3A = arith.cmpi sle, %iota3A_49, %iota3A_48 : vector<128x128xi32>
    %convert_element_type3A_50 = arith.extui %le3A : vector<128x128xi1> to vector<128x128xi32>
    %convert_element_type3A_51 = arith.sitofp %convert_element_type3A_50 : vector<128x128xi32> to vector<128x128xf32>
    %slice3A = vector.extract_strided_slice %concatenate3A {offsets = [0, 0], sizes = [128, 16], strides = [1, 1]} : vector<2048x16xf32> to vector<128x16xf32>
    %dot_general3A_52 = arith.constant dense<0.000000e+00> : vector<128x16xf32>
    %dot_general3A_53 = tpu.matmul %convert_element_type3A_51, %slice3A, %dot_general3A_52 {dimension_numbers = #tpu.dot_dimension_numbers<[1], [0], [0], [1], [0, 0, 1, 1], [], []>, transpose_lhs_hint = false} : vector<128x128xf32>, vector<128x16xf32>, vector<128x16xf32> -> vector<128x16xf32>
    %slice3A_54 = vector.extract_strided_slice %concatenate3A {offsets = [128, 0], sizes = [128, 16], strides = [1, 1]} : vector<2048x16xf32> to vector<128x16xf32>
    %dot_general3A_55 = arith.constant dense<0.000000e+00> : vector<128x16xf32>
    %dot_general3A_56 = tpu.matmul %convert_element_type3A_51, %slice3A_54, %dot_general3A_55 {dimension_numbers = #tpu.dot_dimension_numbers<[1], [0], [0], [1], [0, 0, 1, 1], [], []>, transpose_lhs_hint = false} : vector<128x128xf32>, vector<128x16xf32>, vector<128x16xf32> -> vector<128x16xf32>
    %slice3A_57 = vector.extract_strided_slice %concatenate3A {offsets = [256, 0], sizes = [128, 16], strides = [1, 1]} : vector<2048x16xf32> to vector<128x16xf32>
    %dot_general3A_58 = arith.constant dense<0.000000e+00> : vector<128x16xf32>
    %dot_general3A_59 = tpu.matmul %convert_element_type3A_51, %slice3A_57, %dot_general3A_58 {dimension_numbers = #tpu.dot_dimension_numbers<[1], [0], [0], [1], [0, 0, 1, 1], [], []>, transpose_lhs_hint = false} : vector<128x128xf32>, vector<128x16xf32>, vector<128x16xf32> -> vector<128x16xf32>
    %slice3A_60 = vector.extract_strided_slice %concatenate3A {offsets = [384, 0], sizes = [128, 16], strides = [1, 1]} : vector<2048x16xf32> to vector<128x16xf32>
    %dot_general3A_61 = arith.constant dense<0.000000e+00> : vector<128x16xf32>
    %dot_general3A_62 = tpu.matmul %convert_element_type3A_51, %slice3A_60, %dot_general3A_61 {dimension_numbers = #tpu.dot_dimension_numbers<[1], [0], [0], [1], [0, 0, 1, 1], [], []>, transpose_lhs_hint = false} : vector<128x128xf32>, vector<128x16xf32>, vector<128x16xf32> -> vector<128x16xf32>
    %slice3A_63 = vector.extract_strided_slice %concatenate3A {offsets = [512, 0], sizes = [128, 16], strides = [1, 1]} : vector<2048x16xf32> to vector<128x16xf32>
    %dot_general3A_64 = arith.constant dense<0.000000e+00> : vector<128x16xf32>
    %dot_general3A_65 = tpu.matmul %convert_element_type3A_51, %slice3A_63, %dot_general3A_64 {dimension_numbers = #tpu.dot_dimension_numbers<[1], [0], [0], [1], [0, 0, 1, 1], [], []>, transpose_lhs_hint = false} : vector<128x128xf32>, vector<128x16xf32>, vector<128x16xf32> -> vector<128x16xf32>
    %slice3A_66 = vector.extract_strided_slice %concatenate3A {offsets = [640, 0], sizes = [128, 16], strides = [1, 1]} : vector<2048x16xf32> to vector<128x16xf32>
    %dot_general3A_67 = arith.constant dense<0.000000e+00> : vector<128x16xf32>
    %dot_general3A_68 = tpu.matmul %convert_element_type3A_51, %slice3A_66, %dot_general3A_67 {dimension_numbers = #tpu.dot_dimension_numbers<[1], [0], [0], [1], [0, 0, 1, 1], [], []>, transpose_lhs_hint = false} : vector<128x128xf32>, vector<128x16xf32>, vector<128x16xf32> -> vector<128x16xf32>
    %slice3A_69 = vector.extract_strided_slice %concatenate3A {offsets = [768, 0], sizes = [128, 16], strides = [1, 1]} : vector<2048x16xf32> to vector<128x16xf32>
    %dot_general3A_70 = arith.constant dense<0.000000e+00> : vector<128x16xf32>
    %dot_general3A_71 = tpu.matmul %convert_element_type3A_51, %slice3A_69, %dot_general3A_70 {dimension_numbers = #tpu.dot_dimension_numbers<[1], [0], [0], [1], [0, 0, 1, 1], [], []>, transpose_lhs_hint = false} : vector<128x128xf32>, vector<128x16xf32>, vector<128x16xf32> -> vector<128x16xf32>
    %slice3A_72 = vector.extract_strided_slice %concatenate3A {offsets = [896, 0], sizes = [128, 16], strides = [1, 1]} : vector<2048x16xf32> to vector<128x16xf32>
    %dot_general3A_73 = arith.constant dense<0.000000e+00> : vector<128x16xf32>
    %dot_general3A_74 = tpu.matmul %convert_element_type3A_51, %slice3A_72, %dot_general3A_73 {dimension_numbers = #tpu.dot_dimension_numbers<[1], [0], [0], [1], [0, 0, 1, 1], [], []>, transpose_lhs_hint = false} : vector<128x128xf32>, vector<128x16xf32>, vector<128x16xf32> -> vector<128x16xf32>
    %slice3A_75 = vector.extract_strided_slice %concatenate3A {offsets = [1024, 0], sizes = [128, 16], strides = [1, 1]} : vector<2048x16xf32> to vector<128x16xf32>
    %dot_general3A_76 = arith.constant dense<0.000000e+00> : vector<128x16xf32>
    %dot_general3A_77 = tpu.matmul %convert_element_type3A_51, %slice3A_75, %dot_general3A_76 {dimension_numbers = #tpu.dot_dimension_numbers<[1], [0], [0], [1], [0, 0, 1, 1], [], []>, transpose_lhs_hint = false} : vector<128x128xf32>, vector<128x16xf32>, vector<128x16xf32> -> vector<128x16xf32>
    %slice3A_78 = vector.extract_strided_slice %concatenate3A {offsets = [1152, 0], sizes = [128, 16], strides = [1, 1]} : vector<2048x16xf32> to vector<128x16xf32>
    %dot_general3A_79 = arith.constant dense<0.000000e+00> : vector<128x16xf32>
    %dot_general3A_80 = tpu.matmul %convert_element_type3A_51, %slice3A_78, %dot_general3A_79 {dimension_numbers = #tpu.dot_dimension_numbers<[1], [0], [0], [1], [0, 0, 1, 1], [], []>, transpose_lhs_hint = false} : vector<128x128xf32>, vector<128x16xf32>, vector<128x16xf32> -> vector<128x16xf32>
    %slice3A_81 = vector.extract_strided_slice %concatenate3A {offsets = [1280, 0], sizes = [128, 16], strides = [1, 1]} : vector<2048x16xf32> to vector<128x16xf32>
    %dot_general3A_82 = arith.constant dense<0.000000e+00> : vector<128x16xf32>
    %dot_general3A_83 = tpu.matmul %convert_element_type3A_51, %slice3A_81, %dot_general3A_82 {dimension_numbers = #tpu.dot_dimension_numbers<[1], [0], [0], [1], [0, 0, 1, 1], [], []>, transpose_lhs_hint = false} : vector<128x128xf32>, vector<128x16xf32>, vector<128x16xf32> -> vector<128x16xf32>
    %slice3A_84 = vector.extract_strided_slice %concatenate3A {offsets = [1408, 0], sizes = [128, 16], strides = [1, 1]} : vector<2048x16xf32> to vector<128x16xf32>
    %dot_general3A_85 = arith.constant dense<0.000000e+00> : vector<128x16xf32>
    %dot_general3A_86 = tpu.matmul %convert_element_type3A_51, %slice3A_84, %dot_general3A_85 {dimension_numbers = #tpu.dot_dimension_numbers<[1], [0], [0], [1], [0, 0, 1, 1], [], []>, transpose_lhs_hint = false} : vector<128x128xf32>, vector<128x16xf32>, vector<128x16xf32> -> vector<128x16xf32>
    %slice3A_87 = vector.extract_strided_slice %concatenate3A {offsets = [1536, 0], sizes = [128, 16], strides = [1, 1]} : vector<2048x16xf32> to vector<128x16xf32>
    %dot_general3A_88 = arith.constant dense<0.000000e+00> : vector<128x16xf32>
    %dot_general3A_89 = tpu.matmul %convert_element_type3A_51, %slice3A_87, %dot_general3A_88 {dimension_numbers = #tpu.dot_dimension_numbers<[1], [0], [0], [1], [0, 0, 1, 1], [], []>, transpose_lhs_hint = false} : vector<128x128xf32>, vector<128x16xf32>, vector<128x16xf32> -> vector<128x16xf32>
    %slice3A_90 = vector.extract_strided_slice %concatenate3A {offsets = [1664, 0], sizes = [128, 16], strides = [1, 1]} : vector<2048x16xf32> to vector<128x16xf32>
    %dot_general3A_91 = arith.constant dense<0.000000e+00> : vector<128x16xf32>
    %dot_general3A_92 = tpu.matmul %convert_element_type3A_51, %slice3A_90, %dot_general3A_91 {dimension_numbers = #tpu.dot_dimension_numbers<[1], [0], [0], [1], [0, 0, 1, 1], [], []>, transpose_lhs_hint = false} : vector<128x128xf32>, vector<128x16xf32>, vector<128x16xf32> -> vector<128x16xf32>
    %slice3A_93 = vector.extract_strided_slice %concatenate3A {offsets = [1792, 0], sizes = [128, 16], strides = [1, 1]} : vector<2048x16xf32> to vector<128x16xf32>
    %dot_general3A_94 = arith.constant dense<0.000000e+00> : vector<128x16xf32>
    %dot_general3A_95 = tpu.matmul %convert_element_type3A_51, %slice3A_93, %dot_general3A_94 {dimension_numbers = #tpu.dot_dimension_numbers<[1], [0], [0], [1], [0, 0, 1, 1], [], []>, transpose_lhs_hint = false} : vector<128x128xf32>, vector<128x16xf32>, vector<128x16xf32> -> vector<128x16xf32>
    %slice3A_96 = vector.extract_strided_slice %concatenate3A {offsets = [1920, 0], sizes = [128, 16], strides = [1, 1]} : vector<2048x16xf32> to vector<128x16xf32>
    %dot_general3A_97 = arith.constant dense<0.000000e+00> : vector<128x16xf32>
    %dot_general3A_98 = tpu.matmul %convert_element_type3A_51, %slice3A_96, %dot_general3A_97 {dimension_numbers = #tpu.dot_dimension_numbers<[1], [0], [0], [1], [0, 0, 1, 1], [], []>, transpose_lhs_hint = false} : vector<128x128xf32>, vector<128x16xf32>, vector<128x16xf32> -> vector<128x16xf32>
    %slice3A_99 = vector.extract_strided_slice %dot_general3A_53 {offsets = [127, 0], sizes = [1, 16], strides = [1, 1]} : vector<128x16xf32> to vector<1x16xf32>
    %slice3A_100 = vector.extract_strided_slice %dot_general3A_56 {offsets = [127, 0], sizes = [1, 16], strides = [1, 1]} : vector<128x16xf32> to vector<1x16xf32>
    %slice3A_101 = vector.extract_strided_slice %dot_general3A_59 {offsets = [127, 0], sizes = [1, 16], strides = [1, 1]} : vector<128x16xf32> to vector<1x16xf32>
    %slice3A_102 = vector.extract_strided_slice %dot_general3A_62 {offsets = [127, 0], sizes = [1, 16], strides = [1, 1]} : vector<128x16xf32> to vector<1x16xf32>
    %slice3A_103 = vector.extract_strided_slice %dot_general3A_65 {offsets = [127, 0], sizes = [1, 16], strides = [1, 1]} : vector<128x16xf32> to vector<1x16xf32>
    %slice3A_104 = vector.extract_strided_slice %dot_general3A_68 {offsets = [127, 0], sizes = [1, 16], strides = [1, 1]} : vector<128x16xf32> to vector<1x16xf32>
    %slice3A_105 = vector.extract_strided_slice %dot_general3A_71 {offsets = [127, 0], sizes = [1, 16], strides = [1, 1]} : vector<128x16xf32> to vector<1x16xf32>
    %slice3A_106 = vector.extract_strided_slice %dot_general3A_74 {offsets = [127, 0], sizes = [1, 16], strides = [1, 1]} : vector<128x16xf32> to vector<1x16xf32>
    %slice3A_107 = vector.extract_strided_slice %dot_general3A_77 {offsets = [127, 0], sizes = [1, 16], strides = [1, 1]} : vector<128x16xf32> to vector<1x16xf32>
    %slice3A_108 = vector.extract_strided_slice %dot_general3A_80 {offsets = [127, 0], sizes = [1, 16], strides = [1, 1]} : vector<128x16xf32> to vector<1x16xf32>
    %slice3A_109 = vector.extract_strided_slice %dot_general3A_83 {offsets = [127, 0], sizes = [1, 16], strides = [1, 1]} : vector<128x16xf32> to vector<1x16xf32>
    %slice3A_110 = vector.extract_strided_slice %dot_general3A_86 {offsets = [127, 0], sizes = [1, 16], strides = [1, 1]} : vector<128x16xf32> to vector<1x16xf32>
    %slice3A_111 = vector.extract_strided_slice %dot_general3A_89 {offsets = [127, 0], sizes = [1, 16], strides = [1, 1]} : vector<128x16xf32> to vector<1x16xf32>
    %slice3A_112 = vector.extract_strided_slice %dot_general3A_92 {offsets = [127, 0], sizes = [1, 16], strides = [1, 1]} : vector<128x16xf32> to vector<1x16xf32>
    %slice3A_113 = vector.extract_strided_slice %dot_general3A_95 {offsets = [127, 0], sizes = [1, 16], strides = [1, 1]} : vector<128x16xf32> to vector<1x16xf32>
    %slice3A_114 = vector.extract_strided_slice %dot_general3A_98 {offsets = [127, 0], sizes = [1, 16], strides = [1, 1]} : vector<128x16xf32> to vector<1x16xf32>
    %concatenate3A_115 = tpu.concatenate %slice3A_99, %slice3A_100, %slice3A_101, %slice3A_102, %slice3A_103, %slice3A_104, %slice3A_105, %slice3A_106, %slice3A_107, %slice3A_108, %slice3A_109, %slice3A_110, %slice3A_111, %slice3A_112, %slice3A_113, %slice3A_114 in 0 : vector<1x16xf32>, vector<1x16xf32>, vector<1x16xf32>, vector<1x16xf32>, vector<1x16xf32>, vector<1x16xf32>, vector<1x16xf32>, vector<1x16xf32>, vector<1x16xf32>, vector<1x16xf32>, vector<1x16xf32>, vector<1x16xf32>, vector<1x16xf32>, vector<1x16xf32>, vector<1x16xf32>, vector<1x16xf32> -> vector<16x16xf32>
    %iota3A_116 = tpu.iota {dimensions = array<i32: 0>} : vector<16x16xi32>
    %iota3A_117 = tpu.iota {dimensions = array<i32: 1>} : vector<16x16xi32>
    %lt3A = arith.cmpi slt, %iota3A_117, %iota3A_116 : vector<16x16xi32>
    %convert_element_type3A_118 = arith.extui %lt3A : vector<16x16xi1> to vector<16x16xi32>
    %convert_element_type3A_119 = arith.sitofp %convert_element_type3A_118 : vector<16x16xi32> to vector<16x16xf32>
    %dot_general3A_120 = arith.constant dense<0.000000e+00> : vector<16x16xf32>
    %dot_general3A_121 = tpu.matmul %convert_element_type3A_119, %concatenate3A_115, %dot_general3A_120 {dimension_numbers = #tpu.dot_dimension_numbers<[1], [0], [0], [1], [0, 0, 1, 1], [], []>, transpose_lhs_hint = false} : vector<16x16xf32>, vector<16x16xf32>, vector<16x16xf32> -> vector<16x16xf32>
    %slice3A_122 = vector.extract_strided_slice %dot_general3A_121 {offsets = [0, 0], sizes = [1, 16], strides = [1, 1]} : vector<16x16xf32> to vector<1x16xf32>
    %add3A_123 = vector.broadcast %slice3A_122 : vector<1x16xf32> to vector<128x16xf32>
    %add3A_124 = arith.addf %dot_general3A_53, %add3A_123 : vector<128x16xf32>
    %slice3A_125 = vector.extract_strided_slice %dot_general3A_121 {offsets = [1, 0], sizes = [1, 16], strides = [1, 1]} : vector<16x16xf32> to vector<1x16xf32>
    %add3A_126 = vector.broadcast %slice3A_125 : vector<1x16xf32> to vector<128x16xf32>
    %add3A_127 = arith.addf %dot_general3A_56, %add3A_126 : vector<128x16xf32>
    %slice3A_128 = vector.extract_strided_slice %dot_general3A_121 {offsets = [2, 0], sizes = [1, 16], strides = [1, 1]} : vector<16x16xf32> to vector<1x16xf32>
    %add3A_129 = vector.broadcast %slice3A_128 : vector<1x16xf32> to vector<128x16xf32>
    %add3A_130 = arith.addf %dot_general3A_59, %add3A_129 : vector<128x16xf32>
    %slice3A_131 = vector.extract_strided_slice %dot_general3A_121 {offsets = [3, 0], sizes = [1, 16], strides = [1, 1]} : vector<16x16xf32> to vector<1x16xf32>
    %add3A_132 = vector.broadcast %slice3A_131 : vector<1x16xf32> to vector<128x16xf32>
    %add3A_133 = arith.addf %dot_general3A_62, %add3A_132 : vector<128x16xf32>
    %slice3A_134 = vector.extract_strided_slice %dot_general3A_121 {offsets = [4, 0], sizes = [1, 16], strides = [1, 1]} : vector<16x16xf32> to vector<1x16xf32>
    %add3A_135 = vector.broadcast %slice3A_134 : vector<1x16xf32> to vector<128x16xf32>
    %add3A_136 = arith.addf %dot_general3A_65, %add3A_135 : vector<128x16xf32>
    %slice3A_137 = vector.extract_strided_slice %dot_general3A_121 {offsets = [5, 0], sizes = [1, 16], strides = [1, 1]} : vector<16x16xf32> to vector<1x16xf32>
    %add3A_138 = vector.broadcast %slice3A_137 : vector<1x16xf32> to vector<128x16xf32>
    %add3A_139 = arith.addf %dot_general3A_68, %add3A_138 : vector<128x16xf32>
    %slice3A_140 = vector.extract_strided_slice %dot_general3A_121 {offsets = [6, 0], sizes = [1, 16], strides = [1, 1]} : vector<16x16xf32> to vector<1x16xf32>
    %add3A_141 = vector.broadcast %slice3A_140 : vector<1x16xf32> to vector<128x16xf32>
    %add3A_142 = arith.addf %dot_general3A_71, %add3A_141 : vector<128x16xf32>
    %slice3A_143 = vector.extract_strided_slice %dot_general3A_121 {offsets = [7, 0], sizes = [1, 16], strides = [1, 1]} : vector<16x16xf32> to vector<1x16xf32>
    %add3A_144 = vector.broadcast %slice3A_143 : vector<1x16xf32> to vector<128x16xf32>
    %add3A_145 = arith.addf %dot_general3A_74, %add3A_144 : vector<128x16xf32>
    %slice3A_146 = vector.extract_strided_slice %dot_general3A_121 {offsets = [8, 0], sizes = [1, 16], strides = [1, 1]} : vector<16x16xf32> to vector<1x16xf32>
    %add3A_147 = vector.broadcast %slice3A_146 : vector<1x16xf32> to vector<128x16xf32>
    %add3A_148 = arith.addf %dot_general3A_77, %add3A_147 : vector<128x16xf32>
    %slice3A_149 = vector.extract_strided_slice %dot_general3A_121 {offsets = [9, 0], sizes = [1, 16], strides = [1, 1]} : vector<16x16xf32> to vector<1x16xf32>
    %add3A_150 = vector.broadcast %slice3A_149 : vector<1x16xf32> to vector<128x16xf32>
    %add3A_151 = arith.addf %dot_general3A_80, %add3A_150 : vector<128x16xf32>
    %slice3A_152 = vector.extract_strided_slice %dot_general3A_121 {offsets = [10, 0], sizes = [1, 16], strides = [1, 1]} : vector<16x16xf32> to vector<1x16xf32>
    %add3A_153 = vector.broadcast %slice3A_152 : vector<1x16xf32> to vector<128x16xf32>
    %add3A_154 = arith.addf %dot_general3A_83, %add3A_153 : vector<128x16xf32>
    %slice3A_155 = vector.extract_strided_slice %dot_general3A_121 {offsets = [11, 0], sizes = [1, 16], strides = [1, 1]} : vector<16x16xf32> to vector<1x16xf32>
    %add3A_156 = vector.broadcast %slice3A_155 : vector<1x16xf32> to vector<128x16xf32>
    %add3A_157 = arith.addf %dot_general3A_86, %add3A_156 : vector<128x16xf32>
    %slice3A_158 = vector.extract_strided_slice %dot_general3A_121 {offsets = [12, 0], sizes = [1, 16], strides = [1, 1]} : vector<16x16xf32> to vector<1x16xf32>
    %add3A_159 = vector.broadcast %slice3A_158 : vector<1x16xf32> to vector<128x16xf32>
    %add3A_160 = arith.addf %dot_general3A_89, %add3A_159 : vector<128x16xf32>
    %slice3A_161 = vector.extract_strided_slice %dot_general3A_121 {offsets = [13, 0], sizes = [1, 16], strides = [1, 1]} : vector<16x16xf32> to vector<1x16xf32>
    %add3A_162 = vector.broadcast %slice3A_161 : vector<1x16xf32> to vector<128x16xf32>
    %add3A_163 = arith.addf %dot_general3A_92, %add3A_162 : vector<128x16xf32>
    %slice3A_164 = vector.extract_strided_slice %dot_general3A_121 {offsets = [14, 0], sizes = [1, 16], strides = [1, 1]} : vector<16x16xf32> to vector<1x16xf32>
    %add3A_165 = vector.broadcast %slice3A_164 : vector<1x16xf32> to vector<128x16xf32>
    %add3A_166 = arith.addf %dot_general3A_95, %add3A_165 : vector<128x16xf32>
    %slice3A_167 = vector.extract_strided_slice %dot_general3A_121 {offsets = [15, 0], sizes = [1, 16], strides = [1, 1]} : vector<16x16xf32> to vector<1x16xf32>
    %add3A_168 = vector.broadcast %slice3A_167 : vector<1x16xf32> to vector<128x16xf32>
    %add3A_169 = arith.addf %dot_general3A_98, %add3A_168 : vector<128x16xf32>
    %concatenate3A_170 = tpu.concatenate %add3A_124, %add3A_127, %add3A_130, %add3A_133, %add3A_136, %add3A_139, %add3A_142, %add3A_145, %add3A_148, %add3A_151, %add3A_154, %add3A_157, %add3A_160, %add3A_163, %add3A_166, %add3A_169 in 0 : vector<128x16xf32>, vector<128x16xf32>, vector<128x16xf32>, vector<128x16xf32>, vector<128x16xf32>, vector<128x16xf32>, vector<128x16xf32>, vector<128x16xf32>, vector<128x16xf32>, vector<128x16xf32>, vector<128x16xf32>, vector<128x16xf32>, vector<128x16xf32>, vector<128x16xf32>, vector<128x16xf32>, vector<128x16xf32> -> vector<2048x16xf32>
    %slice3A_171 = vector.extract_strided_slice %concatenate3A_170 {offsets = [0, 0], sizes = [2048, 8], strides = [1, 1]} : vector<2048x16xf32> to vector<2048x8xf32>
    %mul3A = arith.mulf %convert_element_type3A_44, %slice3A_171 : vector<2048x8xf32>
    %reduce_sum3A = arith.constant dense<0.000000e+00> : vector<2048xf32>
    %reduce_sum3A_172 = vector.multi_reduction <add>, %mul3A, %reduce_sum3A [1] : vector<2048x8xf32> to vector<2048xf32>
    %broadcast_in_dim3A_173 = vector.shape_cast %reduce_sum3A_172 : vector<2048xf32> to vector<2048x1xf32>
    %slice3A_174 = vector.extract_strided_slice %concatenate3A_170 {offsets = [0, 8], sizes = [2048, 8], strides = [1, 1]} : vector<2048x16xf32> to vector<2048x8xf32>
    %mul3A_175 = arith.mulf %convert_element_type3A_46, %slice3A_174 : vector<2048x8xf32>
    %reduce_sum3A_176 = arith.constant dense<0.000000e+00> : vector<2048xf32>
    %reduce_sum3A_177 = vector.multi_reduction <add>, %mul3A_175, %reduce_sum3A_176 [1] : vector<2048x8xf32> to vector<2048xf32>
    %broadcast_in_dim3A_178 = vector.shape_cast %reduce_sum3A_177 : vector<2048xf32> to vector<2048x1xf32>
    %lt3A_179 = arith.constant 5.120000e+02 : f32
    %lt3A_180 = vector.broadcast %lt3A_179 : f32 to vector<2048x1xf32>
    %lt3A_181 = arith.cmpf olt, %broadcast_in_dim3A_173, %lt3A_180 : vector<2048x1xf32>
    %lt3A_182 = arith.constant 5.120000e+02 : f32
    %lt3A_183 = vector.broadcast %lt3A_182 : f32 to vector<2048x1xf32>
    %lt3A_184 = arith.cmpf olt, %broadcast_in_dim3A_178, %lt3A_183 : vector<2048x1xf32>
    %broadcast_in_dim3A_185 = vector.shape_cast %div3A_39 : vector<2048x1xf32> to vector<2048x1xf32>
    %broadcast_in_dim3A_186 = vector.broadcast %broadcast_in_dim3A_185 : vector<2048x1xf32> to vector<2048x16xf32>
    %broadcast_in_dim3A_187 = vector.shape_cast %div3A_43 : vector<2048x1xf32> to vector<2048x1xf32>
    %broadcast_in_dim3A_188 = vector.broadcast %broadcast_in_dim3A_187 : vector<2048x1xf32> to vector<2048x16xf32>
    %concatenate3A_189 = tpu.concatenate %broadcast_in_dim3A_186, %broadcast_in_dim3A_188 in 1 : vector<2048x16xf32>, vector<2048x16xf32> -> vector<2048x32xf32>
    %swap3A = arith.constant 0 : index
    %swap3A_190 = arith.constant 0 : index
    %swap3A_191 = vector.load %arg3[%swap3A, %swap3A_190] : memref<2048x32xf32, #tpu.memory_space<vmem>>, vector<2048x32xf32>
    tpu.vector_store %arg3[%swap3A, %swap3A_190], %concatenate3A_189 {strides = array<i32>} : memref<2048x32xf32, #tpu.memory_space<vmem>>, vector<2048x32xf32>,
    %convert_element_type3A_192 = arith.fptosi %broadcast_in_dim3A_173 : vector<2048x1xf32> to vector<2048x1xi32>
    %convert_element_type3A_193 = arith.fptosi %broadcast_in_dim3A_178 : vector<2048x1xf32> to vector<2048x1xi32>
    %mul3A_194 = arith.constant 512 : i32
    %mul3A_195 = vector.broadcast %mul3A_194 : i32 to vector<2048x1xi32>
    %mul3A_196 = arith.muli %broadcast_in_dim3A_16, %mul3A_195 : vector<2048x1xi32>
    %add3A_197 = arith.addi %mul3A_196, %convert_element_type3A_192 : vector<2048x1xi32>
    %mul3A_198 = arith.constant 512 : i32
    %mul3A_199 = vector.broadcast %mul3A_198 : i32 to vector<2048x1xi32>
    %mul3A_200 = arith.muli %broadcast_in_dim3A_32, %mul3A_199 : vector<2048x1xi32>
    %add3A_201 = arith.addi %mul3A_200, %convert_element_type3A_193 : vector<2048x1xi32>
    %iota3A_202 = tpu.iota {dimensions = array<i32: 0>} : vector<2048x1xi32>
    %shift_right_arithmetic3A = arith.constant 7 : i32
    %shift_right_arithmetic3A_203 = vector.broadcast %shift_right_arithmetic3A : i32 to vector<2048x1xi32>
    %shift_right_arithmetic3A_204 = arith.shrsi %iota3A_202, %shift_right_arithmetic3A_203 : vector<2048x1xi32>
    %add3A_205 = arith.constant 4096 : i32
    %add3A_206 = vector.broadcast %add3A_205 : i32 to vector<2048x1xi32>
    %add3A_207 = arith.addi %add3A_206, %shift_right_arithmetic3A_204 : vector<2048x1xi32>
    %select_n3A_208 = arith.select %lt3A_181, %add3A_197, %add3A_207 : vector<2048x1xi1>, vector<2048x1xi32>
    %select_n3A_209 = arith.select %lt3A_184, %add3A_201, %add3A_207 : vector<2048x1xi1>, vector<2048x1xi32>
    %add3A_210 = arith.constant 4608 : i32
    %add3A_211 = vector.broadcast %add3A_210 : i32 to vector<2048x1xi32>
    %add3A_212 = arith.addi %select_n3A_209, %add3A_211 : vector<2048x1xi32>
    %add3A_213 = arith.constant 13824 : i32
    %add3A_214 = vector.broadcast %add3A_213 : i32 to vector<2048x1xi32>
    %add3A_215 = arith.addi %add3A_214, %iota3A_202 : vector<2048x1xi32>
    %select_n3A_216 = arith.select %lt3A_181, %add3A_197, %add3A_215 : vector<2048x1xi1>, vector<2048x1xi32>
    %select_n3A_217 = arith.select %lt3A_184, %add3A_201, %add3A_215 : vector<2048x1xi1>, vector<2048x1xi32>
    %broadcast_in_dim3A_218 = arith.constant 0 : i32
    %broadcast_in_dim3A_219 = vector.broadcast %broadcast_in_dim3A_218 : i32 to vector<2048x1xi32>
    %concatenate3A_220 = tpu.concatenate %select_n3A_208, %add3A_212, %select_n3A_216, %select_n3A_217, %convert_element_type3A_192, %convert_element_type3A_193, %broadcast_in_dim3A_219, %broadcast_in_dim3A_219 in 1 : vector<2048x1xi32>, vector<2048x1xi32>, vector<2048x1xi32>, vector<2048x1xi32>, vector<2048x1xi32>, vector<2048x1xi32>, vector<2048x1xi32>, vector<2048x1xi32> -> vector<2048x8xi32>
    %swap3A_221 = arith.constant 0 : index
    %swap3A_222 = arith.constant 0 : index
    %swap3A_223 = vector.load %arg4[%swap3A_221, %swap3A_222] : memref<2048x8xi32, #tpu.memory_space<vmem>>, vector<2048x8xi32>
    tpu.vector_store %arg4[%swap3A_221, %swap3A_222], %concatenate3A_220 {strides = array<i32>} : memref<2048x8xi32, #tpu.memory_space<vmem>>, vector<2048x8xi32>,
    return
  }
}

</mosaic_0001>

<sc_bundles>
// kernel: kernel.6.cloned.1.call-start
scs
__scs_entry_jumppad:
0x0: {  	(pc) =	sbr.rel $0x88, $3  }
0x1: {  	(tag) =	ssettag $0x0;
	lr =	simm.s32 $0x1  }
0x2: {  	[smem:$0x3F9B] =	sst lr;
	_ =	strace $0xD0000000  }
0x3: {  	_ = 	snop  }
0x4: {  	_ = 	snop  }
0x5: {  	_ = 	snop  }
0x6: {  	_ = 	snop  }
0x7: {  	_ = 	snop  }
__scs_overlays_trampoline_lowered:
0x8: {  	[smem:$0x3FAA] =	sst s0  }
0x9: {  	[smem:$0x3FAB] =	sst s1  }
0xa: {  	[smem:$0x3FAC] =	sst s2  }
0xb: {  	[smem:$0x3FAD] =	sst s3  }
0xc: {  	[smem:$0x3FAE] =	sst s4  }
0xd: {  	[smem:$0x3FAF] =	sst s5  }
0xe: {  	[smem:$0x3FB0] =	sst s6  }
0xf: {  	[smem:$0x3FB1] =	sst s7  }
0x10: {  	[smem:$0x3FB2] =	sst s8  }
0x11: {  	[smem:$0x3FB3] =	sst s9;
	s0 =	simm.s32 @!p0 $0x0  }
0x12: {  	s1 =	sld [smem:$0x3F99];
	s0 =	simm.s32 @p0 $0x1  }
0x13: {  	[smem:$0x3FB4] =	sst s0;
	s0 =	simm.s32 @!p1 $0x0  }
0x14: {  	s2 =	sld [smem:$0x3F98];
	s0 =	simm.s32 @p1 $0x1  }
0x15: {  	[smem:$0x3FB5] =	sst s0;
	s0 =	simm.s32 @!p2 $0x0  }
0x16: {  	s3 =	sld [smem:$0x3FDB];
	s0 =	simm.s32 @p2 $0x1  }
0x17: {  	s4 =	simm.s32 $0x1BF5;
	[smem:$0x3FB7] =	sst s0  }
0x18: {  	s0 =	sld [smem:$0x3F9A];
	_ =	swait.ge [sflag:s4], $0x0  }
0x19: {  	s7 =	sld [smem:$0x3F9B]  }
0x1a: {  	s8 =	sadd.s32 $0xFFFFE003, lr  }
0x1b: {  	s9 =	sadd.s32 $0xFFFFFEF7, lr;
	s5 =	simm.s32 $0xFFFFFFFF;
	p2 =	slt.u32 s8, $0xFFFFF086  }
0x1c: {  	p1 =	slt.u32 s9, $0xF7A;
	s5 =	simm.s32 @!p2 $0x0  }
0x1d: {  	s5 =	simm.s32 @p1 $0x1;
	p0 =	seq.s32 s7, s2  }
0x1e: {  	s7 =	smul.u32 @!p0 $0xF7A, s2;
	p2 =	seq.s32 @!p0 s5, $0x0  }
0x1f: {  	s9 =	smul.u32 $0xF7A, s1;
	s8 =	simm.s32 @!p0 $0x1BF5;
	p2 =	por !p2, p0  }
0x20: {  	[sflag:s8] =	ssyncset.s32 @!p0 $0xFFFFF086;
	s6 =	sadd.s32 @!p0 s3, s7;
	s7 =	simm.s32 @!p0 $0x108  }
0x21: {  	s3 =	sadd.s32 s3, s9;
	s6 =	sadd.s32 @!p0 $0x88, s6;
	s7 =	simm.s32 @p2 $0x1082  }
0x22: {  	[simem:s7], [sflag:s8] =	dma.local @!p0 [hbm:s6], $0xF7A  }
0x23: {  	s9 =	sor.u32 $0xD0000000, s2;
	s6 =	simm.s32 $0x108;
	_ =	swait.ge @!p0 [sflag:s8], $0x0  }
0x24: {  	s3 =	sadd.s32 $0x88, s3;
	s6 =	simm.s32 @!p1 $0x1082;
	[sflag:s4] =	ssyncset.s32 $0xFFFFF086  }
0x25: {  	[simem:s6], [sflag:s4] =	dma.local [hbm:s3], $0xF7A  }
0x26: {  	[smem:$0x3F9B] =	sst s1;
	(tag) =	ssettag s2;
	_ =	strace s9  }
0x27: {  	s1 =	sld [smem:$0x3FAB]  }
0x28: {  	s2 =	sld [smem:$0x3FAC]  }
0x29: {  	s4 =	sld [smem:$0x3FAE]  }
0x2a: {  	p0 =	seq.s32 s5, $0x0;
	s5 =	sld [smem:$0x3FAF]  }
0x2b: {  	s6 =	sld [smem:$0x3FB0]  }
0x2c: {  	s7 =	sld [smem:$0x3FB1]  }
0x2d: {  	s3 =	simm.s32 $0x108;
	s8 =	sld [smem:$0x3FB2]  }
0x2e: {  	s3 =	simm.s32 @!p0 $0x1082;
	s9 =	sld [smem:$0x3FB3]  }
0x2f: {  	lr =	sadd.s32 s0, s3;
	s0 =	sld [smem:$0x3FAA]  }
0x30: {  	s3 =	sld [smem:$0x3FAD]  }
0x31: {  	[smem:$0x3FB6] =	sst s10  }
0x32: {  	s10 =	sld [smem:$0x3FB4];
	_ =	sdelay $0x3  }
0x33: {  	p0 =	seq.s32 s10, $0x1;
	s10 =	sld [smem:$0x3FB6];
	_ =	sdelay $0x3  }
0x34: {  	[smem:$0x3FB6] =	sst s10  }
0x35: {  	s10 =	sld [smem:$0x3FB5];
	_ =	sdelay $0x3  }
0x36: {  	p1 =	seq.s32 s10, $0x1;
	s10 =	sld [smem:$0x3FB6];
	_ =	sdelay $0x3  }
0x37: {  	[smem:$0x3FB6] =	sst s10  }
0x38: {  	s10 =	sld [smem:$0x3FB7]  }
0x39: {  	_ = 	snop;
	(pc) =	sbr.ind lr, $3  }
0x3a: {  	_ = 	snop  }
0x3b: {  	_ = 	snop  }
0x3c: {  	p2 =	seq.s32 s10, $0x1;
	s10 =	sld [smem:$0x3FB6]  }
0x3d: {  	_ =	shalt  }
0x3e: {  	_ =	shalt  }
0x3f: {  	_ =	shalt  }
0x40: {  	_ =	shalt  }
0x41: {  	_ =	shalt  }
0x42: {  	_ =	shalt  }
0x43: {  	_ =	shalt  }
0x44: {  	_ =	shalt  }
0x45: {  	_ =	shalt  }
0x46: {  	_ =	shalt  }
0x47: {  	_ =	shalt  }
0x48: {  	_ =	shalt  }
0x49: {  	_ =	shalt  }
0x4a: {  	_ =	shalt  }
0x4b: {  	_ =	shalt  }
0x4c: {  	_ =	shalt  }
0x4d: {  	_ =	shalt  }
0x4e: {  	_ =	shalt  }
0x4f: {  	_ =	shalt  }
0x50: {  	_ =	shalt  }
0x51: {  	_ =	shalt  }
0x52: {  	_ =	shalt  }
0x53: {  	_ =	shalt  }
0x54: {  	_ =	shalt  }
0x55: {  	_ =	shalt  }
0x56: {  	_ =	shalt  }
0x57: {  	_ =	shalt  }
0x58: {  	_ =	shalt  }
0x59: {  	_ =	shalt  }
0x5a: {  	_ =	shalt  }
0x5b: {  	_ =	shalt  }
0x5c: {  	_ =	shalt  }
0x5d: {  	_ =	shalt  }
0x5e: {  	_ =	shalt  }
0x5f: {  	_ =	shalt  }
0x60: {  	_ =	shalt  }
0x61: {  	_ =	shalt  }
0x62: {  	_ =	shalt  }
0x63: {  	_ =	shalt  }
0x64: {  	_ =	shalt  }
0x65: {  	_ =	shalt  }
0x66: {  	_ =	shalt  }
0x67: {  	_ =	shalt  }
0x68: {  	_ =	shalt  }
0x69: {  	_ =	shalt  }
0x6a: {  	_ =	shalt  }
0x6b: {  	_ =	shalt  }
0x6c: {  	_ =	shalt  }
0x6d: {  	_ =	shalt  }
0x6e: {  	_ =	shalt  }
0x6f: {  	_ =	shalt  }
0x70: {  	_ =	shalt  }
0x71: {  	_ =	shalt  }
0x72: {  	_ =	shalt  }
0x73: {  	_ =	shalt  }
0x74: {  	_ =	shalt  }
0x75: {  	_ =	shalt  }
0x76: {  	_ =	shalt  }
0x77: {  	_ =	shalt  }
0x78: {  	_ =	shalt  }
0x79: {  	_ =	shalt  }
0x7a: {  	_ =	shalt  }
0x7b: {  	_ =	shalt  }
0x7c: {  	_ =	shalt  }
0x7d: {  	_ =	shalt  }
0x7e: {  	_ =	shalt  }
0x7f: {  	_ =	shalt  }
0x80: {  	_ =	shalt  }
0x81: {  	_ =	shalt  }
0x82: {  	_ =	shalt  }
0x83: {  	_ =	shalt  }
0x84: {  	_ =	shalt  }
0x85: {  	_ =	shalt  }
0x86: {  	_ =	shalt  }
0x87: {  	_ =	shalt  }
.Lfunc_end0:
.L_simem_size_0:
called_computation_lowered:
.L_overlay_start_0:
0x88: {  	s2 =	sld [smem:$0x3FD9]  }
0x89: {  	s3 =	sld [smem:$0x3FFE];
	_ =	sdelay $0x1  }
0x8a: {  	s1 =	srdreg.scid  }
0x8b: {  	s0 =	sand.u32 $0x1, s1  }
0x8c: {  	s17 =	sshll.u32 s0, $0xA;
	s2 =	sadd.s32 s3, s2  }
0x8d: {  	s2 =	sadd.s32 s2, s17  }
0x8e: {  	[smem:$0x3FC2] =	sst s2  }
0x8f: {  	_ = 	snop  }
0x90: {  	s2 =	sld [smem:$0x3FC9]  }
0x91: {  	s18 =	sld [smem:$0x3FD0];
	(tm) =	ssettm $0x1  }
0x92: {  	s4 =	sld [smem:$0x3FFB];
	_ =	sdelay $0x3  }
0x93: {  	_ =	strace s4  }
0x94: {  	s4 =	sld [smem:$0x3FFC];
	_ =	sdelay $0x3  }
0x95: {  	_ =	strace s4  }
0x96: {  	s4 =	sld [smem:$0x3FFD];
	_ =	sdelay $0x3  }
0x97: {  	_ =	strace s4  }
0x98: {  	_ =	strace $0x8FFFFFFF  }
0x99: {  	s19 =	sld [smem:$0x3FDB];
	_ =	sdelay $0x1  }
0x9a: {  	s5 =	simm.s32 $_scs_section_size  }
0x9b: {  	s6 =	simm.s32 $_size__tile_overlayer_lowered;
	s7 =	simm.s32 $_tile_overlayer_lowered  }
0x9c: {  	s22 =	simm.s32 $0x1BFF;
	s21 =	sshll.u32 s7, $0x1;
	s4 =	sadd.s32 s5, s19  }
0x9d: {  	s8 =	simm.s32 $0x0;
	s20 =	sshll.u32 s6, $0x1;
	s6 =	sadd.s32 s21, s4  }
0x9e: {  	[timem:s8], [sflag:s22] =	dma.local [hbm:s6], s20  }
0x9f: {  	_ =	swait.ge [sflag:s22], s20  }
0xa0: {  	s5 =	ssub.s32 $0x0, s20;
	[sflag:s22] =	ssyncset.done $0x0  }
0xa1: {  	[sflag:s22] =	ssyncadd.s32 s5;
	_ =	sdelay $0x1  }
0xa2: {  	s23 =	simm.s32 $0x1B8B  }
0xa3: {  	_ =	swait.ge [sflag:s23], $0x1  }
0xa4: {  	[sflag:s23] =	ssyncset.done $0x0  }
0xa5: {  	s25 =	simm.s32 $0x1B8E;
	s24 =	sld [smem:$0x3FFE];
	[sflag:s23] =	ssyncadd.s32 $0xFFFFFFFF  }
0xa6: {  	s26 =	simm.s32 $execute0_lowered;
	[smem:$0x3FD2] =	sst s25  }
0xa7: {  	s6 =	sshll.u32 s26, $0x1;
	_ =	strace $0x80000046;
	[dreg:$0x1] =	wrdreg $0xFFFFFFFF  }
0xa8: {  	s28 =	simm.s32 $_size_execute0_lowered;
	s4 =	sadd.s32 s4, s6;
	[dreg:$0x0] =	wrdreg $0x0  }
0xa9: {  	s6 =	sshll.u32 s28, $0x1;
	[dreg:$0x2] =	wrdreg s4  }
0xaa: {  	[dreg:$0x3] =	wrdreg s6  }
0xab: {  	[dreg:$0x4] =	wrdreg $0xC0  }
0xac: {  	_ =	task [dreg:s8], $0x5FFFF  }
0xad: {  	[dreg:$0x1] =	wrdreg $0xFFFFFFFF  }
0xae: {  	[dreg:$0x0] =	wrdreg $0x60  }
0xaf: {  	[dreg:$0x2] =	wrdreg s2  }
0xb0: {  	[dreg:$0x3] =	wrdreg s24  }
0xb1: {  	[dreg:$0x4] =	wrdreg s18  }
0xb2: {  	[dreg:$0x5] =	wrdreg $0x9  }
0xb3: {  	_ =	task.clear_ibuf [dreg:s8], $0x6FFFF;
	_ =	strace $0x90000046  }
0xb4: {  	s29 =	simm.s32 $0x9;
	_ =	strace $0x80000048  }
0xb5: {  	_ =	swait.ge [sflag:s29], $0x1  }
0xb6: {  	[sflag:s29] =	ssyncadd.s32 $0xFFFFFFFF  }
0xb7: {  	_ =	strace $0x90000048  }
0xb8: {  	_ =	sfence  }
0xb9: {  	s30 =	sld [smem:$0x0];
	_ =	sdelay $0x2  }
0xba: {  	s31 =	sshll.u32 s1, $0xD;
	s1 =	sshrl.u32 s1, $0x2  }
0xbb: {  	s3 =	sand.u32 $0x4000, s31;
	s1 =	sadd.s32 s1, s30  }
0xbc: {  	s0 =	sor.u32 s3, s0;
	s1 =	sshll.u32 s1, $0x11  }
0xbd: {  	s0 =	sor.u32 s1, s0  }
0xbe: {  	s0 =	sadd.s32 $0x8F2B, s0  }
0xbf: {  	[sflag:s0] =	ssyncadd.remote.s32 $0x1  }
0xc0: {  	_ =	sfence.sel $0xFFFF  }
0xc1: {  	[dreg:$0x0] =	wrdreg $0xFFFFFFFF;
	(pc) =	sbr.abs _section_cstart, $3  }
0xc2: {  	[dreg:$0x1] =	wrdreg $0xFFFFFFFF  }
0xc3: {  	_ =	task.clear_ibuf [dreg:s8], $0x2FFFF;
	_ =	strace $0x9FFFFFFF  }
0xc4: {  	(tm) =	ssettm $0x7FFFFFFF  }
0xc5: {  	_ =	shalt  }
tec
execute0_lowered:
.L_overlay_start_1:
0x0: {  	(tag) =	ssettag $0x1  }
0x1: {  	s0 =	rddreg [dreg:$0x0]  }
0x2: {  	s1 =	rddreg [dreg:$0x1]  }
0x3: {  	s2 =	rddreg [dreg:$0x2]  }
0x4: {  	s3 =	srdreg.scid;
	s10 =	stileid.u32  }
0x5: {  	s18 =	simm.s32 $0x18000;
	s19 =	simm.s32 $0x18080;
	s20 =	simm.s32 $0xC000  }
0x6: {  	s22 =	simm.s32 $0x1;
	s23 =	simm.s32 $0x2;
	s30 =	simm.s32 $0x40  }
0x7: {  	s31 =	simm.s32 $0x1A100;
	s28 =	simm.s32 $0x16000;
	s29 =	simm.s32 $0x16800  }
0x8: {  	s24 =	simm.s32 $0x0;
	s21 =	sand.u32 $0x1, s3;
	s25 =	smul.u32 $0x18000, s10  }
0x9: {  	s3 =	simm.s32 $0x0;
	s6 =	sshll.u32 s10, $0x8;
	s14 =	smul.u32 $0x3000, s10  }
0xa: {  	s13 =	sadd.s32 $0x9100, s1;
	s4 =	sshll.u32 s21, $0x7;
	[smem:$0x7FF] =	sst s3  }
0xb: {  	s5 =	ssub.s32 $0x2, s21;
	s9 =	smul.u32 $0x1200, s21;
	p0 =	sne.s32 s21, $0x0  }
0xc: {  	s21 =	simm.s32 $0x18100;
	s4 =	sor.u32 s4, s6;
	s8 =	sshrl.u32 s5, $0x1  }
0xd: {  	_ =	strace $0x80000047;
	s4 =	sshrl.u32 s4, $0x3;
	s17 =	ssub.s32 s5, s8  }
0xe: {  	s9 =	sadd.s32 s6, s9;
	s8 =	sshrl.u32 s25, $0x3;
	s7 =	sadd.s32 s4, s1  }
0xf: {  	s4 =	sadd.s32 $0x9000, s1;
	s9 =	sshll.u32 s9, $0x4;
	s17 =	smax.u32 s17, $0x1  }
0x10: {  	s5 =	sadd.s32 $0x8E00, s7;
	s6 =	sadd.s32 $0x8E08, s7;
	s7 =	sadd.s32 s0, s14  }
0x11: {  	s0 =	sadd.s32 s0, s8;
	s8 =	sadd.s32 s2, s9;
	s26 =	sadd.s32 s4, s14  }
0x12: {  	v0 =	vimm.f32 $0.0e+00;
	v4 =	vlaneseq.u32;
	s14 =	sadd.s32 $0x9200, s1;
	s1 =	simm.s32 $0x17800;
	s9 =	sadd.s32 $0x1800, s0  }
0x13: {  	v1 =	vimm.f32 $1.000000000e+00;
	vm0 =	vmmov $0xffff;
	v3 =	vshrl.u32 v4, $0x3;
	s10 =	sadd.s32 $0x400, s8;
	s11 =	sadd.s32 $0x800, s8;
	s12 =	sadd.s32 $0xC00, s8  }
0x14: {  	v2 =	vand.u32 $0x7, v4;
	v4 =	vor.u32 $0x8, v4;
	v3 =	vmul.u32 $0x8, v3;
	s15 =	sadd.s32 $0x144000, s26;
	s16 =	sadd.s32 $0x145800, s26;
	s0 =	simm.s32 $0x17000  }
.LBB2_1:
0x15: {  	[tilespmem:s18], [sflag:$0x2] =	stream.linear.gather [hbm4b:s5+s3], $0x40, $0x38;
	[tilespmem:$0x1C100] =	vst v63  }
0x16: {  	_ = 	snop  }
0x17: {  	[tilespmem:s19], [sflag:$0x2] =	stream.linear.gather [hbm4b:s6+s3], $0x40, $0x38;
	[tilespmem:$0x1C100] =	vst v63  }
0x18: {  	_ = 	snop  }
0x19: {  	[tilespmem:s3], [sflag:$0x2] =	stream.linear.gather [hbm4b:s7+s3], $0xC000, $0x38;
	[tilespmem:$0x1C100] =	vst v63  }
0x1a: {  	s25 =	simm.s32 $0x0;
	s26 =	simm.s32 $0x200  }
0x1b: {  	[tilespmem:s20], [sflag:$0x2] =	stream.linear.gather [hbm4b:s9+s3], $0xC000, $0x38;
	[tilespmem:$0x1C100] =	vst v63  }
.LBB2_2:
0x1c: {  	p1 =	sne.s32 s26, $0x7E00;
	[tilespmem:s25+$0x1A170] =	vst v1  }
0x1d: {  	[tilespmem:s25+$0x18100] =	vst v0  }
0x1e: {  	[tilespmem:s25+$0x1A100] =	vst v1  }
0x1f: {  	[tilespmem:s25+$0x18110] =	vst v0  }
0x20: {  	[tilespmem:s25+$0x1A110] =	vst v1  }
0x21: {  	[tilespmem:s25+$0x18120] =	vst v0  }
0x22: {  	[tilespmem:s25+$0x1A120] =	vst v1  }
0x23: {  	[tilespmem:s25+$0x18130] =	vst v0  }
0x24: {  	[tilespmem:s25+$0x1A130] =	vst v1  }
0x25: {  	[tilespmem:s25+$0x18140] =	vst v0  }
0x26: {  	[tilespmem:s25+$0x1A140] =	vst v1  }
.Ltmp0:
0x27: {  	[tilespmem:s25+$0x18150] =	vst v0;
	(pc) =	sbr.rel @p1 .LBB2_2-.Ltmp0, $4  }
0x28: {  	[tilespmem:s25+$0x1A150] =	vst v1  }
0x29: {  	[tilespmem:s25+$0x18160] =	vst v0  }
0x2a: {  	[tilespmem:s25+$0x1A160] =	vst v1  }
0x2b: {  	[tilespmem:s25+$0x18170] =	vst v0;
	s25 =	sshra.s32 s26, $0x2;
	s26 =	sadd.s32 $0x200, s26  }
0x2c: {  	[tilespmem:s25+$0x1A170] =	vst v1  }
0x2d: {  	[tilespmem:s25+$0x18100] =	vst v0  }
0x2e: {  	[tilespmem:s25+$0x1A100] =	vst v1  }
0x2f: {  	[tilespmem:s25+$0x18110] =	vst v0  }
0x30: {  	[tilespmem:s25+$0x1A110] =	vst v1  }
0x31: {  	[tilespmem:s25+$0x18120] =	vst v0  }
0x32: {  	[tilespmem:s25+$0x1A120] =	vst v1  }
0x33: {  	[tilespmem:s25+$0x18130] =	vst v0  }
0x34: {  	[tilespmem:s25+$0x1A130] =	vst v1  }
0x35: {  	[tilespmem:s25+$0x18140] =	vst v0  }
0x36: {  	[tilespmem:s25+$0x1A140] =	vst v1  }
0x37: {  	[tilespmem:s25+$0x18150] =	vst v0  }
0x38: {  	[tilespmem:s25+$0x1A150] =	vst v1  }
0x39: {  	[tilespmem:s25+$0x18160] =	vst v0  }
0x3a: {  	[tilespmem:s25+$0x1A160] =	vst v1  }
0x3b: {  	[tilespmem:s25+$0x18170] =	vst v0  }
0x3c: {  	[hbm4b:s8+s3] =	stream.linear.scatter [tilespmem:s21], [sflag:$0x1], $0x2000, $0x38;
	[tilespmem:$0x1C100] =	vst v63  }
0x3d: {  	_ = 	snop  }
0x3e: {  	[hbm4b:s10+s3] =	stream.linear.scatter [tilespmem:s21], [sflag:$0x1], $0x2000, $0x38;
	[tilespmem:$0x1C100] =	vst v63  }
0x3f: {  	_ = 	snop  }
0x40: {  	[hbm4b:s11+s3] =	stream.linear.scatter [tilespmem:s21], [sflag:$0x1], $0x2000, $0x38;
	[tilespmem:$0x1C100] =	vst v63  }
0x41: {  	_ = 	snop  }
0x42: {  	[hbm4b:s12+s3] =	stream.linear.scatter [tilespmem:s21], [sflag:$0x1], $0x2000, $0x38;
	[tilespmem:$0x1C100] =	vst v63  }
0x43: {  	_ =	swait.ge [sflag:s22], $0x2000  }
0x44: {  	[sflag:s22] =	ssyncset.done $0x0  }
0x45: {  	[sflag:s22] =	ssyncadd.s32 $0xFFFFE000  }
0x46: {  	_ =	swait.ge [sflag:s22], $0x2000  }
0x47: {  	[sflag:s22] =	ssyncset.done $0x0  }
0x48: {  	[sflag:s22] =	ssyncadd.s32 $0xFFFFE000  }
0x49: {  	_ =	swait.ge [sflag:s22], $0x2000  }
0x4a: {  	[sflag:s22] =	ssyncset.done $0x0  }
0x4b: {  	[sflag:s22] =	ssyncadd.s32 $0xFFFFE000  }
0x4c: {  	_ =	swait.ge [sflag:s22], $0x2000  }
0x4d: {  	[sflag:s22] =	ssyncset.done $0x0  }
0x4e: {  	[sflag:s22] =	ssyncadd.s32 $0xFFFFE000  }
0x4f: {  	[bflag:$0x0] =	sbarrier.arrive $0xFFFF  }
0x50: {  	_ =	swait.ge [sflag:s23], $0x40  }
0x51: {  	[sflag:s23] =	ssyncset.done $0x0  }
0x52: {  	[sflag:s23] =	ssyncadd.s32 $0xFFFFFFC0  }
0x53: {  	_ =	swait.ge [sflag:s23], $0x40  }
0x54: {  	[sflag:s23] =	ssyncset.done $0x0  }
0x55: {  	[sflag:s23] =	ssyncadd.s32 $0xFFFFFFC0  }
0x56: {  	_ =	swait.ge [sflag:s23], $0xC000  }
0x57: {  	[sflag:s23] =	ssyncset.done $0x0  }
0x58: {  	[sflag:s23] =	ssyncadd.s32 $0xFFFF4000  }
0x59: {  	_ =	swait.ge [sflag:s23], $0xC000  }
0x5a: {  	[sflag:s23] =	ssyncset.done $0x0  }
0x5b: {  	[sflag:s23] =	ssyncadd.s32 $0xFFFF4000  }
0x5c: {  	v5 =	vld [tilespmem:$0x18000];
	_ =	sdelay $0x4  }
0x5d: {  	v6 =	vshrl.u32 v5, $0x3  }
0x5e: {  	v6 =	vmul.u32 $0x30, v6  }
0x5f: {  	v5 =	vand.u32 $0x7, v5  }
0x60: {  	v5 =	vor.u32 v5, v6  }
0x61: {  	v6 =	vperm.xlane v5, v2;
	_ =	sdelay $0x1  }
0x62: {  	v6 =	vadd.s32 v3, v6;
	_ =	sdelay $0x3  }
0x63: {  	v5 =	vperm.xlane v5, v4  }
0x64: {  	[hbm4b:s4+s3] =	stream.indirect_vreg.scatter [tilespmem:s3], [sflag:$0x1], $0x80, v6, vm0, $0xb8;
	[tilespmem:$0x1C100] =	vst v63  }
0x65: {  	s26 =	simm.s32 $0x800;
	v5 =	vadd.s32 v3, v5  }
0x66: {  	[hbm4b:s13+s3] =	stream.indirect_vreg.scatter [tilespmem:s26], [sflag:$0x1], $0x80, v6, vm0, $0xb8;
	[tilespmem:$0x1C100] =	vst v63  }
0x67: {  	s26 =	simm.s32 $0x1000  }
0x68: {  	[hbm4b:s14+s3] =	stream.indirect_vreg.scatter [tilespmem:s26], [sflag:$0x1], $0x80, v6, vm0, $0xb8;
	[tilespmem:$0x1C100] =	vst v63  }
0x69: {  	s26 =	simm.s32 $0x1800  }
0x6a: {  	[hbm4b:s4+s3] =	stream.indirect_vreg.scatter [tilespmem:s26], [sflag:$0x1], $0x80, v5, vm0, $0xb8;
	[tilespmem:$0x1C100] =	vst v63  }
0x6b: {  	s26 =	simm.s32 $0x2000  }
0x6c: {  	[hbm4b:s13+s3] =	stream.indirect_vreg.scatter [tilespmem:s26], [sflag:$0x1], $0x80, v5, vm0, $0xb8;
	[tilespmem:$0x1C100] =	vst v63  }
0x6d: {  	s26 =	simm.s32 $0x2800  }
0x6e: {  	[hbm4b:s14+s3] =	stream.indirect_vreg.scatter [tilespmem:s26], [sflag:$0x1], $0x80, v5, vm0, $0xb8;
	[tilespmem:$0x1C100] =	vst v63  }
0x6f: {  	v5 =	vld [tilespmem:$0x18010];
	_ =	sdelay $0x4  }
0x70: {  	v6 =	vshrl.u32 v5, $0x3  }
0x71: {  	v6 =	vmul.u32 $0x30, v6  }
0x72: {  	v5 =	vand.u32 $0x7, v5  }
0x73: {  	v5 =	vor.u32 v5, v6  }
0x74: {  	v6 =	vperm.xlane v5, v2;
	_ =	sdelay $0x1  }
0x75: {  	v6 =	vadd.s32 v3, v6;
	_ =	sdelay $0x3  }
0x76: {  	s26 =	simm.s32 $0x3000;
	v5 =	vperm.xlane v5, v4  }
0x77: {  	[hbm4b:s4+s3] =	stream.indirect_vreg.scatter [tilespmem:s26], [sflag:$0x1], $0x80, v6, vm0, $0xb8;
	[tilespmem:$0x1C100] =	vst v63  }
0x78: {  	v5 =	vadd.s32 v3, v5;
	s26 =	simm.s32 $0x3800  }
0x79: {  	[hbm4b:s13+s3] =	stream.indirect_vreg.scatter [tilespmem:s26], [sflag:$0x1], $0x80, v6, vm0, $0xb8;
	[tilespmem:$0x1C100] =	vst v63  }
0x7a: {  	s26 =	simm.s32 $0x4000  }
0x7b: {  	[hbm4b:s14+s3] =	stream.indirect_vreg.scatter [tilespmem:s26], [sflag:$0x1], $0x80, v6, vm0, $0xb8;
	[tilespmem:$0x1C100] =	vst v63  }
0x7c: {  	s26 =	simm.s32 $0x4800  }
0x7d: {  	[hbm4b:s4+s3] =	stream.indirect_vreg.scatter [tilespmem:s26], [sflag:$0x1], $0x80, v5, vm0, $0xb8;
	[tilespmem:$0x1C100] =	vst v63  }
0x7e: {  	s26 =	simm.s32 $0x5000  }
0x7f: {  	[hbm4b:s13+s3] =	stream.indirect_vreg.scatter [tilespmem:s26], [sflag:$0x1], $0x80, v5, vm0, $0xb8;
	[tilespmem:$0x1C100] =	vst v63  }
0x80: {  	s26 =	simm.s32 $0x5800  }
0x81: {  	[hbm4b:s14+s3] =	stream.indirect_vreg.scatter [tilespmem:s26], [sflag:$0x1], $0x80, v5, vm0, $0xb8;
	[tilespmem:$0x1C100] =	vst v63  }
0x82: {  	v5 =	vld [tilespmem:$0x18020];
	_ =	sdelay $0x4  }
0x83: {  	v6 =	vshrl.u32 v5, $0x3  }
0x84: {  	v6 =	vmul.u32 $0x30, v6  }
0x85: {  	v5 =	vand.u32 $0x7, v5  }
0x86: {  	v5 =	vor.u32 v5, v6  }
0x87: {  	v6 =	vperm.xlane v5, v2;
	_ =	sdelay $0x1  }
0x88: {  	v6 =	vadd.s32 v3, v6;
	_ =	sdelay $0x3  }
0x89: {  	s26 =	simm.s32 $0x6000;
	v5 =	vperm.xlane v5, v4  }
0x8a: {  	[hbm4b:s4+s3] =	stream.indirect_vreg.scatter [tilespmem:s26], [sflag:$0x1], $0x80, v6, vm0, $0xb8;
	[tilespmem:$0x1C100] =	vst v63  }
0x8b: {  	v5 =	vadd.s32 v3, v5;
	s26 =	simm.s32 $0x6800  }
0x8c: {  	[hbm4b:s13+s3] =	stream.indirect_vreg.scatter [tilespmem:s26], [sflag:$0x1], $0x80, v6, vm0, $0xb8;
	[tilespmem:$0x1C100] =	vst v63  }
0x8d: {  	s26 =	simm.s32 $0x7000  }
0x8e: {  	[hbm4b:s14+s3] =	stream.indirect_vreg.scatter [tilespmem:s26], [sflag:$0x1], $0x80, v6, vm0, $0xb8;
	[tilespmem:$0x1C100] =	vst v63  }
0x8f: {  	s26 =	simm.s32 $0x7800  }
0x90: {  	[hbm4b:s4+s3] =	stream.indirect_vreg.scatter [tilespmem:s26], [sflag:$0x1], $0x80, v5, vm0, $0xb8;
	[tilespmem:$0x1C100] =	vst v63  }
0x91: {  	s26 =	simm.s32 $0x8000  }
0x92: {  	[hbm4b:s13+s3] =	stream.indirect_vreg.scatter [tilespmem:s26], [sflag:$0x1], $0x80, v5, vm0, $0xb8;
	[tilespmem:$0x1C100] =	vst v63  }
0x93: {  	s26 =	simm.s32 $0x8800  }
0x94: {  	[hbm4b:s14+s3] =	stream.indirect_vreg.scatter [tilespmem:s26], [sflag:$0x1], $0x80, v5, vm0, $0xb8;
	[tilespmem:$0x1C100] =	vst v63  }
0x95: {  	v5 =	vld [tilespmem:$0x18030];
	_ =	sdelay $0x4  }
0x96: {  	v6 =	vshrl.u32 v5, $0x3  }
0x97: {  	v6 =	vmul.u32 $0x30, v6  }
0x98: {  	v5 =	vand.u32 $0x7, v5  }
0x99: {  	v5 =	vor.u32 v5, v6  }
0x9a: {  	v6 =	vperm.xlane v5, v2;
	_ =	sdelay $0x1  }
0x9b: {  	v6 =	vadd.s32 v3, v6;
	_ =	sdelay $0x3  }
0x9c: {  	s26 =	simm.s32 $0x9000;
	v5 =	vperm.xlane v5, v4  }
0x9d: {  	[hbm4b:s4+s3] =	stream.indirect_vreg.scatter [tilespmem:s26], [sflag:$0x1], $0x80, v6, vm0, $0xb8;
	[tilespmem:$0x1C100] =	vst v63  }
0x9e: {  	v5 =	vadd.s32 v3, v5;
	s26 =	simm.s32 $0x9800  }
0x9f: {  	[hbm4b:s13+s3] =	stream.indirect_vreg.scatter [tilespmem:s26], [sflag:$0x1], $0x80, v6, vm0, $0xb8;
	[tilespmem:$0x1C100] =	vst v63  }
0xa0: {  	s26 =	simm.s32 $0xA000  }
0xa1: {  	[hbm4b:s14+s3] =	stream.indirect_vreg.scatter [tilespmem:s26], [sflag:$0x1], $0x80, v6, vm0, $0xb8;
	[tilespmem:$0x1C100] =	vst v63  }
0xa2: {  	s26 =	simm.s32 $0xA800  }
0xa3: {  	[hbm4b:s4+s3] =	stream.indirect_vreg.scatter [tilespmem:s26], [sflag:$0x1], $0x80, v5, vm0, $0xb8;
	[tilespmem:$0x1C100] =	vst v63  }
0xa4: {  	s26 =	simm.s32 $0xB000  }
0xa5: {  	[hbm4b:s13+s3] =	stream.indirect_vreg.scatter [tilespmem:s26], [sflag:$0x1], $0x80, v5, vm0, $0xb8;
	[tilespmem:$0x1C100] =	vst v63  }
0xa6: {  	s26 =	simm.s32 $0xB800  }
0xa7: {  	[hbm4b:s14+s3] =	stream.indirect_vreg.scatter [tilespmem:s26], [sflag:$0x1], $0x80, v5, vm0, $0xb8;
	[tilespmem:$0x1C100] =	vst v63  }
0xa8: {  	_ = 	snop  }
0xa9: {  	[hbm4b:s2+s30] =	stream.indirect.scatter [tilespmem:s31], [sflag:$0x1], $0x80, s18, s30, $0xb8;
	[tilespmem:$0x1C100] =	vst v63  }
0xaa: {  	v5 =	vld [tilespmem:$0x18080];
	_ =	sdelay $0x4  }
0xab: {  	v6 =	vshrl.u32 v5, $0x3  }
0xac: {  	v6 =	vmul.u32 $0x30, v6  }
0xad: {  	v5 =	vand.u32 $0x7, v5  }
0xae: {  	v5 =	vor.u32 v5, v6  }
0xaf: {  	v6 =	vperm.xlane v5, v2;
	_ =	sdelay $0x1  }
0xb0: {  	v6 =	vadd.s32 v3, v6;
	_ =	sdelay $0x3  }
0xb1: {  	v5 =	vperm.xlane v5, v4  }
0xb2: {  	[hbm4b:s4+s3] =	stream.indirect_vreg.scatter [tilespmem:s20], [sflag:$0x1], $0x80, v6, vm0, $0xb8;
	[tilespmem:$0x1C100] =	vst v63  }
0xb3: {  	s26 =	simm.s32 $0xC800;
	v5 =	vadd.s32 v3, v5  }
0xb4: {  	[hbm4b:s13+s3] =	stream.indirect_vreg.scatter [tilespmem:s26], [sflag:$0x1], $0x80, v6, vm0, $0xb8;
	[tilespmem:$0x1C100] =	vst v63  }
0xb5: {  	s26 =	simm.s32 $0xD000  }
0xb6: {  	[hbm4b:s14+s3] =	stream.indirect_vreg.scatter [tilespmem:s26], [sflag:$0x1], $0x80, v6, vm0, $0xb8;
	[tilespmem:$0x1C100] =	vst v63  }
0xb7: {  	s26 =	simm.s32 $0xD800  }
0xb8: {  	[hbm4b:s4+s3] =	stream.indirect_vreg.scatter [tilespmem:s26], [sflag:$0x1], $0x80, v5, vm0, $0xb8;
	[tilespmem:$0x1C100] =	vst v63  }
0xb9: {  	s26 =	simm.s32 $0xE000  }
0xba: {  	[hbm4b:s13+s3] =	stream.indirect_vreg.scatter [tilespmem:s26], [sflag:$0x1], $0x80, v5, vm0, $0xb8;
	[tilespmem:$0x1C100] =	vst v63  }
0xbb: {  	s26 =	simm.s32 $0xE800  }
0xbc: {  	[hbm4b:s14+s3] =	stream.indirect_vreg.scatter [tilespmem:s26], [sflag:$0x1], $0x80, v5, vm0, $0xb8;
	[tilespmem:$0x1C100] =	vst v63  }
0xbd: {  	v5 =	vld [tilespmem:$0x18090];
	_ =	sdelay $0x4  }
0xbe: {  	v6 =	vshrl.u32 v5, $0x3  }
0xbf: {  	v6 =	vmul.u32 $0x30, v6  }
0xc0: {  	v5 =	vand.u32 $0x7, v5  }
0xc1: {  	v5 =	vor.u32 v5, v6  }
0xc2: {  	v6 =	vperm.xlane v5, v2;
	_ =	sdelay $0x1  }
0xc3: {  	v6 =	vadd.s32 v3, v6;
	_ =	sdelay $0x3  }
0xc4: {  	s26 =	simm.s32 $0xF000;
	v5 =	vperm.xlane v5, v4  }
0xc5: {  	[hbm4b:s4+s3] =	stream.indirect_vreg.scatter [tilespmem:s26], [sflag:$0x1], $0x80, v6, vm0, $0xb8;
	[tilespmem:$0x1C100] =	vst v63  }
0xc6: {  	v5 =	vadd.s32 v3, v5;
	s26 =	simm.s32 $0xF800  }
0xc7: {  	[hbm4b:s13+s3] =	stream.indirect_vreg.scatter [tilespmem:s26], [sflag:$0x1], $0x80, v6, vm0, $0xb8;
	[tilespmem:$0x1C100] =	vst v63  }
0xc8: {  	s26 =	simm.s32 $0x10000  }
0xc9: {  	[hbm4b:s14+s3] =	stream.indirect_vreg.scatter [tilespmem:s26], [sflag:$0x1], $0x80, v6, vm0, $0xb8;
	[tilespmem:$0x1C100] =	vst v63  }
0xca: {  	s26 =	simm.s32 $0x10800  }
0xcb: {  	[hbm4b:s4+s3] =	stream.indirect_vreg.scatter [tilespmem:s26], [sflag:$0x1], $0x80, v5, vm0, $0xb8;
	[tilespmem:$0x1C100] =	vst v63  }
0xcc: {  	s26 =	simm.s32 $0x11000  }
0xcd: {  	[hbm4b:s13+s3] =	stream.indirect_vreg.scatter [tilespmem:s26], [sflag:$0x1], $0x80, v5, vm0, $0xb8;
	[tilespmem:$0x1C100] =	vst v63  }
0xce: {  	s26 =	simm.s32 $0x11800  }
0xcf: {  	[hbm4b:s14+s3] =	stream.indirect_vreg.scatter [tilespmem:s26], [sflag:$0x1], $0x80, v5, vm0, $0xb8;
	[tilespmem:$0x1C100] =	vst v63  }
0xd0: {  	v5 =	vld [tilespmem:$0x180A0];
	_ =	sdelay $0x4  }
0xd1: {  	v6 =	vshrl.u32 v5, $0x3  }
0xd2: {  	v6 =	vmul.u32 $0x30, v6  }
0xd3: {  	v5 =	vand.u32 $0x7, v5  }
0xd4: {  	v5 =	vor.u32 v5, v6  }
0xd5: {  	v6 =	vperm.xlane v5, v2;
	_ =	sdelay $0x1  }
0xd6: {  	v6 =	vadd.s32 v3, v6;
	_ =	sdelay $0x3  }
0xd7: {  	s26 =	simm.s32 $0x12000;
	v5 =	vperm.xlane v5, v4  }
0xd8: {  	[hbm4b:s4+s3] =	stream.indirect_vreg.scatter [tilespmem:s26], [sflag:$0x1], $0x80, v6, vm0, $0xb8;
	[tilespmem:$0x1C100] =	vst v63  }
0xd9: {  	v5 =	vadd.s32 v3, v5;
	s26 =	simm.s32 $0x12800  }
0xda: {  	[hbm4b:s13+s3] =	stream.indirect_vreg.scatter [tilespmem:s26], [sflag:$0x1], $0x80, v6, vm0, $0xb8;
	[tilespmem:$0x1C100] =	vst v63  }
0xdb: {  	s26 =	simm.s32 $0x13000  }
0xdc: {  	[hbm4b:s14+s3] =	stream.indirect_vreg.scatter [tilespmem:s26], [sflag:$0x1], $0x80, v6, vm0, $0xb8;
	[tilespmem:$0x1C100] =	vst v63  }
0xdd: {  	s26 =	simm.s32 $0x13800  }
0xde: {  	[hbm4b:s4+s3] =	stream.indirect_vreg.scatter [tilespmem:s26], [sflag:$0x1], $0x80, v5, vm0, $0xb8;
	[tilespmem:$0x1C100] =	vst v63  }
0xdf: {  	s26 =	simm.s32 $0x14000  }
0xe0: {  	[hbm4b:s13+s3] =	stream.indirect_vreg.scatter [tilespmem:s26], [sflag:$0x1], $0x80, v5, vm0, $0xb8;
	[tilespmem:$0x1C100] =	vst v63  }
0xe1: {  	s26 =	simm.s32 $0x14800  }
0xe2: {  	[hbm4b:s14+s3] =	stream.indirect_vreg.scatter [tilespmem:s26], [sflag:$0x1], $0x80, v5, vm0, $0xb8;
	[tilespmem:$0x1C100] =	vst v63  }
0xe3: {  	v5 =	vld [tilespmem:$0x180B0];
	_ =	sdelay $0x4  }
0xe4: {  	v6 =	vshrl.u32 v5, $0x3  }
0xe5: {  	v6 =	vmul.u32 $0x30, v6  }
0xe6: {  	v5 =	vand.u32 $0x7, v5  }
0xe7: {  	v5 =	vor.u32 v5, v6  }
0xe8: {  	v6 =	vperm.xlane v5, v2;
	_ =	sdelay $0x1  }
0xe9: {  	v6 =	vadd.s32 v3, v6;
	_ =	sdelay $0x3  }
0xea: {  	s26 =	simm.s32 $0x15000;
	v5 =	vperm.xlane v5, v4  }
0xeb: {  	[hbm4b:s4+s3] =	stream.indirect_vreg.scatter [tilespmem:s26], [sflag:$0x1], $0x80, v6, vm0, $0xb8;
	[tilespmem:$0x1C100] =	vst v63  }
0xec: {  	v5 =	vadd.s32 v3, v5;
	s26 =	simm.s32 $0x15800  }
0xed: {  	[hbm4b:s13+s3] =	stream.indirect_vreg.scatter [tilespmem:s26], [sflag:$0x1], $0x80, v6, vm0, $0xb8;
	[tilespmem:$0x1C100] =	vst v63  }
0xee: {  	_ = 	snop  }
0xef: {  	[hbm4b:s14+s3] =	stream.indirect_vreg.scatter [tilespmem:s28], [sflag:$0x1], $0x80, v6, vm0, $0xb8;
	[tilespmem:$0x1C100] =	vst v63  }
0xf0: {  	_ = 	snop  }
0xf1: {  	[hbm4b:s4+s3] =	stream.indirect_vreg.scatter [tilespmem:s29], [sflag:$0x1], $0x80, v5, vm0, $0xb8;
	[tilespmem:$0x1C100] =	vst v63  }
0xf2: {  	_ = 	snop  }
0xf3: {  	[hbm4b:s13+s3] =	stream.indirect_vreg.scatter [tilespmem:s0], [sflag:$0x1], $0x80, v5, vm0, $0xb8;
	[tilespmem:$0x1C100] =	vst v63  }
0xf4: {  	_ = 	snop  }
0xf5: {  	[hbm4b:s14+s3] =	stream.indirect_vreg.scatter [tilespmem:s1], [sflag:$0x1], $0x80, v5, vm0, $0xb8;
	[tilespmem:$0x1C100] =	vst v63  }
0xf6: {  	_ = 	snop  }
0xf7: {  	[hbm4b:s2+s30] =	stream.indirect.scatter [tilespmem:s31], [sflag:$0x1], $0x80, s19, s30, $0xb8;
	[tilespmem:$0x1C100] =	vst v63  }
0xf8: {  	s25 =	simm.s32 @!p0 $0x0  }
0xf9: {  	[hbm4b:s15+s25] =	stream.linear.scatter @!p0 [tilespmem:s25], [sflag:$0x1], $0xC000, $0x38;
	[tilespmem:$0x1C100] =	vst v63  }
0xfa: {  	s26 =	simm.s32 @!p0 $0xC000  }
0xfb: {  	[hbm4b:s16+s25] =	stream.linear.scatter @!p0 [tilespmem:s26], [sflag:$0x1], $0xC000, $0x38;
	[tilespmem:$0x1C100] =	vst v63  }
0xfc: {  	s25 =	simm.s32 @!p0 $0x1  }
0xfd: {  	_ =	swait.ge @!p0 [sflag:s25], $0xC000  }
0xfe: {  	[sflag:s25] =	ssyncset.done @!p0 $0x0  }
0xff: {  	[sflag:s25] =	ssyncadd.s32 @!p0 $0xFFFF4000  }
0x100: {  	_ =	swait.ge @!p0 [sflag:s25], $0xC000  }
0x101: {  	[sflag:s25] =	ssyncset.done @!p0 $0x0  }
0x102: {  	[sflag:s25] =	ssyncadd.s32 @!p0 $0xFFFF4000  }
0x103: {  	_ =	swait.ge [sflag:s22], $0xC000  }
0x104: {  	[sflag:s22] =	ssyncset.done $0x0  }
0x105: {  	[sflag:s22] =	ssyncadd.s32 $0xFFFF4000  }
0x106: {  	_ =	swait.ge [sflag:s22], $0x2000  }
0x107: {  	[sflag:s22] =	ssyncset.done $0x0  }
0x108: {  	s24 =	sadd.s32 $0x1, s24;
	[sflag:s22] =	ssyncadd.s32 $0xFFFFE000  }
0x109: {  	p1 =	sne.s32 s24, s17;
	_ =	swait.ge [sflag:s22], $0xC000  }
.Ltmp1:
0x10a: {  	[sflag:s22] =	ssyncset.done $0x0;
	(pc) =	sbr.rel @p1 .LBB2_1-.Ltmp1, $4  }
0x10b: {  	[sflag:s22] =	ssyncadd.s32 $0xFFFF4000  }
0x10c: {  	_ =	swait.ge [sflag:s22], $0x2000  }
0x10d: {  	[sflag:s22] =	ssyncset.done $0x0  }
0x10e: {  	[sflag:s22] =	ssyncadd.s32 $0xFFFFE000  }
0x10f: {  	_ =	sfence.sel $0x180000  }
0x110: {  	[bflag:$0x0] =	sbarrier.arrive $0xFFFF  }
0x111: {  	_ =	strace $0x90000047  }
0x112: {  	s0 =	stileid.u32;
	[bflag:$0x2] =	sbarrier.arrive $0xFFFF  }
0x113: {  	p0 =	sne.s32 s0, $0x0;
	s0 =	rddreg [dreg:$0x3]  }
0x114: {  	s0 =	sadd.s32 @!p0 $0x100000, s0  }
0x115: {  	[sflag:s0] =	ssyncadd.tile.s32 @!p0 $0x1;
	_ =	shalt  }
.Lfunc_end2:
_tile_overlayer_lowered:
.L_overlay_start_2:
0x116: {  	(tag) =	ssettag $0x2  }
0x117: {  	s0 =	rddreg [dreg:$0x0];
	s2 =	stileid.u32  }
0x118: {  	s1 =	rddreg [dreg:$0x1];
	p0 =	sne.s32 s2, $0x0  }
0x119: {  	s3 =	rddreg [dreg:$0x2];
	[bflag:$0x3] =	sbarrier.arrive $0xFFFF;
	s2 =	simm.s32 @!p0 $0x1C03  }
0x11a: {  	[timem:s3], [sflag:s2] =	dma.local @!p0 [hbm:s0], s1  }
0x11b: {  	s0 =	simm.s32 @!p0 $0x3  }
0x11c: {  	_ =	swait.ge @!p0 [sflag:s0], s1  }
0x11d: {  	s1 =	ssub.s32 @!p0 $0x0, s1;
	[sflag:s0] =	ssyncset.done @!p0 $0x0  }
0x11e: {  	[sflag:s0] =	ssyncadd.s32 @!p0 s1  }
0x11f: {  	[bflag:$0x3] =	sbarrier.arrive $0xFFFF  }
0x120: {  	_ =	shalt  }

// kernel: kernel.9.cloned.1.call-start
scs
__scs_entry_jumppad:
0x0: {  	(pc) =	sbr.rel $0x88, $3  }
0x1: {  	(tag) =	ssettag $0x0;
	lr =	simm.s32 $0x1  }
0x2: {  	[smem:$0x3F9B] =	sst lr;
	_ =	strace $0xD0000000  }
0x3: {  	_ = 	snop  }
0x4: {  	_ = 	snop  }
0x5: {  	_ = 	snop  }
0x6: {  	_ = 	snop  }
0x7: {  	_ = 	snop  }
__scs_overlays_trampoline_lowered:
0x8: {  	[smem:$0x3FAA] =	sst s0  }
0x9: {  	[smem:$0x3FAB] =	sst s1  }
0xa: {  	[smem:$0x3FAC] =	sst s2  }
0xb: {  	[smem:$0x3FAD] =	sst s3  }
0xc: {  	[smem:$0x3FAE] =	sst s4  }
0xd: {  	[smem:$0x3FAF] =	sst s5  }
0xe: {  	[smem:$0x3FB0] =	sst s6  }
0xf: {  	[smem:$0x3FB1] =	sst s7  }
0x10: {  	[smem:$0x3FB2] =	sst s8  }
0x11: {  	[smem:$0x3FB3] =	sst s9;
	s0 =	simm.s32 @!p0 $0x0  }
0x12: {  	s1 =	sld [smem:$0x3F99];
	s0 =	simm.s32 @p0 $0x1  }
0x13: {  	[smem:$0x3FB4] =	sst s0;
	s0 =	simm.s32 @!p1 $0x0  }
0x14: {  	s2 =	sld [smem:$0x3F98];
	s0 =	simm.s32 @p1 $0x1  }
0x15: {  	[smem:$0x3FB5] =	sst s0;
	s0 =	simm.s32 @!p2 $0x0  }
0x16: {  	s3 =	sld [smem:$0x3FDB];
	s0 =	simm.s32 @p2 $0x1  }
0x17: {  	s4 =	simm.s32 $0x1BF5;
	[smem:$0x3FB7] =	sst s0  }
0x18: {  	s0 =	sld [smem:$0x3F9A];
	_ =	swait.ge [sflag:s4], $0x0  }
0x19: {  	s7 =	sld [smem:$0x3F9B]  }
0x1a: {  	s8 =	sadd.s32 $0xFFFFE003, lr  }
0x1b: {  	s9 =	sadd.s32 $0xFFFFFEF7, lr;
	s5 =	simm.s32 $0xFFFFFFFF;
	p2 =	slt.u32 s8, $0xFFFFF086  }
0x1c: {  	p1 =	slt.u32 s9, $0xF7A;
	s5 =	simm.s32 @!p2 $0x0  }
0x1d: {  	s5 =	simm.s32 @p1 $0x1;
	p0 =	seq.s32 s7, s2  }
0x1e: {  	s7 =	smul.u32 @!p0 $0xF7A, s2;
	p2 =	seq.s32 @!p0 s5, $0x0  }
0x1f: {  	s9 =	smul.u32 $0xF7A, s1;
	s8 =	simm.s32 @!p0 $0x1BF5;
	p2 =	por !p2, p0  }
0x20: {  	[sflag:s8] =	ssyncset.s32 @!p0 $0xFFFFF086;
	s6 =	sadd.s32 @!p0 s3, s7;
	s7 =	simm.s32 @!p0 $0x108  }
0x21: {  	s3 =	sadd.s32 s3, s9;
	s6 =	sadd.s32 @!p0 $0x88, s6;
	s7 =	simm.s32 @p2 $0x1082  }
0x22: {  	[simem:s7], [sflag:s8] =	dma.local @!p0 [hbm:s6], $0xF7A  }
0x23: {  	s9 =	sor.u32 $0xD0000000, s2;
	s6 =	simm.s32 $0x108;
	_ =	swait.ge @!p0 [sflag:s8], $0x0  }
0x24: {  	s3 =	sadd.s32 $0x88, s3;
	s6 =	simm.s32 @!p1 $0x1082;
	[sflag:s4] =	ssyncset.s32 $0xFFFFF086  }
0x25: {  	[simem:s6], [sflag:s4] =	dma.local [hbm:s3], $0xF7A  }
0x26: {  	[smem:$0x3F9B] =	sst s1;
	(tag) =	ssettag s2;
	_ =	strace s9  }
0x27: {  	s1 =	sld [smem:$0x3FAB]  }
0x28: {  	s2 =	sld [smem:$0x3FAC]  }
0x29: {  	s4 =	sld [smem:$0x3FAE]  }
0x2a: {  	p0 =	seq.s32 s5, $0x0;
	s5 =	sld [smem:$0x3FAF]  }
0x2b: {  	s6 =	sld [smem:$0x3FB0]  }
0x2c: {  	s7 =	sld [smem:$0x3FB1]  }
0x2d: {  	s3 =	simm.s32 $0x108;
	s8 =	sld [smem:$0x3FB2]  }
0x2e: {  	s3 =	simm.s32 @!p0 $0x1082;
	s9 =	sld [smem:$0x3FB3]  }
0x2f: {  	lr =	sadd.s32 s0, s3;
	s0 =	sld [smem:$0x3FAA]  }
0x30: {  	s3 =	sld [smem:$0x3FAD]  }
0x31: {  	[smem:$0x3FB6] =	sst s10  }
0x32: {  	s10 =	sld [smem:$0x3FB4];
	_ =	sdelay $0x3  }
0x33: {  	p0 =	seq.s32 s10, $0x1;
	s10 =	sld [smem:$0x3FB6];
	_ =	sdelay $0x3  }
0x34: {  	[smem:$0x3FB6] =	sst s10  }
0x35: {  	s10 =	sld [smem:$0x3FB5];
	_ =	sdelay $0x3  }
0x36: {  	p1 =	seq.s32 s10, $0x1;
	s10 =	sld [smem:$0x3FB6];
	_ =	sdelay $0x3  }
0x37: {  	[smem:$0x3FB6] =	sst s10  }
0x38: {  	s10 =	sld [smem:$0x3FB7]  }
0x39: {  	_ = 	snop;
	(pc) =	sbr.ind lr, $3  }
0x3a: {  	_ = 	snop  }
0x3b: {  	_ = 	snop  }
0x3c: {  	p2 =	seq.s32 s10, $0x1;
	s10 =	sld [smem:$0x3FB6]  }
0x3d: {  	_ =	shalt  }
0x3e: {  	_ =	shalt  }
0x3f: {  	_ =	shalt  }
0x40: {  	_ =	shalt  }
0x41: {  	_ =	shalt  }
0x42: {  	_ =	shalt  }
0x43: {  	_ =	shalt  }
0x44: {  	_ =	shalt  }
0x45: {  	_ =	shalt  }
0x46: {  	_ =	shalt  }
0x47: {  	_ =	shalt  }
0x48: {  	_ =	shalt  }
0x49: {  	_ =	shalt  }
0x4a: {  	_ =	shalt  }
0x4b: {  	_ =	shalt  }
0x4c: {  	_ =	shalt  }
0x4d: {  	_ =	shalt  }
0x4e: {  	_ =	shalt  }
0x4f: {  	_ =	shalt  }
0x50: {  	_ =	shalt  }
0x51: {  	_ =	shalt  }
0x52: {  	_ =	shalt  }
0x53: {  	_ =	shalt  }
0x54: {  	_ =	shalt  }
0x55: {  	_ =	shalt  }
0x56: {  	_ =	shalt  }
0x57: {  	_ =	shalt  }
0x58: {  	_ =	shalt  }
0x59: {  	_ =	shalt  }
0x5a: {  	_ =	shalt  }
0x5b: {  	_ =	shalt  }
0x5c: {  	_ =	shalt  }
0x5d: {  	_ =	shalt  }
0x5e: {  	_ =	shalt  }
0x5f: {  	_ =	shalt  }
0x60: {  	_ =	shalt  }
0x61: {  	_ =	shalt  }
0x62: {  	_ =	shalt  }
0x63: {  	_ =	shalt  }
0x64: {  	_ =	shalt  }
0x65: {  	_ =	shalt  }
0x66: {  	_ =	shalt  }
0x67: {  	_ =	shalt  }
0x68: {  	_ =	shalt  }
0x69: {  	_ =	shalt  }
0x6a: {  	_ =	shalt  }
0x6b: {  	_ =	shalt  }
0x6c: {  	_ =	shalt  }
0x6d: {  	_ =	shalt  }
0x6e: {  	_ =	shalt  }
0x6f: {  	_ =	shalt  }
0x70: {  	_ =	shalt  }
0x71: {  	_ =	shalt  }
0x72: {  	_ =	shalt  }
0x73: {  	_ =	shalt  }
0x74: {  	_ =	shalt  }
0x75: {  	_ =	shalt  }
0x76: {  	_ =	shalt  }
0x77: {  	_ =	shalt  }
0x78: {  	_ =	shalt  }
0x79: {  	_ =	shalt  }
0x7a: {  	_ =	shalt  }
0x7b: {  	_ =	shalt  }
0x7c: {  	_ =	shalt  }
0x7d: {  	_ =	shalt  }
0x7e: {  	_ =	shalt  }
0x7f: {  	_ =	shalt  }
0x80: {  	_ =	shalt  }
0x81: {  	_ =	shalt  }
0x82: {  	_ =	shalt  }
0x83: {  	_ =	shalt  }
0x84: {  	_ =	shalt  }
0x85: {  	_ =	shalt  }
0x86: {  	_ =	shalt  }
0x87: {  	_ =	shalt  }
.Lfunc_end0:
.L_simem_size_0:
called_computation.1_lowered:
.L_overlay_start_0:
0x88: {  	s2 =	sld [smem:$0x3FD9]  }
0x89: {  	s3 =	sld [smem:$0x3FFE];
	_ =	sdelay $0x1  }
0x8a: {  	s1 =	srdreg.scid  }
0x8b: {  	s0 =	sand.u32 $0x1, s1  }
0x8c: {  	s17 =	sshll.u32 s0, $0xA;
	s2 =	sadd.s32 s3, s2  }
0x8d: {  	s2 =	sadd.s32 s2, s17  }
0x8e: {  	[smem:$0x3FC2] =	sst s2  }
0x8f: {  	_ = 	snop  }
0x90: {  	s2 =	sld [smem:$0x3FD0];
	(tm) =	ssettm $0x1  }
0x91: {  	s18 =	sld [smem:$0x3FFB];
	_ =	sdelay $0x3  }
0x92: {  	_ =	strace s18  }
0x93: {  	s3 =	sld [smem:$0x3FFC];
	_ =	sdelay $0x3  }
0x94: {  	_ =	strace s3  }
0x95: {  	s3 =	sld [smem:$0x3FFD];
	_ =	sdelay $0x3  }
0x96: {  	_ =	strace s3  }
0x97: {  	_ =	strace $0x8FFFFFFF  }
0x98: {  	s19 =	sld [smem:$0x3FDB];
	_ =	sdelay $0x1  }
0x99: {  	s4 =	simm.s32 $_scs_section_size  }
0x9a: {  	s5 =	simm.s32 $_size__tile_overlayer_lowered;
	s6 =	simm.s32 $_tile_overlayer_lowered  }
0x9b: {  	s22 =	simm.s32 $0x1BFF;
	s21 =	sshll.u32 s6, $0x1;
	s3 =	sadd.s32 s4, s19  }
0x9c: {  	s7 =	simm.s32 $0x0;
	s20 =	sshll.u32 s5, $0x1;
	s5 =	sadd.s32 s21, s3  }
0x9d: {  	[timem:s7], [sflag:s22] =	dma.local [hbm:s5], s20  }
0x9e: {  	_ =	swait.ge [sflag:s22], s20  }
0x9f: {  	s4 =	ssub.s32 $0x0, s20;
	[sflag:s22] =	ssyncset.done $0x0  }
0xa0: {  	[sflag:s22] =	ssyncadd.s32 s4;
	_ =	sdelay $0x1  }
0xa1: {  	s23 =	simm.s32 $0x1B8B  }
0xa2: {  	_ =	swait.ge [sflag:s23], $0x1  }
0xa3: {  	[sflag:s23] =	ssyncset.done $0x0  }
0xa4: {  	s25 =	simm.s32 $0x1B8E;
	s24 =	sld [smem:$0x3FFE];
	[sflag:s23] =	ssyncadd.s32 $0xFFFFFFFF  }
0xa5: {  	s26 =	simm.s32 $execute0_lowered;
	[smem:$0x3FD2] =	sst s25  }
0xa6: {  	s5 =	sshll.u32 s26, $0x1;
	_ =	strace $0x80000049;
	[dreg:$0x1] =	wrdreg $0xFFFFFFFF  }
0xa7: {  	s28 =	simm.s32 $_size_execute0_lowered;
	s3 =	sadd.s32 s3, s5;
	[dreg:$0x0] =	wrdreg $0x0  }
0xa8: {  	s5 =	sshll.u32 s28, $0x1;
	[dreg:$0x2] =	wrdreg s3  }
0xa9: {  	[dreg:$0x3] =	wrdreg s5  }
0xaa: {  	[dreg:$0x4] =	wrdreg $0xC0  }
0xab: {  	_ =	task [dreg:s7], $0x5FFFF  }
0xac: {  	[dreg:$0x1] =	wrdreg $0xFFFFFFFF  }
0xad: {  	[dreg:$0x0] =	wrdreg $0x60  }
0xae: {  	[dreg:$0x2] =	wrdreg s24  }
0xaf: {  	[dreg:$0x3] =	wrdreg s2  }
0xb0: {  	[dreg:$0x4] =	wrdreg $0x9  }
0xb1: {  	_ =	task.clear_ibuf [dreg:s7], $0x5FFFF;
	_ =	strace $0x90000049  }
0xb2: {  	s29 =	simm.s32 $0x9;
	_ =	strace $0x8000004B  }
0xb3: {  	_ =	swait.ge [sflag:s29], $0x1  }
0xb4: {  	[sflag:s29] =	ssyncadd.s32 $0xFFFFFFFF  }
0xb5: {  	_ =	strace $0x9000004B  }
0xb6: {  	_ =	sfence  }
0xb7: {  	s30 =	sld [smem:$0x0];
	_ =	sdelay $0x2  }
0xb8: {  	s31 =	sshll.u32 s1, $0xD;
	s1 =	sshrl.u32 s1, $0x2  }
0xb9: {  	s3 =	sand.u32 $0x4000, s31;
	s1 =	sadd.s32 s1, s30  }
0xba: {  	s0 =	sor.u32 s3, s0;
	s1 =	sshll.u32 s1, $0x11  }
0xbb: {  	s0 =	sor.u32 s1, s0  }
0xbc: {  	s0 =	sadd.s32 $0x8F2B, s0  }
0xbd: {  	[sflag:s0] =	ssyncadd.remote.s32 $0x1  }
0xbe: {  	_ =	sfence.sel $0xFFFF  }
0xbf: {  	[dreg:$0x0] =	wrdreg $0xFFFFFFFF;
	(pc) =	sbr.abs _section_cstart, $3  }
0xc0: {  	[dreg:$0x1] =	wrdreg $0xFFFFFFFF  }
0xc1: {  	_ =	task.clear_ibuf [dreg:s7], $0x2FFFF;
	_ =	strace $0x9FFFFFFF  }
0xc2: {  	(tm) =	ssettm $0x7FFFFFFF  }
0xc3: {  	_ =	shalt  }
tec
execute0_lowered:
.L_overlay_start_1:
0x0: {  	(tag) =	ssettag $0x1  }
0x1: {  	s0 =	rddreg [dreg:$0x0]  }
0x2: {  	s1 =	rddreg [dreg:$0x1];
	s2 =	simm.s32 $0x0  }
0x3: {  	s3 =	srdreg.scid;
	s5 =	stileid.u32;
	s11 =	simm.s32 $0x3  }
0x4: {  	s13 =	simm.s32 $0x100;
	s12 =	simm.s32 $0x14100;
	s14 =	simm.s32 $0x14900  }
0x5: {  	s15 =	simm.s32 $0x15100;
	s16 =	simm.s32 $0x15900;
	s17 =	simm.s32 $0x16100  }
0x6: {  	s18 =	simm.s32 $0x16900;
	s19 =	simm.s32 $0x17100;
	s20 =	simm.s32 $0x17900  }
0x7: {  	s21 =	simm.s32 $0x18100;
	s22 =	simm.s32 $0x1;
	s23 =	simm.s32 $0x2  }
0x8: {  	s24 =	simm.s32 $0x0;
	s4 =	sand.u32 $0x1, s3;
	s5 =	sshll.u32 s5, $0x1  }
0x9: {  	[smem:$0x7FF] =	sst s2;
	s3 =	sadd.s32 $0x9000, s0;
	s5 =	sor.u32 s4, s5  }
0xa: {  	_ =	strace $0x8000004A;
	s4 =	ssub.s32 $0x2, s4;
	s6 =	sshll.u32 s5, $0x4  }
0xb: {  	s7 =	sshll.u32 s5, $0xA;
	s31 =	sshrl.u32 s4, $0x1;
	s9 =	smul.u32 $0x1800, s5  }
0xc: {  	s6 =	sadd.s32 s6, s0;
	s8 =	sadd.s32 s7, s0;
	s10 =	ssub.s32 s4, s31  }
0xd: {  	v2 =	vlaneseq.u32;
	s7 =	sadd.s32 $0x9200, s0;
	s4 =	sadd.s32 $0x1B9000, s6;
	s5 =	sadd.s32 $0x1B9008, s6  }
0xe: {  	vm0 =	vmmov $0xffff;
	v1 =	vshrl.u32 v2, $0x3;
	s6 =	sadd.s32 $0x9100, s0;
	s8 =	sadd.s32 $0xE00, s8;
	s9 =	sadd.s32 s1, s9  }
0xf: {  	v0 =	vand.u32 $0x7, v2;
	v2 =	vor.u32 $0x8, v2;
	v1 =	vmul.u32 $0x8, v1;
	s10 =	smax.u32 s10, $0x1;
	s0 =	simm.s32 $0x13100;
	s1 =	simm.s32 $0x13900  }
.LBB2_1:
0x10: {  	[tilespmem:s2], [sflag:$0x3] =	stream.linear.gather [hbm4b:s4+s2], $0x40, $0x38;
	[tilespmem:$0x1A100] =	vst v63  }
0x11: {  	_ =	swait.ge [sflag:s11], $0x40  }
0x12: {  	[sflag:s11] =	ssyncset.done $0x0  }
0x13: {  	s25 =	simm.s32 $0x80;
	[sflag:s11] =	ssyncadd.s32 $0xFFFFFFC0  }
0x14: {  	[tilespmem:s25], [sflag:$0x3] =	stream.linear.gather [hbm4b:s5+s2], $0x40, $0x38;
	[tilespmem:$0x1A100] =	vst v63  }
0x15: {  	_ =	swait.ge [sflag:s11], $0x40  }
0x16: {  	[sflag:s11] =	ssyncset.done $0x0  }
0x17: {  	[sflag:s11] =	ssyncadd.s32 $0xFFFFFFC0  }
0x18: {  	v3 =	vld [tilespmem:$0x0];
	_ =	sdelay $0x4  }
0x19: {  	v4 =	vshrl.u32 v3, $0x3  }
0x1a: {  	v4 =	vmul.u32 $0x30, v4  }
0x1b: {  	v3 =	vand.u32 $0x7, v3  }
0x1c: {  	v3 =	vor.u32 v3, v4  }
0x1d: {  	v4 =	vperm.xlane v3, v0;
	_ =	sdelay $0x1  }
0x1e: {  	v4 =	vadd.s32 v1, v4;
	_ =	sdelay $0x3  }
0x1f: {  	v3 =	vperm.xlane v3, v2  }
0x20: {  	[tilespmem:s13], [sflag:$0x1] =	stream.indirect_vreg.gather [hbm4b:s3+s2], $0x80, v4, vm0, $0xb8;
	[tilespmem:$0x1A100] =	vst v63  }
0x21: {  	s26 =	simm.s32 $0x900;
	v3 =	vadd.s32 v1, v3  }
0x22: {  	[tilespmem:s26], [sflag:$0x1] =	stream.indirect_vreg.gather [hbm4b:s6+s2], $0x80, v4, vm0, $0xb8;
	[tilespmem:$0x1A100] =	vst v63  }
0x23: {  	s30 =	simm.s32 $0x1100  }
0x24: {  	[tilespmem:s30], [sflag:$0x1] =	stream.indirect_vreg.gather [hbm4b:s7+s2], $0x80, v4, vm0, $0xb8;
	[tilespmem:$0x1A100] =	vst v63  }
0x25: {  	s31 =	simm.s32 $0x1900  }
0x26: {  	[tilespmem:s31], [sflag:$0x1] =	stream.indirect_vreg.gather [hbm4b:s3+s2], $0x80, v3, vm0, $0xb8;
	[tilespmem:$0x1A100] =	vst v63  }
0x27: {  	s26 =	simm.s32 $0x2100  }
0x28: {  	[tilespmem:s26], [sflag:$0x1] =	stream.indirect_vreg.gather [hbm4b:s6+s2], $0x80, v3, vm0, $0xb8;
	[tilespmem:$0x1A100] =	vst v63  }
0x29: {  	s30 =	simm.s32 $0x2900  }
0x2a: {  	[tilespmem:s30], [sflag:$0x1] =	stream.indirect_vreg.gather [hbm4b:s7+s2], $0x80, v3, vm0, $0xb8;
	[tilespmem:$0x1A100] =	vst v63  }
0x2b: {  	v3 =	vld [tilespmem:$0x10];
	_ =	sdelay $0x4  }
0x2c: {  	v4 =	vshrl.u32 v3, $0x3  }
0x2d: {  	v4 =	vmul.u32 $0x30, v4  }
0x2e: {  	v3 =	vand.u32 $0x7, v3  }
0x2f: {  	v3 =	vor.u32 v3, v4  }
0x30: {  	v4 =	vperm.xlane v3, v0;
	_ =	sdelay $0x1  }
0x31: {  	v4 =	vadd.s32 v1, v4;
	_ =	sdelay $0x3  }
0x32: {  	s31 =	simm.s32 $0x3100;
	v3 =	vperm.xlane v3, v2  }
0x33: {  	[tilespmem:s31], [sflag:$0x1] =	stream.indirect_vreg.gather [hbm4b:s3+s2], $0x80, v4, vm0, $0xb8;
	[tilespmem:$0x1A100] =	vst v63  }
0x34: {  	s26 =	simm.s32 $0x3900;
	v3 =	vadd.s32 v1, v3  }
0x35: {  	[tilespmem:s26], [sflag:$0x1] =	stream.indirect_vreg.gather [hbm4b:s6+s2], $0x80, v4, vm0, $0xb8;
	[tilespmem:$0x1A100] =	vst v63  }
0x36: {  	s30 =	simm.s32 $0x4100  }
0x37: {  	[tilespmem:s30], [sflag:$0x1] =	stream.indirect_vreg.gather [hbm4b:s7+s2], $0x80, v4, vm0, $0xb8;
	[tilespmem:$0x1A100] =	vst v63  }
0x38: {  	s31 =	simm.s32 $0x4900  }
0x39: {  	[tilespmem:s31], [sflag:$0x1] =	stream.indirect_vreg.gather [hbm4b:s3+s2], $0x80, v3, vm0, $0xb8;
	[tilespmem:$0x1A100] =	vst v63  }
0x3a: {  	s26 =	simm.s32 $0x5100  }
0x3b: {  	[tilespmem:s26], [sflag:$0x1] =	stream.indirect_vreg.gather [hbm4b:s6+s2], $0x80, v3, vm0, $0xb8;
	[tilespmem:$0x1A100] =	vst v63  }
0x3c: {  	s30 =	simm.s32 $0x5900  }
0x3d: {  	[tilespmem:s30], [sflag:$0x1] =	stream.indirect_vreg.gather [hbm4b:s7+s2], $0x80, v3, vm0, $0xb8;
	[tilespmem:$0x1A100] =	vst v63  }
0x3e: {  	v3 =	vld [tilespmem:$0x20];
	_ =	sdelay $0x4  }
0x3f: {  	v4 =	vshrl.u32 v3, $0x3  }
0x40: {  	v4 =	vmul.u32 $0x30, v4  }
0x41: {  	v3 =	vand.u32 $0x7, v3  }
0x42: {  	v3 =	vor.u32 v3, v4  }
0x43: {  	v4 =	vperm.xlane v3, v0;
	_ =	sdelay $0x1  }
0x44: {  	v4 =	vadd.s32 v1, v4;
	_ =	sdelay $0x3  }
0x45: {  	s31 =	simm.s32 $0x6100;
	v3 =	vperm.xlane v3, v2  }
0x46: {  	[tilespmem:s31], [sflag:$0x1] =	stream.indirect_vreg.gather [hbm4b:s3+s2], $0x80, v4, vm0, $0xb8;
	[tilespmem:$0x1A100] =	vst v63  }
0x47: {  	s26 =	simm.s32 $0x6900;
	v3 =	vadd.s32 v1, v3  }
0x48: {  	[tilespmem:s26], [sflag:$0x1] =	stream.indirect_vreg.gather [hbm4b:s6+s2], $0x80, v4, vm0, $0xb8;
	[tilespmem:$0x1A100] =	vst v63  }
0x49: {  	s30 =	simm.s32 $0x7100  }
0x4a: {  	[tilespmem:s30], [sflag:$0x1] =	stream.indirect_vreg.gather [hbm4b:s7+s2], $0x80, v4, vm0, $0xb8;
	[tilespmem:$0x1A100] =	vst v63  }
0x4b: {  	s31 =	simm.s32 $0x7900  }
0x4c: {  	[tilespmem:s31], [sflag:$0x1] =	stream.indirect_vreg.gather [hbm4b:s3+s2], $0x80, v3, vm0, $0xb8;
	[tilespmem:$0x1A100] =	vst v63  }
0x4d: {  	s26 =	simm.s32 $0x8100  }
0x4e: {  	[tilespmem:s26], [sflag:$0x1] =	stream.indirect_vreg.gather [hbm4b:s6+s2], $0x80, v3, vm0, $0xb8;
	[tilespmem:$0x1A100] =	vst v63  }
0x4f: {  	s30 =	simm.s32 $0x8900  }
0x50: {  	[tilespmem:s30], [sflag:$0x1] =	stream.indirect_vreg.gather [hbm4b:s7+s2], $0x80, v3, vm0, $0xb8;
	[tilespmem:$0x1A100] =	vst v63  }
0x51: {  	v3 =	vld [tilespmem:$0x30];
	_ =	sdelay $0x4  }
0x52: {  	v4 =	vshrl.u32 v3, $0x3  }
0x53: {  	v4 =	vmul.u32 $0x30, v4  }
0x54: {  	v3 =	vand.u32 $0x7, v3  }
0x55: {  	v3 =	vor.u32 v3, v4  }
0x56: {  	v4 =	vperm.xlane v3, v0;
	_ =	sdelay $0x1  }
0x57: {  	v4 =	vadd.s32 v1, v4;
	_ =	sdelay $0x3  }
0x58: {  	s31 =	simm.s32 $0x9100;
	v3 =	vperm.xlane v3, v2  }
0x59: {  	[tilespmem:s31], [sflag:$0x1] =	stream.indirect_vreg.gather [hbm4b:s3+s2], $0x80, v4, vm0, $0xb8;
	[tilespmem:$0x1A100] =	vst v63  }
0x5a: {  	s26 =	simm.s32 $0x9900;
	v3 =	vadd.s32 v1, v3  }
0x5b: {  	[tilespmem:s26], [sflag:$0x1] =	stream.indirect_vreg.gather [hbm4b:s6+s2], $0x80, v4, vm0, $0xb8;
	[tilespmem:$0x1A100] =	vst v63  }
0x5c: {  	s30 =	simm.s32 $0xA100  }
0x5d: {  	[tilespmem:s30], [sflag:$0x1] =	stream.indirect_vreg.gather [hbm4b:s7+s2], $0x80, v4, vm0, $0xb8;
	[tilespmem:$0x1A100] =	vst v63  }
0x5e: {  	s31 =	simm.s32 $0xA900  }
0x5f: {  	[tilespmem:s31], [sflag:$0x1] =	stream.indirect_vreg.gather [hbm4b:s3+s2], $0x80, v3, vm0, $0xb8;
	[tilespmem:$0x1A100] =	vst v63  }
0x60: {  	s26 =	simm.s32 $0xB100  }
0x61: {  	[tilespmem:s26], [sflag:$0x1] =	stream.indirect_vreg.gather [hbm4b:s6+s2], $0x80, v3, vm0, $0xb8;
	[tilespmem:$0x1A100] =	vst v63  }
0x62: {  	s30 =	simm.s32 $0xB900  }
0x63: {  	[tilespmem:s30], [sflag:$0x1] =	stream.indirect_vreg.gather [hbm4b:s7+s2], $0x80, v3, vm0, $0xb8;
	[tilespmem:$0x1A100] =	vst v63  }
0x64: {  	v3 =	vld [tilespmem:$0x80];
	_ =	sdelay $0x4  }
0x65: {  	v4 =	vshrl.u32 v3, $0x3  }
0x66: {  	v4 =	vmul.u32 $0x30, v4  }
0x67: {  	v3 =	vand.u32 $0x7, v3  }
0x68: {  	v3 =	vor.u32 v3, v4  }
0x69: {  	v4 =	vperm.xlane v3, v0;
	_ =	sdelay $0x1  }
0x6a: {  	v4 =	vadd.s32 v1, v4;
	_ =	sdelay $0x3  }
0x6b: {  	s31 =	simm.s32 $0xC100;
	v3 =	vperm.xlane v3, v2  }
0x6c: {  	[tilespmem:s31], [sflag:$0x2] =	stream.indirect_vreg.gather [hbm4b:s3+s2], $0x80, v4, vm0, $0xb8;
	[tilespmem:$0x1A100] =	vst v63  }
0x6d: {  	s26 =	simm.s32 $0xC900;
	v3 =	vadd.s32 v1, v3  }
0x6e: {  	[tilespmem:s26], [sflag:$0x2] =	stream.indirect_vreg.gather [hbm4b:s6+s2], $0x80, v4, vm0, $0xb8;
	[tilespmem:$0x1A100] =	vst v63  }
0x6f: {  	s30 =	simm.s32 $0xD100  }
0x70: {  	[tilespmem:s30], [sflag:$0x2] =	stream.indirect_vreg.gather [hbm4b:s7+s2], $0x80, v4, vm0, $0xb8;
	[tilespmem:$0x1A100] =	vst v63  }
0x71: {  	s31 =	simm.s32 $0xD900  }
0x72: {  	[tilespmem:s31], [sflag:$0x2] =	stream.indirect_vreg.gather [hbm4b:s3+s2], $0x80, v3, vm0, $0xb8;
	[tilespmem:$0x1A100] =	vst v63  }
0x73: {  	s26 =	simm.s32 $0xE100  }
0x74: {  	[tilespmem:s26], [sflag:$0x2] =	stream.indirect_vreg.gather [hbm4b:s6+s2], $0x80, v3, vm0, $0xb8;
	[tilespmem:$0x1A100] =	vst v63  }
0x75: {  	s30 =	simm.s32 $0xE900  }
0x76: {  	[tilespmem:s30], [sflag:$0x2] =	stream.indirect_vreg.gather [hbm4b:s7+s2], $0x80, v3, vm0, $0xb8;
	[tilespmem:$0x1A100] =	vst v63  }
0x77: {  	v3 =	vld [tilespmem:$0x90];
	_ =	sdelay $0x4  }
0x78: {  	v4 =	vshrl.u32 v3, $0x3  }
0x79: {  	v4 =	vmul.u32 $0x30, v4  }
0x7a: {  	v3 =	vand.u32 $0x7, v3  }
0x7b: {  	v3 =	vor.u32 v3, v4  }
0x7c: {  	v4 =	vperm.xlane v3, v0;
	_ =	sdelay $0x1  }
0x7d: {  	v4 =	vadd.s32 v1, v4;
	_ =	sdelay $0x3  }
0x7e: {  	s31 =	simm.s32 $0xF100;
	v3 =	vperm.xlane v3, v2  }
0x7f: {  	[tilespmem:s31], [sflag:$0x2] =	stream.indirect_vreg.gather [hbm4b:s3+s2], $0x80, v4, vm0, $0xb8;
	[tilespmem:$0x1A100] =	vst v63  }
0x80: {  	s26 =	simm.s32 $0xF900;
	v3 =	vadd.s32 v1, v3  }
0x81: {  	[tilespmem:s26], [sflag:$0x2] =	stream.indirect_vreg.gather [hbm4b:s6+s2], $0x80, v4, vm0, $0xb8;
	[tilespmem:$0x1A100] =	vst v63  }
0x82: {  	s30 =	simm.s32 $0x10100  }
0x83: {  	[tilespmem:s30], [sflag:$0x2] =	stream.indirect_vreg.gather [hbm4b:s7+s2], $0x80, v4, vm0, $0xb8;
	[tilespmem:$0x1A100] =	vst v63  }
0x84: {  	s31 =	simm.s32 $0x10900  }
0x85: {  	[tilespmem:s31], [sflag:$0x2] =	stream.indirect_vreg.gather [hbm4b:s3+s2], $0x80, v3, vm0, $0xb8;
	[tilespmem:$0x1A100] =	vst v63  }
0x86: {  	s26 =	simm.s32 $0x11100  }
0x87: {  	[tilespmem:s26], [sflag:$0x2] =	stream.indirect_vreg.gather [hbm4b:s6+s2], $0x80, v3, vm0, $0xb8;
	[tilespmem:$0x1A100] =	vst v63  }
0x88: {  	s30 =	simm.s32 $0x11900  }
0x89: {  	[tilespmem:s30], [sflag:$0x2] =	stream.indirect_vreg.gather [hbm4b:s7+s2], $0x80, v3, vm0, $0xb8;
	[tilespmem:$0x1A100] =	vst v63  }
0x8a: {  	v3 =	vld [tilespmem:$0xA0];
	_ =	sdelay $0x4  }
0x8b: {  	v4 =	vshrl.u32 v3, $0x3  }
0x8c: {  	v4 =	vmul.u32 $0x30, v4  }
0x8d: {  	v3 =	vand.u32 $0x7, v3  }
0x8e: {  	v3 =	vor.u32 v3, v4  }
0x8f: {  	v4 =	vperm.xlane v3, v0;
	_ =	sdelay $0x1  }
0x90: {  	v4 =	vadd.s32 v1, v4;
	_ =	sdelay $0x3  }
0x91: {  	s31 =	simm.s32 $0x12100;
	v3 =	vperm.xlane v3, v2  }
0x92: {  	[tilespmem:s31], [sflag:$0x2] =	stream.indirect_vreg.gather [hbm4b:s3+s2], $0x80, v4, vm0, $0xb8;
	[tilespmem:$0x1A100] =	vst v63  }
0x93: {  	s26 =	simm.s32 $0x12900;
	v3 =	vadd.s32 v1, v3  }
0x94: {  	[tilespmem:s26], [sflag:$0x2] =	stream.indirect_vreg.gather [hbm4b:s6+s2], $0x80, v4, vm0, $0xb8;
	[tilespmem:$0x1A100] =	vst v63  }
0x95: {  	_ = 	snop  }
0x96: {  	[tilespmem:s0], [sflag:$0x2] =	stream.indirect_vreg.gather [hbm4b:s7+s2], $0x80, v4, vm0, $0xb8;
	[tilespmem:$0x1A100] =	vst v63  }
0x97: {  	_ = 	snop  }
0x98: {  	[tilespmem:s1], [sflag:$0x2] =	stream.indirect_vreg.gather [hbm4b:s3+s2], $0x80, v3, vm0, $0xb8;
	[tilespmem:$0x1A100] =	vst v63  }
0x99: {  	_ = 	snop  }
0x9a: {  	[tilespmem:s12], [sflag:$0x2] =	stream.indirect_vreg.gather [hbm4b:s6+s2], $0x80, v3, vm0, $0xb8;
	[tilespmem:$0x1A100] =	vst v63  }
0x9b: {  	_ = 	snop  }
0x9c: {  	[tilespmem:s14], [sflag:$0x2] =	stream.indirect_vreg.gather [hbm4b:s7+s2], $0x80, v3, vm0, $0xb8;
	[tilespmem:$0x1A100] =	vst v63  }
0x9d: {  	v3 =	vld [tilespmem:$0xB0];
	_ =	sdelay $0x4  }
0x9e: {  	v4 =	vshrl.u32 v3, $0x3  }
0x9f: {  	v4 =	vmul.u32 $0x30, v4  }
0xa0: {  	v3 =	vand.u32 $0x7, v3  }
0xa1: {  	v3 =	vor.u32 v3, v4  }
0xa2: {  	v4 =	vperm.xlane v3, v0;
	_ =	sdelay $0x1  }
0xa3: {  	v4 =	vadd.s32 v1, v4;
	_ =	sdelay $0x3  }
0xa4: {  	v3 =	vperm.xlane v3, v2  }
0xa5: {  	[tilespmem:s15], [sflag:$0x2] =	stream.indirect_vreg.gather [hbm4b:s3+s2], $0x80, v4, vm0, $0xb8;
	[tilespmem:$0x1A100] =	vst v63  }
0xa6: {  	v3 =	vadd.s32 v1, v3  }
0xa7: {  	[tilespmem:s16], [sflag:$0x2] =	stream.indirect_vreg.gather [hbm4b:s6+s2], $0x80, v4, vm0, $0xb8;
	[tilespmem:$0x1A100] =	vst v63  }
0xa8: {  	_ = 	snop  }
0xa9: {  	[tilespmem:s17], [sflag:$0x2] =	stream.indirect_vreg.gather [hbm4b:s7+s2], $0x80, v4, vm0, $0xb8;
	[tilespmem:$0x1A100] =	vst v63  }
0xaa: {  	_ = 	snop  }
0xab: {  	[tilespmem:s18], [sflag:$0x2] =	stream.indirect_vreg.gather [hbm4b:s3+s2], $0x80, v3, vm0, $0xb8;
	[tilespmem:$0x1A100] =	vst v63  }
0xac: {  	_ = 	snop  }
0xad: {  	[tilespmem:s19], [sflag:$0x2] =	stream.indirect_vreg.gather [hbm4b:s6+s2], $0x80, v3, vm0, $0xb8;
	[tilespmem:$0x1A100] =	vst v63  }
0xae: {  	_ = 	snop  }
0xaf: {  	[tilespmem:s20], [sflag:$0x2] =	stream.indirect_vreg.gather [hbm4b:s7+s2], $0x80, v3, vm0, $0xb8;
	[tilespmem:$0x1A100] =	vst v63  }
0xb0: {  	_ = 	snop  }
0xb1: {  	[tilespmem:s21], [sflag:$0x3] =	stream.linear.gather [hbm4b:s8+s2], $0x2000, $0x38;
	[tilespmem:$0x1A100] =	vst v63  }
0xb2: {  	_ =	swait.ge [sflag:s11], $0x2000  }
0xb3: {  	[sflag:s11] =	ssyncset.done $0x0  }
0xb4: {  	[sflag:s11] =	ssyncadd.s32 $0xFFFFE000  }
0xb5: {  	_ =	swait.ge [sflag:s22], $0xC000  }
0xb6: {  	[sflag:s22] =	ssyncset.done $0x0  }
0xb7: {  	s30 =	simm.s32 $0x0;
	[sflag:s22] =	ssyncadd.s32 $0xFFFF4000  }
0xb8: {  	s25 =	smul.u32 $0x1800, s30;
	_ =	swait.ge [sflag:s23], $0xC000  }
0xb9: {  	s26 =	sand.u32 $0x380, s2;
	[sflag:s23] =	ssyncset.done $0x0  }
0xba: {  	s29 =	sor.u32 s26, s25;
	[sflag:s23] =	ssyncadd.s32 $0xFFFF4000  }
0xbb: {  	v4 =	vld [tilespmem:s29+$0x110]  }
0xbc: {  	v3 =	vld [tilespmem:s29+$0xC110]  }
0xbd: {  	v6 =	vld [tilespmem:s29+$0x120]  }
0xbe: {  	v5 =	vld [tilespmem:s29+$0xC120]  }
0xbf: {  	v10 =	vld [tilespmem:s29+$0x130]  }
0xc0: {  	v7 =	vld [tilespmem:s29+$0xC130]  }
0xc1: {  	v12 =	vld [tilespmem:s29+$0x140]  }
0xc2: {  	v11 =	vld [tilespmem:s29+$0xC140]  }
0xc3: {  	v13 =	vld [tilespmem:s29+$0x160]  }
0xc4: {  	v14 =	vld [tilespmem:s29+$0x170]  }
0xc5: {  	v15 =	vld [tilespmem:s29+$0x500]  }
0xc6: {  	v16 =	vld [tilespmem:s29+$0x510]  }
0xc7: {  	v17 =	vld [tilespmem:s29+$0x520]  }
0xc8: {  	v18 =	vld [tilespmem:s29+$0x530]  }
0xc9: {  	v19 =	vld [tilespmem:s29+$0x540]  }
0xca: {  	v20 =	vld [tilespmem:s29+$0x550]  }
0xcb: {  	v21 =	vld [tilespmem:s29+$0x560]  }
0xcc: {  	v22 =	vld [tilespmem:s29+$0x570]  }
0xcd: {  	v23 =	vld [tilespmem:s29+$0x900]  }
0xce: {  	v24 =	vld [tilespmem:s29+$0x910]  }
0xcf: {  	v25 =	vld [tilespmem:s29+$0x920]  }
0xd0: {  	v26 =	vld [tilespmem:s29+$0x930]  }
0xd1: {  	v27 =	vld [tilespmem:s29+$0x940]  }
0xd2: {  	v28 =	vld [tilespmem:s29+$0x950]  }
0xd3: {  	v29 =	vld [tilespmem:s29+$0x960]  }
0xd4: {  	v30 =	vld [tilespmem:s29+$0x970]  }
0xd5: {  	v31 =	vld [tilespmem:s29+$0xD00]  }
0xd6: {  	v32 =	vld [tilespmem:s29+$0xD10]  }
0xd7: {  	v33 =	vld [tilespmem:s29+$0xD20]  }
0xd8: {  	v34 =	vld [tilespmem:s29+$0xD30]  }
0xd9: {  	v35 =	vld [tilespmem:s29+$0xD40]  }
0xda: {  	v36 =	vld [tilespmem:s29+$0xD50]  }
0xdb: {  	v37 =	vld [tilespmem:s29+$0xD60]  }
0xdc: {  	v38 =	vld [tilespmem:s29+$0xD70]  }
0xdd: {  	v39 =	vld [tilespmem:s29+$0x1100]  }
0xde: {  	v40 =	vld [tilespmem:s29+$0x1110]  }
0xdf: {  	v41 =	vld [tilespmem:s29+$0x1120]  }
0xe0: {  	v42 =	vld [tilespmem:s29+$0x1130]  }
0xe1: {  	v43 =	vld [tilespmem:s29+$0x1140]  }
0xe2: {  	v44 =	vld [tilespmem:s29+$0x1150]  }
0xe3: {  	v45 =	vld [tilespmem:s29+$0x1160]  }
0xe4: {  	v46 =	vld [tilespmem:s29+$0x1500]  }
0xe5: {  	v47 =	vld [tilespmem:s29+$0x1510]  }
0xe6: {  	v48 =	vld [tilespmem:s29+$0xD510]  }
0xe7: {  	v49 =	vld [tilespmem:s29+$0xD530]  }
0xe8: {  	v50 =	vld [tilespmem:s29+$0x1530]  }
0xe9: {  	s26 =	simm.s32 $0x18110;
	v51 =	vld [tilespmem:s29+$0x1520]  }
0xea: {  	v8 =	vld [tilespmem:s26+$0xFFFFFFF0]  }
0xeb: {  	v9 =	vld [tilespmem:s26+$0x0]  }
0xec: {  	v52 =	vld [tilespmem:s29+$0xD520]  }
0xed: {  	v53 =	vld [tilespmem:s29+$0xD500]  }
0xee: {  	v54 =	vld [tilespmem:s29+$0x1170]  }
0xef: {  	v55 =	vld [tilespmem:s29+$0xD170];
	v50 =	vmul.f32 v50, v8  }
0xf0: {  	v56 =	vld [tilespmem:s29+$0xD160];
	v49 =	vmul.f32 v49, v9;
	v51 =	vmul.f32 v51, v8  }
0xf1: {  	v61 =	vld [tilespmem:s29+$0xD100];
	v52 =	vmul.f32 v52, v9;
	v47 =	vmul.f32 v47, v8  }
0xf2: {  	v57 =	vld [tilespmem:s29+$0xD150];
	v48 =	vmul.f32 v48, v9;
	v46 =	vmul.f32 v46, v8;
	v49 =	vadd.f32 v49, v50  }
0xf3: {  	v58 =	vld [tilespmem:s29+$0xD140];
	v62 =	vmul.f32 v53, v9;
	v63 =	vmul.f32 v54, v8;
	v51 =	vadd.f32 v52, v51  }
0xf4: {  	v53 =	vld [tilespmem:s29+$0xD130];
	v59 =	vmul.f32 v55, v9;
	v45 =	vmul.f32 v45, v8;
	v47 =	vadd.f32 v48, v47;
	[tilespmem:s29+$0x1530] =	vst v49  }
0xf5: {  	v60 =	vmul.f32 v56, v9;
	v56 =	vld [tilespmem:s29+$0xCD60];
	v39 =	vmul.f32 v39, v8;
	v46 =	vadd.f32 v62, v46;
	[tilespmem:s29+$0x1520] =	vst v51  }
0xf6: {  	v61 =	vmul.f32 v61, v9;
	v55 =	vld [tilespmem:s29+$0xC970];
	v12 =	vmul.f32 v12, v8;
	v52 =	vadd.f32 v59, v63;
	[tilespmem:s29+$0x1510] =	vst v47  }
0xf7: {  	v11 =	vmul.f32 v11, v9;
	v10 =	vmul.f32 v10, v8;
	v48 =	vld [tilespmem:s29+$0xD120];
	v45 =	vadd.f32 v60, v45;
	[tilespmem:s29+$0x1500] =	vst v46  }
0xf8: {  	v7 =	vmul.f32 v7, v9;
	v63 =	vmul.f32 v58, v9;
	v58 =	vld [tilespmem:s29+$0xCD50];
	v39 =	vadd.f32 v61, v39;
	[tilespmem:s29+$0x1170] =	vst v52  }
0xf9: {  	v44 =	vmul.f32 v44, v8;
	v62 =	vmul.f32 v57, v9;
	v59 =	vld [tilespmem:s29+$0xCD40];
	v11 =	vadd.f32 v11, v12;
	[tilespmem:s29+$0x1160] =	vst v45  }
0xfa: {  	v43 =	vmul.f32 v43, v8;
	v60 =	vld [tilespmem:s29+$0xCD30];
	v7 =	vadd.f32 v7, v10;
	[tilespmem:s29+$0x1100] =	vst v39  }
0xfb: {  	v42 =	vmul.f32 v42, v8;
	v61 =	vld [tilespmem:s29+$0xC910];
	v44 =	vadd.f32 v62, v44;
	[tilespmem:s29+$0x140] =	vst v11;
	v57 =	vmul.f32 v53, v9  }
0xfc: {  	v37 =	vmul.f32 v37, v8;
	v49 =	vld [tilespmem:s29+$0xD110];
	v43 =	vadd.f32 v63, v43;
	[tilespmem:s29+$0x130] =	vst v7;
	v46 =	vmul.f32 v56, v9  }
0xfd: {  	v41 =	vmul.f32 v41, v8;
	v47 =	vld [tilespmem:s29+$0xCD70];
	[tilespmem:s29+$0x1150] =	vst v44;
	v48 =	vmul.f32 v48, v9;
	v42 =	vadd.f32 v57, v42  }
0xfe: {  	v36 =	vmul.f32 v36, v8;
	v62 =	vld [tilespmem:s29+$0xCD20];
	[tilespmem:s29+$0x1140] =	vst v43;
	v54 =	vmul.f32 v58, v9;
	v37 =	vadd.f32 v46, v37  }
0xff: {  	v35 =	vmul.f32 v35, v8;
	v63 =	vld [tilespmem:s29+$0xCD10];
	v45 =	vmul.f32 v59, v9;
	v41 =	vadd.f32 v48, v41;
	[tilespmem:s29+$0x1130] =	vst v42  }
0x100: {  	v34 =	vmul.f32 v34, v8;
	v56 =	vld [tilespmem:s29+$0xC960];
	v44 =	vmul.f32 v60, v9;
	v36 =	vadd.f32 v54, v36;
	[tilespmem:s29+$0xD60] =	vst v37  }
0x101: {  	v40 =	vmul.f32 v40, v8;
	v53 =	vld [tilespmem:s29+$0xCD00];
	v49 =	vmul.f32 v49, v9;
	v35 =	vadd.f32 v45, v35;
	[tilespmem:s29+$0x1120] =	vst v41  }
0x102: {  	v38 =	vmul.f32 v38, v8;
	v12 =	vld [tilespmem:s29+$0x1560];
	v47 =	vmul.f32 v47, v9;
	v34 =	vadd.f32 v44, v34;
	[tilespmem:s29+$0xD50] =	vst v36  }
0x103: {  	v33 =	vmul.f32 v33, v8;
	v58 =	vld [tilespmem:s29+$0xC940];
	v43 =	vmul.f32 v62, v9;
	v40 =	vadd.f32 v49, v40;
	[tilespmem:s29+$0xD40] =	vst v35  }
0x104: {  	v32 =	vmul.f32 v32, v8;
	v57 =	vld [tilespmem:s29+$0xC950];
	v42 =	vmul.f32 v63, v9;
	v38 =	vadd.f32 v47, v38;
	[tilespmem:s29+$0xD30] =	vst v34  }
0x105: {  	v29 =	vmul.f32 v29, v8;
	v60 =	vld [tilespmem:s29+$0xC920];
	v39 =	vmul.f32 v56, v9;
	v33 =	vadd.f32 v43, v33;
	[tilespmem:s29+$0x1110] =	vst v40  }
0x106: {  	v31 =	vmul.f32 v31, v8;
	v59 =	vld [tilespmem:s29+$0xC930];
	v41 =	vmul.f32 v53, v9;
	v32 =	vadd.f32 v42, v32;
	[tilespmem:s29+$0xD70] =	vst v38  }
0x107: {  	v24 =	vmul.f32 v24, v8;
	v62 =	vld [tilespmem:s29+$0xC900];
	v34 =	vmul.f32 v61, v9;
	v29 =	vadd.f32 v39, v29;
	[tilespmem:s29+$0xD20] =	vst v33  }
0x108: {  	v27 =	vmul.f32 v27, v8;
	v63 =	vld [tilespmem:s29+$0xC570];
	v37 =	vmul.f32 v58, v9;
	v31 =	vadd.f32 v41, v31;
	[tilespmem:s29+$0xD10] =	vst v32  }
0x109: {  	v30 =	vmul.f32 v30, v8;
	v40 =	vmul.f32 v55, v9;
	v24 =	vadd.f32 v34, v24;
	[tilespmem:s29+$0x960] =	vst v29;
	v29 =	vld [tilespmem:s29+$0xC540]  }
0x10a: {  	v25 =	vmul.f32 v25, v8;
	v35 =	vmul.f32 v60, v9;
	v27 =	vadd.f32 v37, v27;
	[tilespmem:s29+$0xD00] =	vst v31;
	v31 =	vld [tilespmem:s29+$0xC560]  }
0x10b: {  	v28 =	vmul.f32 v28, v8;
	v38 =	vmul.f32 v57, v9;
	v30 =	vadd.f32 v40, v30;
	[tilespmem:s29+$0x910] =	vst v24;
	v24 =	vld [tilespmem:s29+$0xC170]  }
0x10c: {  	v23 =	vmul.f32 v23, v8;
	v33 =	vmul.f32 v62, v9;
	v25 =	vadd.f32 v35, v25;
	[tilespmem:s29+$0x940] =	vst v27;
	v27 =	vld [tilespmem:s29+$0xC520]  }
0x10d: {  	v26 =	vmul.f32 v26, v8;
	v36 =	vmul.f32 v59, v9;
	v28 =	vadd.f32 v38, v28;
	[tilespmem:s29+$0x970] =	vst v30;
	v30 =	vld [tilespmem:s29+$0xC550]  }
0x10e: {  	v22 =	vmul.f32 v22, v8;
	v32 =	vmul.f32 v63, v9;
	v23 =	vadd.f32 v33, v23;
	[tilespmem:s29+$0x920] =	vst v25;
	v25 =	vld [tilespmem:s29+$0xC500]  }
0x10f: {  	v19 =	vmul.f32 v19, v8;
	v26 =	vadd.f32 v36, v26;
	[tilespmem:s29+$0x950] =	vst v28;
	v28 =	vld [tilespmem:s29+$0xC530];
	v29 =	vmul.f32 v29, v9  }
0x110: {  	v21 =	vmul.f32 v21, v8;
	v22 =	vadd.f32 v32, v22;
	[tilespmem:s29+$0x900] =	vst v23;
	v23 =	vld [tilespmem:s29+$0xC160];
	v31 =	vmul.f32 v31, v9  }
0x111: {  	v17 =	vmul.f32 v17, v8;
	[tilespmem:s29+$0x930] =	vst v26;
	v26 =	vld [tilespmem:s29+$0xC510];
	v27 =	vmul.f32 v27, v9;
	v19 =	vadd.f32 v29, v19  }
0x112: {  	v20 =	vmul.f32 v20, v8;
	[tilespmem:s29+$0x570] =	vst v22;
	v22 =	vld [tilespmem:s29+$0x150];
	v30 =	vmul.f32 v30, v9;
	v21 =	vadd.f32 v31, v21  }
0x113: {  	v15 =	vmul.f32 v15, v8;
	v25 =	vmul.f32 v25, v9;
	v17 =	vadd.f32 v27, v17;
	[tilespmem:s29+$0x540] =	vst v19;
	v19 =	vld [tilespmem:s29+$0xD550]  }
0x114: {  	v18 =	vmul.f32 v18, v8;
	v28 =	vmul.f32 v28, v9;
	v20 =	vadd.f32 v30, v20;
	[tilespmem:s29+$0x560] =	vst v21;
	v21 =	vld [tilespmem:s29+$0xC150]  }
0x115: {  	v13 =	vmul.f32 v13, v8;
	v23 =	vmul.f32 v23, v9;
	v15 =	vadd.f32 v25, v15;
	[tilespmem:s29+$0x520] =	vst v17;
	v17 =	vld [tilespmem:s29+$0x1540]  }
0x116: {  	v6 =	vmul.f32 v6, v8;
	v5 =	vmul.f32 v5, v9;
	v18 =	vadd.f32 v28, v18;
	[tilespmem:s29+$0x550] =	vst v20;
	v20 =	vld [tilespmem:s29+$0xD540]  }
0x117: {  	v14 =	vmul.f32 v14, v8;
	v24 =	vmul.f32 v24, v9;
	v13 =	vadd.f32 v23, v13;
	[tilespmem:s29+$0x500] =	vst v15;
	v15 =	vld [tilespmem:s29+$0x1550]  }
0x118: {  	v4 =	vmul.f32 v4, v8;
	v3 =	vmul.f32 v3, v9;
	v5 =	vadd.f32 v5, v6;
	[tilespmem:s29+$0x530] =	vst v18;
	v18 =	vld [tilespmem:s29+$0xD560]  }
0x119: {  	v6 =	vld [tilespmem:s29+$0x100];
	v14 =	vadd.f32 v24, v14;
	v10 =	vmul.f32 v22, v8;
	[tilespmem:s29+$0x160] =	vst v13;
	v13 =	vmul.f32 v21, v9  }
0x11a: {  	s31 =	simm.s32 $0x0;
	v16 =	vmul.f32 v16, v8;
	v3 =	vadd.f32 v3, v4;
	v7 =	vld [tilespmem:s29+$0xC100];
	[tilespmem:s29+$0x120] =	vst v5;
	v26 =	vmul.f32 v26, v9  }
0x11b: {  	s28 =	simm.s32 $0x80;
	s25 =	smul.u32 $0x1800, s31;
	[tilespmem:s29+$0x170] =	vst v14;
	v14 =	vld [tilespmem:s29+$0x1570];
	v11 =	vmul.f32 v17, v8;
	v17 =	vmul.f32 v20, v9;
	v4 =	vadd.f32 v13, v10  }
0x11c: {  	s30 =	sand.u32 $0x380, s28;
	[tilespmem:s29+$0x110] =	vst v3;
	v16 =	vadd.f32 v26, v16;
	v5 =	vmul.f32 v15, v8;
	v10 =	vmul.f32 v19, v9  }
0x11d: {  	s25 =	sor.u32 s30, s25;
	v11 =	vadd.f32 v17, v11;
	[tilespmem:s29+$0x150] =	vst v4;
	v4 =	vmul.f32 v12, v8;
	v12 =	vmul.f32 v18, v9  }
0x11e: {  	v3 =	vld [tilespmem:s25+$0x110];
	[tilespmem:s29+$0x510] =	vst v16;
	v5 =	vadd.f32 v10, v5  }
0x11f: {  	v7 =	vmul.f32 v7, v9;
	v16 =	vld [tilespmem:s29+$0xD570];
	[tilespmem:s29+$0x1540] =	vst v11;
	v12 =	vadd.f32 v12, v4  }
0x120: {  	v10 =	vmul.f32 v14, v8;
	v8 =	vmul.f32 v6, v8;
	v4 =	vld [tilespmem:s25+$0xC110];
	[tilespmem:s29+$0x1550] =	vst v5  }
0x121: {  	v6 =	vld [tilespmem:s25+$0x120];
	[tilespmem:s29+$0x1560] =	vst v12  }
0x122: {  	v7 =	vadd.f32 v7, v8;
	v5 =	vld [tilespmem:s25+$0xC120]  }
0x123: {  	v8 =	vld [tilespmem:s25+$0x130]  }
0x124: {  	[tilespmem:s29+$0x100] =	vst v7;
	v18 =	vld [tilespmem:s25+$0x530]  }
0x125: {  	v11 =	vmul.f32 v16, v9;
	v26 =	vld [tilespmem:s25+$0x930]  }
0x126: {  	v36 =	vld [tilespmem:s25+$0xD30]  }
0x127: {  	v9 =	vadd.f32 v11, v10;
	v44 =	vld [tilespmem:s25+$0x1130]  }
0x128: {  	v48 =	vld [tilespmem:s25+$0x1500]  }
0x129: {  	[tilespmem:s29+$0x1570] =	vst v9;
	v50 =	vld [tilespmem:s25+$0x1510]  }
0x12a: {  	v7 =	vld [tilespmem:s25+$0xC130]  }
0x12b: {  	v10 =	vld [tilespmem:s25+$0x140]  }
0x12c: {  	v9 =	vld [tilespmem:s25+$0xC140]  }
0x12d: {  	v12 =	vld [tilespmem:s25+$0x150]  }
0x12e: {  	v11 =	vld [tilespmem:s25+$0xC150]  }
0x12f: {  	v13 =	vld [tilespmem:s25+$0x160]  }
0x130: {  	v14 =	vld [tilespmem:s25+$0x170]  }
0x131: {  	v15 =	vld [tilespmem:s25+$0x500]  }
0x132: {  	v16 =	vld [tilespmem:s25+$0x510]  }
0x133: {  	v17 =	vld [tilespmem:s25+$0x520]  }
0x134: {  	v19 =	vld [tilespmem:s25+$0x540]  }
0x135: {  	v20 =	vld [tilespmem:s25+$0x550]  }
0x136: {  	v21 =	vld [tilespmem:s25+$0x560]  }
0x137: {  	v22 =	vld [tilespmem:s25+$0x570]  }
0x138: {  	v23 =	vld [tilespmem:s25+$0x900]  }
0x139: {  	v24 =	vld [tilespmem:s25+$0x910]  }
0x13a: {  	v25 =	vld [tilespmem:s25+$0x920]  }
0x13b: {  	v27 =	vld [tilespmem:s25+$0x940]  }
0x13c: {  	v28 =	vld [tilespmem:s25+$0x950]  }
0x13d: {  	v29 =	vld [tilespmem:s25+$0x960]  }
0x13e: {  	v30 =	vld [tilespmem:s25+$0x970]  }
0x13f: {  	v32 =	vld [tilespmem:s25+$0xD00]  }
0x140: {  	v34 =	vld [tilespmem:s25+$0xD10]  }
0x141: {  	v35 =	vld [tilespmem:s25+$0xD20]  }
0x142: {  	v37 =	vld [tilespmem:s25+$0xD40]  }
0x143: {  	v38 =	vld [tilespmem:s25+$0xD50]  }
0x144: {  	v39 =	vld [tilespmem:s25+$0xD60]  }
0x145: {  	v40 =	vld [tilespmem:s25+$0xD70]  }
0x146: {  	v41 =	vld [tilespmem:s25+$0x1100]  }
0x147: {  	v42 =	vld [tilespmem:s25+$0x1110]  }
0x148: {  	v43 =	vld [tilespmem:s25+$0x1120]  }
0x149: {  	v45 =	vld [tilespmem:s25+$0x1140]  }
0x14a: {  	v46 =	vld [tilespmem:s25+$0x1150]  }
0x14b: {  	v47 =	vld [tilespmem:s25+$0x1160]  }
0x14c: {  	v49 =	vld [tilespmem:s25+$0xD510]  }
0x14d: {  	s29 =	simm.s32 $0x2;
	v51 =	vld [tilespmem:s25+$0xD530]  }
.LBB2_2:
0x14e: {  	p0 =	sne.s32 s29, $0x3F;
	v52 =	vld [tilespmem:s25+$0x1530]  }
0x14f: {  	s26 =	sadd.s32 $0x80, s26;
	v53 =	vld [tilespmem:s25+$0x1520]  }
0x150: {  	v33 =	vld [tilespmem:s26+$0xFFFFFFF0]  }
0x151: {  	v31 =	vld [tilespmem:s26+$0x0]  }
0x152: {  	v54 =	vld [tilespmem:s25+$0xD520]  }
0x153: {  	v55 =	vld [tilespmem:s25+$0xD500]  }
0x154: {  	v56 =	vld [tilespmem:s25+$0x1170]  }
0x155: {  	v57 =	vld [tilespmem:s25+$0xD170];
	v50 =	vmul.f32 v50, v33;
	v53 =	vmul.f32 v53, v33  }
0x156: {  	v52 =	vmul.f32 v52, v33;
	v58 =	vld [tilespmem:s25+$0xD160];
	v51 =	vmul.f32 v51, v31  }
0x157: {  	v49 =	vmul.f32 v49, v31;
	v59 =	vld [tilespmem:s25+$0xD150];
	v54 =	vmul.f32 v54, v31  }
0x158: {  	v48 =	vmul.f32 v48, v33;
	v60 =	vld [tilespmem:s25+$0xD140];
	v55 =	vmul.f32 v55, v31;
	v51 =	vadd.f32 v51, v52  }
0x159: {  	v49 =	vadd.f32 v49, v50;
	v52 =	vld [tilespmem:s25+$0xD130];
	v56 =	vmul.f32 v56, v33;
	v50 =	vadd.f32 v54, v53  }
0x15a: {  	v47 =	vmul.f32 v47, v33;
	v53 =	vld [tilespmem:s25+$0xD120];
	v54 =	vmul.f32 v57, v31;
	v48 =	vadd.f32 v55, v48;
	[tilespmem:s25+$0x1530] =	vst v51  }
0x15b: {  	v46 =	vmul.f32 v46, v33;
	v51 =	vld [tilespmem:s25+$0xD110];
	v55 =	vmul.f32 v58, v31;
	[tilespmem:s25+$0x1520] =	vst v50  }
0x15c: {  	v45 =	vmul.f32 v45, v33;
	v50 =	vld [tilespmem:s25+$0xD100];
	v57 =	vmul.f32 v59, v31;
	v54 =	vadd.f32 v54, v56;
	[tilespmem:s25+$0x1510] =	vst v49  }
0x15d: {  	v44 =	vmul.f32 v44, v33;
	v49 =	vld [tilespmem:s25+$0xCD70];
	v56 =	vmul.f32 v60, v31;
	v47 =	vadd.f32 v55, v47;
	[tilespmem:s25+$0x1500] =	vst v48  }
0x15e: {  	v43 =	vmul.f32 v43, v33;
	v48 =	vld [tilespmem:s25+$0xCD60];
	v52 =	vmul.f32 v52, v31;
	v46 =	vadd.f32 v57, v46;
	[tilespmem:s25+$0x1170] =	vst v54  }
0x15f: {  	v42 =	vmul.f32 v42, v33;
	v54 =	vld [tilespmem:s25+$0xCD50];
	v53 =	vmul.f32 v53, v31;
	v45 =	vadd.f32 v56, v45;
	[tilespmem:s25+$0x1160] =	vst v47  }
0x160: {  	v41 =	vmul.f32 v41, v33;
	v47 =	vld [tilespmem:s25+$0xCD40];
	v51 =	vmul.f32 v51, v31;
	v44 =	vadd.f32 v52, v44;
	[tilespmem:s25+$0x1150] =	vst v46  }
0x161: {  	v40 =	vmul.f32 v40, v33;
	v46 =	vld [tilespmem:s25+$0xCD30];
	v50 =	vmul.f32 v50, v31;
	v43 =	vadd.f32 v53, v43;
	[tilespmem:s25+$0x1140] =	vst v45  }
0x162: {  	v39 =	vmul.f32 v39, v33;
	v45 =	vld [tilespmem:s25+$0xCD20];
	v49 =	vmul.f32 v49, v31;
	v42 =	vadd.f32 v51, v42;
	[tilespmem:s25+$0x1130] =	vst v44  }
0x163: {  	v38 =	vmul.f32 v38, v33;
	v44 =	vld [tilespmem:s25+$0xCD10];
	v48 =	vmul.f32 v48, v31;
	v41 =	vadd.f32 v50, v41;
	[tilespmem:s25+$0x1120] =	vst v43  }
0x164: {  	v37 =	vmul.f32 v37, v33;
	v43 =	vld [tilespmem:s25+$0xCD00];
	v50 =	vmul.f32 v54, v31;
	v40 =	vadd.f32 v49, v40;
	[tilespmem:s25+$0x1110] =	vst v42  }
0x165: {  	v36 =	vmul.f32 v36, v33;
	v42 =	vld [tilespmem:s25+$0xC970];
	v47 =	vmul.f32 v47, v31;
	v39 =	vadd.f32 v48, v39;
	[tilespmem:s25+$0x1100] =	vst v41  }
0x166: {  	v35 =	vmul.f32 v35, v33;
	v41 =	vld [tilespmem:s25+$0xC960];
	v46 =	vmul.f32 v46, v31;
	v38 =	vadd.f32 v50, v38;
	[tilespmem:s25+$0xD70] =	vst v40  }
0x167: {  	v34 =	vmul.f32 v34, v33;
	v40 =	vld [tilespmem:s25+$0xC950];
	v45 =	vmul.f32 v45, v31;
	v37 =	vadd.f32 v47, v37;
	[tilespmem:s25+$0xD60] =	vst v39  }
0x168: {  	v32 =	vmul.f32 v32, v33;
	v39 =	vld [tilespmem:s25+$0xC940];
	v44 =	vmul.f32 v44, v31;
	v36 =	vadd.f32 v46, v36;
	[tilespmem:s25+$0xD50] =	vst v38  }
0x169: {  	v30 =	vmul.f32 v30, v33;
	v38 =	vld [tilespmem:s25+$0xC930];
	v43 =	vmul.f32 v43, v31;
	v35 =	vadd.f32 v45, v35;
	[tilespmem:s25+$0xD40] =	vst v37  }
0x16a: {  	v29 =	vmul.f32 v29, v33;
	v37 =	vld [tilespmem:s25+$0xC920];
	v42 =	vmul.f32 v42, v31;
	v34 =	vadd.f32 v44, v34;
	[tilespmem:s25+$0xD30] =	vst v36  }
0x16b: {  	v28 =	vmul.f32 v28, v33;
	v36 =	vld [tilespmem:s25+$0xC910];
	v41 =	vmul.f32 v41, v31;
	v32 =	vadd.f32 v43, v32;
	[tilespmem:s25+$0xD20] =	vst v35  }
0x16c: {  	v27 =	vmul.f32 v27, v33;
	v35 =	vld [tilespmem:s25+$0xC900];
	v40 =	vmul.f32 v40, v31;
	v30 =	vadd.f32 v42, v30;
	[tilespmem:s25+$0xD10] =	vst v34  }
0x16d: {  	v26 =	vmul.f32 v26, v33;
	v34 =	vld [tilespmem:s25+$0xC570];
	v39 =	vmul.f32 v39, v31;
	v29 =	vadd.f32 v41, v29;
	[tilespmem:s25+$0xD00] =	vst v32  }
0x16e: {  	v25 =	vmul.f32 v25, v33;
	v32 =	vld [tilespmem:s25+$0xC560];
	v38 =	vmul.f32 v38, v31;
	v28 =	vadd.f32 v40, v28;
	[tilespmem:s25+$0x970] =	vst v30  }
0x16f: {  	v24 =	vmul.f32 v24, v33;
	v30 =	vld [tilespmem:s25+$0xC550];
	v37 =	vmul.f32 v37, v31;
	v27 =	vadd.f32 v39, v27;
	[tilespmem:s25+$0x960] =	vst v29  }
0x170: {  	v23 =	vmul.f32 v23, v33;
	v29 =	vld [tilespmem:s25+$0xC540];
	v36 =	vmul.f32 v36, v31;
	v26 =	vadd.f32 v38, v26;
	[tilespmem:s25+$0x950] =	vst v28  }
0x171: {  	v22 =	vmul.f32 v22, v33;
	v28 =	vld [tilespmem:s25+$0xC530];
	v35 =	vmul.f32 v35, v31;
	v25 =	vadd.f32 v37, v25;
	[tilespmem:s25+$0x940] =	vst v27  }
0x172: {  	v21 =	vmul.f32 v21, v33;
	v27 =	vld [tilespmem:s25+$0xC520];
	v34 =	vmul.f32 v34, v31;
	v24 =	vadd.f32 v36, v24;
	[tilespmem:s25+$0x930] =	vst v26  }
0x173: {  	v20 =	vmul.f32 v20, v33;
	v26 =	vld [tilespmem:s25+$0xC510];
	v32 =	vmul.f32 v32, v31;
	v23 =	vadd.f32 v35, v23;
	[tilespmem:s25+$0x920] =	vst v25  }
0x174: {  	v19 =	vmul.f32 v19, v33;
	v25 =	vld [tilespmem:s25+$0xC500];
	v30 =	vmul.f32 v30, v31;
	v22 =	vadd.f32 v34, v22;
	[tilespmem:s25+$0x910] =	vst v24  }
0x175: {  	v18 =	vmul.f32 v18, v33;
	v24 =	vld [tilespmem:s25+$0xC170];
	v29 =	vmul.f32 v29, v31;
	v21 =	vadd.f32 v32, v21;
	[tilespmem:s25+$0x900] =	vst v23  }
0x176: {  	v17 =	vmul.f32 v17, v33;
	v23 =	vld [tilespmem:s25+$0xC160];
	v28 =	vmul.f32 v28, v31;
	v20 =	vadd.f32 v30, v20;
	[tilespmem:s25+$0x570] =	vst v22  }
0x177: {  	v16 =	vmul.f32 v16, v33;
	v22 =	vmul.f32 v27, v31;
	v19 =	vadd.f32 v29, v19;
	[tilespmem:s25+$0x560] =	vst v21;
	v21 =	vld [tilespmem:s25+$0xD540]  }
0x178: {  	v15 =	vmul.f32 v15, v33;
	v26 =	vmul.f32 v26, v31;
	v18 =	vadd.f32 v28, v18;
	[tilespmem:s25+$0x550] =	vst v20;
	v20 =	vld [tilespmem:s25+$0xD550]  }
0x179: {  	v14 =	vmul.f32 v14, v33;
	v25 =	vmul.f32 v25, v31;
	v17 =	vadd.f32 v22, v17;
	[tilespmem:s25+$0x540] =	vst v19;
	v19 =	vld [tilespmem:s25+$0xD560]  }
0x17a: {  	v13 =	vmul.f32 v13, v33;
	v22 =	vmul.f32 v24, v31;
	v16 =	vadd.f32 v26, v16;
	[tilespmem:s25+$0x530] =	vst v18;
	v18 =	vld [tilespmem:s25+$0xD570]  }
0x17b: {  	v12 =	vmul.f32 v12, v33;
	v23 =	vmul.f32 v23, v31;
	v15 =	vadd.f32 v25, v15;
	[tilespmem:s25+$0x520] =	vst v17;
	v17 =	vld [tilespmem:s25+$0x1540]  }
0x17c: {  	v10 =	vmul.f32 v10, v33;
	v11 =	vmul.f32 v11, v31;
	v14 =	vadd.f32 v22, v14;
	[tilespmem:s25+$0x510] =	vst v16;
	v16 =	vld [tilespmem:s25+$0x1550]  }
0x17d: {  	v8 =	vmul.f32 v8, v33;
	v9 =	vmul.f32 v9, v31;
	v13 =	vadd.f32 v23, v13;
	[tilespmem:s25+$0x500] =	vst v15;
	v15 =	vld [tilespmem:s25+$0x1560]  }
0x17e: {  	v6 =	vmul.f32 v6, v33;
	v7 =	vmul.f32 v7, v31;
	v11 =	vadd.f32 v11, v12;
	[tilespmem:s25+$0x170] =	vst v14;
	v12 =	vld [tilespmem:s25+$0x1570]  }
0x17f: {  	v3 =	vmul.f32 v3, v33;
	v5 =	vmul.f32 v5, v31;
	v9 =	vadd.f32 v9, v10;
	v14 =	vld [tilespmem:s25+$0x100];
	[tilespmem:s25+$0x160] =	vst v13  }
0x180: {  	v4 =	vmul.f32 v4, v31;
	v7 =	vadd.f32 v7, v8;
	v10 =	vld [tilespmem:s25+$0xC100];
	[tilespmem:s25+$0x150] =	vst v11;
	v8 =	vmul.f32 v17, v33  }
0x181: {  	s30 =	sshrl.u32 s29, $0x3;
	v5 =	vadd.f32 v5, v6;
	v6 =	vmul.f32 v21, v31;
	[tilespmem:s25+$0x140] =	vst v9;
	v9 =	vmul.f32 v16, v33  }
0x182: {  	s28 =	sadd.s32 $0x80, s28;
	s30 =	smul.u32 $0x1800, s30;
	v3 =	vadd.f32 v4, v3;
	v4 =	vmul.f32 v20, v31;
	[tilespmem:s25+$0x130] =	vst v7;
	v7 =	vmul.f32 v15, v33  }
0x183: {  	s31 =	sand.u32 $0x380, s28;
	[tilespmem:s25+$0x120] =	vst v5;
	v5 =	vadd.f32 v6, v8;
	v6 =	vmul.f32 v19, v31;
	v8 =	vmul.f32 v12, v33  }
0x184: {  	s30 =	sor.u32 s31, s30;
	v9 =	vadd.f32 v4, v9;
	v12 =	vmul.f32 v18, v31;
	v11 =	vmul.f32 v14, v33;
	[tilespmem:s25+$0x110] =	vst v3  }
0x185: {  	v3 =	vld [tilespmem:s30+$0x110];
	v10 =	vmul.f32 v10, v31;
	[tilespmem:s25+$0x1540] =	vst v5;
	v5 =	vadd.f32 v6, v7  }
0x186: {  	v7 =	vadd.f32 v12, v8;
	v4 =	vld [tilespmem:s30+$0xC110];
	[tilespmem:s25+$0x1550] =	vst v9  }
0x187: {  	v6 =	vld [tilespmem:s30+$0x120];
	v9 =	vadd.f32 v10, v11;
	[tilespmem:s25+$0x1560] =	vst v5  }
0x188: {  	v5 =	vld [tilespmem:s30+$0xC120];
	[tilespmem:s25+$0x1570] =	vst v7  }
0x189: {  	v8 =	vld [tilespmem:s30+$0x130];
	[tilespmem:s25+$0x100] =	vst v9;
	s25 =	smov.u32 s30  }
0x18a: {  	v7 =	vld [tilespmem:s25+$0xC130]  }
0x18b: {  	v10 =	vld [tilespmem:s25+$0x140]  }
0x18c: {  	v9 =	vld [tilespmem:s25+$0xC140]  }
0x18d: {  	v12 =	vld [tilespmem:s25+$0x150]  }
0x18e: {  	v11 =	vld [tilespmem:s25+$0xC150]  }
0x18f: {  	v13 =	vld [tilespmem:s25+$0x160]  }
0x190: {  	v14 =	vld [tilespmem:s25+$0x170]  }
0x191: {  	v15 =	vld [tilespmem:s25+$0x500]  }
0x192: {  	v16 =	vld [tilespmem:s25+$0x510]  }
0x193: {  	v17 =	vld [tilespmem:s25+$0x520]  }
0x194: {  	v18 =	vld [tilespmem:s25+$0x530]  }
0x195: {  	v19 =	vld [tilespmem:s25+$0x540]  }
0x196: {  	v20 =	vld [tilespmem:s25+$0x550]  }
0x197: {  	v21 =	vld [tilespmem:s25+$0x560]  }
0x198: {  	v22 =	vld [tilespmem:s25+$0x570]  }
0x199: {  	v23 =	vld [tilespmem:s25+$0x900]  }
0x19a: {  	v24 =	vld [tilespmem:s25+$0x910]  }
0x19b: {  	v25 =	vld [tilespmem:s25+$0x920]  }
0x19c: {  	v26 =	vld [tilespmem:s25+$0x930]  }
0x19d: {  	v27 =	vld [tilespmem:s25+$0x940]  }
0x19e: {  	v28 =	vld [tilespmem:s25+$0x950]  }
0x19f: {  	v29 =	vld [tilespmem:s25+$0x960]  }
0x1a0: {  	v30 =	vld [tilespmem:s25+$0x970]  }
0x1a1: {  	v32 =	vld [tilespmem:s25+$0xD00]  }
0x1a2: {  	v34 =	vld [tilespmem:s25+$0xD10]  }
0x1a3: {  	v35 =	vld [tilespmem:s25+$0xD20]  }
0x1a4: {  	v36 =	vld [tilespmem:s25+$0xD30]  }
0x1a5: {  	v37 =	vld [tilespmem:s25+$0xD40]  }
0x1a6: {  	v38 =	vld [tilespmem:s25+$0xD50]  }
0x1a7: {  	v39 =	vld [tilespmem:s25+$0xD60]  }
0x1a8: {  	v40 =	vld [tilespmem:s25+$0xD70]  }
0x1a9: {  	v41 =	vld [tilespmem:s25+$0x1100]  }
0x1aa: {  	v42 =	vld [tilespmem:s25+$0x1110]  }
0x1ab: {  	v43 =	vld [tilespmem:s25+$0x1120]  }
0x1ac: {  	v44 =	vld [tilespmem:s25+$0x1130]  }
0x1ad: {  	v45 =	vld [tilespmem:s25+$0x1140]  }
0x1ae: {  	v46 =	vld [tilespmem:s25+$0x1150]  }
.Ltmp0:
0x1af: {  	v47 =	vld [tilespmem:s25+$0x1160];
	(pc) =	sbr.rel @p0 .LBB2_2-.Ltmp0, $4  }
0x1b0: {  	v48 =	vld [tilespmem:s25+$0x1500]  }
0x1b1: {  	v50 =	vld [tilespmem:s25+$0x1510]  }
0x1b2: {  	v49 =	vld [tilespmem:s25+$0xD510]  }
0x1b3: {  	s29 =	sadd.s32 $0x1, s29;
	v51 =	vld [tilespmem:s25+$0xD530]  }
0x1b4: {  	v52 =	vld [tilespmem:s25+$0x1530]  }
0x1b5: {  	v53 =	vld [tilespmem:s25+$0x1520];
	s26 =	sadd.s32 $0x80, s26  }
0x1b6: {  	v31 =	vld [tilespmem:s26+$0xFFFFFFF0]  }
0x1b7: {  	v33 =	vld [tilespmem:s26+$0x0]  }
0x1b8: {  	v54 =	vld [tilespmem:s25+$0xD520];
	_ =	sdelay $0x1  }
0x1b9: {  	v55 =	vld [tilespmem:s25+$0xD500]  }
0x1ba: {  	v56 =	vld [tilespmem:s25+$0x1170]  }
0x1bb: {  	v58 =	vld [tilespmem:s25+$0xD160];
	v52 =	vmul.f32 v52, v31;
	v51 =	vmul.f32 v51, v33  }
0x1bc: {  	v57 =	vld [tilespmem:s25+$0xD170];
	v53 =	vmul.f32 v53, v31;
	v54 =	vmul.f32 v54, v33  }
0x1bd: {  	v59 =	vld [tilespmem:s25+$0xD150];
	v50 =	vmul.f32 v50, v31;
	v49 =	vmul.f32 v49, v33  }
0x1be: {  	v60 =	vld [tilespmem:s25+$0xD140];
	v48 =	vmul.f32 v48, v31;
	v62 =	vmul.f32 v55, v33;
	v51 =	vadd.f32 v51, v52  }
0x1bf: {  	v61 =	vld [tilespmem:s25+$0xD120];
	v63 =	vmul.f32 v56, v31;
	v47 =	vmul.f32 v47, v31;
	v53 =	vadd.f32 v54, v53  }
0x1c0: {  	v58 =	vmul.f32 v58, v33;
	v55 =	vld [tilespmem:s25+$0xC560];
	v12 =	vmul.f32 v12, v31;
	v49 =	vadd.f32 v49, v50;
	[tilespmem:s25+$0x1530] =	vst v51  }
0x1c1: {  	v56 =	vld [tilespmem:s25+$0xC550];
	v11 =	vmul.f32 v11, v33;
	v10 =	vmul.f32 v10, v31;
	v48 =	vadd.f32 v62, v48;
	[tilespmem:s25+$0x1520] =	vst v53  }
0x1c2: {  	v9 =	vmul.f32 v9, v33;
	v8 =	vmul.f32 v8, v31;
	v52 =	vld [tilespmem:s25+$0xD130];
	v47 =	vadd.f32 v58, v47;
	[tilespmem:s25+$0x1510] =	vst v49  }
0x1c3: {  	v7 =	vmul.f32 v7, v33;
	v6 =	vmul.f32 v6, v31;
	v50 =	vld [tilespmem:s25+$0xD100];
	v11 =	vadd.f32 v11, v12;
	[tilespmem:s25+$0x1500] =	vst v48  }
0x1c4: {  	v5 =	vmul.f32 v5, v33;
	v3 =	vmul.f32 v3, v31;
	v58 =	vld [tilespmem:s25+$0xCD20];
	v9 =	vadd.f32 v9, v10;
	[tilespmem:s25+$0x1160] =	vst v47  }
0x1c5: {  	v4 =	vmul.f32 v4, v33;
	v62 =	vmul.f32 v59, v33;
	v59 =	vld [tilespmem:s25+$0xCD10];
	v7 =	vadd.f32 v7, v8;
	[tilespmem:s25+$0x150] =	vst v11  }
0x1c6: {  	v57 =	vmul.f32 v57, v33;
	v54 =	vld [tilespmem:s25+$0xC570];
	v5 =	vadd.f32 v5, v6;
	[tilespmem:s25+$0x140] =	vst v9  }
0x1c7: {  	v46 =	vmul.f32 v46, v31;
	v3 =	vadd.f32 v4, v3;
	v51 =	vld [tilespmem:s25+$0xD110];
	[tilespmem:s25+$0x130] =	vst v7  }
0x1c8: {  	v45 =	vmul.f32 v45, v31;
	v49 =	vld [tilespmem:s25+$0xCD70];
	v53 =	vadd.f32 v57, v63;
	v63 =	vmul.f32 v60, v33;
	[tilespmem:s25+$0x120] =	vst v5  }
0x1c9: {  	v43 =	vmul.f32 v43, v31;
	v48 =	vld [tilespmem:s25+$0xCD60];
	v46 =	vadd.f32 v62, v46;
	v57 =	vmul.f32 v61, v33;
	[tilespmem:s25+$0x110] =	vst v3  }
0x1ca: {  	v44 =	vmul.f32 v44, v31;
	v47 =	vld [tilespmem:s25+$0xCD40];
	[tilespmem:s25+$0x1170] =	vst v53;
	v45 =	vadd.f32 v63, v45;
	v52 =	vmul.f32 v52, v33  }
0x1cb: {  	v41 =	vmul.f32 v41, v31;
	v60 =	vld [tilespmem:s25+$0xCD00];
	[tilespmem:s25+$0x1150] =	vst v46;
	v43 =	vadd.f32 v57, v43;
	v50 =	vmul.f32 v50, v33  }
0x1cc: {  	v35 =	vmul.f32 v35, v31;
	v61 =	vld [tilespmem:s25+$0xC970];
	[tilespmem:s25+$0x1140] =	vst v45;
	v45 =	vmul.f32 v58, v33;
	v44 =	vadd.f32 v52, v44  }
0x1cd: {  	v42 =	vmul.f32 v42, v31;
	v53 =	vld [tilespmem:s25+$0xCD50];
	[tilespmem:s25+$0x1120] =	vst v43;
	v51 =	vmul.f32 v51, v33;
	v41 =	vadd.f32 v50, v41  }
0x1ce: {  	v40 =	vmul.f32 v40, v31;
	v46 =	vld [tilespmem:s25+$0xCD30];
	v49 =	vmul.f32 v49, v33;
	v35 =	vadd.f32 v45, v35;
	[tilespmem:s25+$0x1130] =	vst v44  }
0x1cf: {  	v39 =	vmul.f32 v39, v31;
	v62 =	vld [tilespmem:s25+$0xC960];
	v48 =	vmul.f32 v48, v33;
	v42 =	vadd.f32 v51, v42;
	[tilespmem:s25+$0x1100] =	vst v41  }
0x1d0: {  	v37 =	vmul.f32 v37, v31;
	v57 =	vld [tilespmem:s25+$0xC540];
	v47 =	vmul.f32 v47, v33;
	v40 =	vadd.f32 v49, v40;
	[tilespmem:s25+$0xD20] =	vst v35  }
0x1d1: {  	v32 =	vmul.f32 v32, v31;
	v58 =	vld [tilespmem:s25+$0xC530];
	v43 =	vmul.f32 v60, v33;
	v39 =	vadd.f32 v48, v39;
	[tilespmem:s25+$0x1110] =	vst v42  }
0x1d2: {  	v38 =	vmul.f32 v38, v31;
	v50 =	vld [tilespmem:s25+$0xC930];
	v63 =	vmul.f32 v53, v33;
	v37 =	vadd.f32 v47, v37;
	[tilespmem:s25+$0xD70] =	vst v40  }
0x1d3: {  	v36 =	vmul.f32 v36, v31;
	v60 =	vld [tilespmem:s25+$0xC510];
	v46 =	vmul.f32 v46, v33;
	v32 =	vadd.f32 v43, v32;
	[tilespmem:s25+$0xD60] =	vst v39  }
0x1d4: {  	v34 =	vmul.f32 v34, v31;
	v52 =	vld [tilespmem:s25+$0xC910];
	v44 =	vmul.f32 v59, v33;
	v38 =	vadd.f32 v63, v38;
	[tilespmem:s25+$0xD40] =	vst v37  }
0x1d5: {  	v29 =	vmul.f32 v29, v31;
	v45 =	vld [tilespmem:s25+$0x1540];
	v41 =	vmul.f32 v62, v33;
	v36 =	vadd.f32 v46, v36;
	[tilespmem:s25+$0xD00] =	vst v32  }
0x1d6: {  	v21 =	vmul.f32 v21, v31;
	v48 =	vld [tilespmem:s25+$0xC950];
	v62 =	vmul.f32 v55, v33;
	v34 =	vadd.f32 v44, v34;
	[tilespmem:s25+$0xD50] =	vst v38  }
0x1d7: {  	v30 =	vmul.f32 v30, v31;
	v49 =	vld [tilespmem:s25+$0xC940];
	v42 =	vmul.f32 v61, v33;
	v29 =	vadd.f32 v41, v29;
	[tilespmem:s25+$0xD30] =	vst v36  }
0x1d8: {  	v16 =	vmul.f32 v16, v31;
	v51 =	vld [tilespmem:s25+$0xC920];
	v21 =	vadd.f32 v62, v21;
	v41 =	vmul.f32 v60, v33;
	[tilespmem:s25+$0xD10] =	vst v34  }
0x1d9: {  	v26 =	vmul.f32 v26, v31;
	v53 =	vld [tilespmem:s25+$0xC900];
	v30 =	vadd.f32 v42, v30;
	[tilespmem:s25+$0x960] =	vst v29;
	v38 =	vmul.f32 v50, v33  }
0x1da: {  	v24 =	vmul.f32 v24, v31;
	v59 =	vld [tilespmem:s25+$0xC520];
	v36 =	vmul.f32 v52, v33;
	[tilespmem:s25+$0x560] =	vst v21;
	v16 =	vadd.f32 v41, v16  }
0x1db: {  	v22 =	vmul.f32 v22, v31;
	v43 =	vld [tilespmem:s25+$0xD570];
	v34 =	vmul.f32 v54, v33;
	[tilespmem:s25+$0x970] =	vst v30;
	v26 =	vadd.f32 v38, v26  }
0x1dc: {  	v28 =	vmul.f32 v28, v31;
	v61 =	vld [tilespmem:s25+$0xC500];
	v40 =	vmul.f32 v48, v33;
	v24 =	vadd.f32 v36, v24;
	[tilespmem:s25+$0x510] =	vst v16  }
0x1dd: {  	v27 =	vmul.f32 v27, v31;
	v63 =	vld [tilespmem:s25+$0xC170];
	v39 =	vmul.f32 v49, v33;
	v22 =	vadd.f32 v34, v22;
	[tilespmem:s25+$0x930] =	vst v26  }
0x1de: {  	v25 =	vmul.f32 v25, v31;
	v46 =	vld [tilespmem:s25+$0x1550];
	v37 =	vmul.f32 v51, v33;
	v28 =	vadd.f32 v40, v28;
	[tilespmem:s25+$0x910] =	vst v24  }
0x1df: {  	v23 =	vmul.f32 v23, v31;
	v50 =	vld [tilespmem:s25+$0xC100];
	v35 =	vmul.f32 v53, v33;
	v27 =	vadd.f32 v39, v27;
	[tilespmem:s25+$0x570] =	vst v22  }
0x1e0: {  	v20 =	vmul.f32 v20, v31;
	v48 =	vld [tilespmem:s25+$0x1560];
	v30 =	vmul.f32 v56, v33;
	v25 =	vadd.f32 v37, v25;
	[tilespmem:s25+$0x950] =	vst v28  }
0x1e1: {  	v19 =	vmul.f32 v19, v31;
	v51 =	vld [tilespmem:s25+$0x100];
	v23 =	vadd.f32 v35, v23;
	v35 =	vmul.f32 v57, v33;
	[tilespmem:s25+$0x940] =	vst v27  }
0x1e2: {  	v18 =	vmul.f32 v18, v31;
	v34 =	vld [tilespmem:s25+$0xC160];
	v37 =	vmul.f32 v58, v33;
	v20 =	vadd.f32 v30, v20;
	[tilespmem:s25+$0x920] =	vst v25  }
0x1e3: {  	v17 =	vmul.f32 v17, v31;
	v36 =	vld [tilespmem:s25+$0xD540];
	v39 =	vmul.f32 v59, v33;
	[tilespmem:s25+$0x900] =	vst v23;
	v19 =	vadd.f32 v35, v19  }
0x1e4: {  	v15 =	vmul.f32 v15, v31;
	v38 =	vld [tilespmem:s25+$0xD550];
	v42 =	vmul.f32 v61, v33;
	v18 =	vadd.f32 v37, v18;
	[tilespmem:s25+$0x550] =	vst v20  }
0x1e5: {  	v14 =	vmul.f32 v14, v31;
	v40 =	vld [tilespmem:s25+$0xD560];
	v44 =	vmul.f32 v63, v33;
	v17 =	vadd.f32 v39, v17;
	[tilespmem:s25+$0x540] =	vst v19  }
0x1e6: {  	v49 =	vld [tilespmem:s25+$0x1570];
	v15 =	vadd.f32 v42, v15;
	v10 =	vmul.f32 v50, v33;
	v61 =	vmul.f32 v51, v31;
	[tilespmem:s25+$0x530] =	vst v18  }
0x1e7: {  	v13 =	vmul.f32 v13, v31;
	v14 =	vadd.f32 v44, v14;
	[tilespmem:s25+$0x520] =	vst v17;
	v47 =	vmul.f32 v34, v33  }
0x1e8: {  	v52 =	vmul.f32 v45, v31;
	[tilespmem:s25+$0x500] =	vst v15;
	v53 =	vmul.f32 v36, v33;
	v63 =	vadd.f32 v10, v61  }
0x1e9: {  	v54 =	vmul.f32 v46, v31;
	[tilespmem:s25+$0x170] =	vst v14;
	v55 =	vmul.f32 v38, v33;
	v13 =	vadd.f32 v47, v13  }
0x1ea: {  	v56 =	vmul.f32 v48, v31;
	v58 =	vmul.f32 v40, v33;
	v57 =	vadd.f32 v53, v52;
	[tilespmem:s25+$0x100] =	vst v63  }
0x1eb: {  	v60 =	vmul.f32 v43, v33;
	v59 =	vmul.f32 v49, v31;
	v3 =	vadd.f32 v55, v54;
	[tilespmem:s25+$0x160] =	vst v13  }
0x1ec: {  	v62 =	vadd.f32 v58, v56;
	[tilespmem:s25+$0x1540] =	vst v57  }
0x1ed: {  	s24 =	sadd.s32 $0x1, s24;
	[tilespmem:s25+$0x1550] =	vst v3;
	v3 =	vadd.f32 v60, v59  }
0x1ee: {  	p0 =	sne.s32 s24, s10;
	[tilespmem:s25+$0x1560] =	vst v62  }
.Ltmp1:
0x1ef: {  	[tilespmem:s25+$0x1570] =	vst v3;
	(pc) =	sbr.rel @p0 .LBB2_1-.Ltmp1, $4  }
0x1f0: {  	[hbm4b:s9+s2] =	stream.linear.scatter [tilespmem:s13], [sflag:$0x3], $0xC000, $0x38;
	[tilespmem:$0x1A100] =	vst v63  }
0x1f1: {  	_ =	swait.ge [sflag:s11], $0xC000  }
0x1f2: {  	[sflag:s11] =	ssyncset.done $0x0  }
0x1f3: {  	[sflag:s11] =	ssyncadd.s32 $0xFFFF4000  }
0x1f4: {  	_ =	sfence.sel $0x180000  }
0x1f5: {  	[bflag:$0x0] =	sbarrier.arrive $0xFFFF  }
0x1f6: {  	_ =	strace $0x9000004A  }
0x1f7: {  	s0 =	stileid.u32;
	[bflag:$0x2] =	sbarrier.arrive $0xFFFF  }
0x1f8: {  	p0 =	sne.s32 s0, $0x0;
	s0 =	rddreg [dreg:$0x2]  }
0x1f9: {  	s0 =	sadd.s32 @!p0 $0x100000, s0  }
0x1fa: {  	[sflag:s0] =	ssyncadd.tile.s32 @!p0 $0x1;
	_ =	shalt  }
.Lfunc_end2:
_tile_overlayer_lowered:
.L_overlay_start_2:
0x1fb: {  	(tag) =	ssettag $0x2  }
0x1fc: {  	s0 =	rddreg [dreg:$0x0];
	s2 =	stileid.u32  }
0x1fd: {  	s1 =	rddreg [dreg:$0x1];
	p0 =	sne.s32 s2, $0x0  }
0x1fe: {  	s3 =	rddreg [dreg:$0x2];
	[bflag:$0x3] =	sbarrier.arrive $0xFFFF;
	s2 =	simm.s32 @!p0 $0x1C03  }
0x1ff: {  	[timem:s3], [sflag:s2] =	dma.local @!p0 [hbm:s0], s1  }
0x200: {  	s0 =	simm.s32 @!p0 $0x3  }
0x201: {  	_ =	swait.ge @!p0 [sflag:s0], s1  }
0x202: {  	s1 =	ssub.s32 @!p0 $0x0, s1;
	[sflag:s0] =	ssyncset.done @!p0 $0x0  }
0x203: {  	[sflag:s0] =	ssyncadd.s32 @!p0 s1  }
0x204: {  	[bflag:$0x3] =	sbarrier.arrive $0xFFFF  }
0x205: {  	_ =	shalt  }

</sc_bundles>
